<compile_context>
chip_gen: v7x
topology: tpu7x:2x2x1
jax: 0.10.2.dev20260603
libtpu: 0.0.44.dev20260713+nightly
codegen_flags: <defaults>
</compile_context>

<pallas_src>
import dataclasses
import functools

import jax
import jax.numpy as jnp
from jax import lax
from jax.experimental import pallas as pl
from jax.experimental.pallas import tpu as pltpu
from jax.experimental.pallas import tpu_sc as plsc

N = 10000
D = 128
H = 128
NUM_GRAPHS = 64

NC = 2
NS = 16
NW = NC * NS
CHUNK = 128
NBUF = 2
GRP = 8
CPT = 80
NGRP = CPT // GRP
CPTD = CPT
TOTC = NW * CPT
ACC = 10112
RPS = ACC // NS
ZOFF = (0, 128, 256, 384, 504)

_mesh = lambda: plsc.VectorSubcoreMesh(core_axis_name="c", subcore_axis_name="s")


def _no_layout_cp():
    cp = pltpu.CompilerParams()
    if "needs_layout_passes" in pltpu.CompilerParams.__dataclass_fields__:
        cp = dataclasses.replace(cp, needs_layout_passes=False)
    return cp



def _fill(ref, value):
    vec = jnp.full((16,), value, jnp.float32)

    @pl.loop(0, CHUNK)
    def _(r):
        for j in range(H // 16):
            ref[r, pl.ds(j * 16, 16)] = vec


def _zero_shared(zbuf, shared, s):
    for off in ZOFF:
        pltpu.sync_copy(zbuf, shared.at[pl.ds(s * RPS + off, CHUNK)])


def _sc_degree(dst_f):

    @functools.partial(
        pl.kernel,
        out_type=jax.ShapeDtypeStruct((NW, ACC), jnp.float32),
        mesh=_mesh(),
        compiler_params=_no_layout_cp(),
        scratch_types=[
            pltpu.VMEM((CPTD, CHUNK), jnp.int32),
            pltpu.VMEM((ACC,), jnp.float32),
        ],
    )
    def k(dst_hbm, out_hbm, dst_v, hist):
        c = lax.axis_index("c")
        s = lax.axis_index("s")
        w = c * NS + s
        pltpu.sync_copy(dst_hbm.at[pl.ds(w * CPTD, CPTD)], dst_v)
        zeros = jnp.zeros((16,), jnp.float32)

        @pl.loop(0, ACC, step=16)
        def _(i):
            hist[pl.ds(i, 16)] = zeros

        ones = jnp.ones((16,), jnp.float32)

        @pl.loop(0, CPTD)
        def _(i):
            for j in range(CHUNK // 16):
                idx = dst_v[i, pl.ds(j * 16, 16)]
                plsc.addupdate_scatter(hist, [idx], ones)

        pltpu.sync_copy(hist, out_hbm.at[w])

    return k(dst_f)


def _sc_aggregate(y, src_f, dst_f):

    @functools.partial(
        pl.kernel,
        out_type=jax.ShapeDtypeStruct((NC, ACC, H), jnp.float32),
        mesh=_mesh(),
        scratch_types=[
            pltpu.VMEM((CPT, CHUNK), jnp.int32),
            pltpu.VMEM((GRP, CHUNK), jnp.int32),
        ]
        + [pltpu.VMEM((CHUNK, H), jnp.float32) for _ in range(NBUF)]
        + [pltpu.SemaphoreType.DMA for _ in range(NBUF)]
        + [pltpu.VMEM_SHARED((ACC, H), jnp.float32)],
    )
    def k(y_hbm, src_hbm, dst_hbm, out_hbm, src_v, dst_g, *rest):
        rows = rest[:NBUF]
        gsem = rest[NBUF:2 * NBUF]
        shared = rest[2 * NBUF]
        c = lax.axis_index("c")
        s = lax.axis_index("s")
        w = c * NS + s
        base = w * CPT

        def start_g(b, i):
            pltpu.async_copy(y_hbm.at[src_v.at[i]], rows[b], gsem[b])

        def wait_g(b, i):
            pltpu.make_async_copy(
                y_hbm.at[src_v.at[i]], rows[b], gsem[b]).wait()

        pltpu.sync_copy(src_hbm.at[pl.ds(base, CPT)], src_v)
        _fill(rows[0], 0.0)
        _zero_shared(rows[0], shared, s)
        for b in range(NBUF):
            start_g(b, b)
        plsc.subcore_barrier()

        @pl.loop(0, NGRP)
        def _(g):
            pltpu.sync_copy(
                dst_hbm.at[pl.ds(pl.multiple_of(base + g * GRP, GRP), GRP)],
                dst_g)

            @pl.loop(0, GRP, step=NBUF)
            def _(j):
                i = g * GRP + j
                for b in range(NBUF):
                    wait_g(b, i + b)
                    pltpu.sync_copy(rows[b], shared.at[dst_g.at[j + b]],
                                    add=True)

                    @pl.when(i + b + NBUF < CPT)
                    def _():
                        start_g(b, i + b + NBUF)

        plsc.subcore_barrier()
        pltpu.sync_copy(shared.at[pl.ds(s * RPS, RPS)],
                        out_hbm.at[c, pl.ds(s * RPS, RPS)])

    return k(y, src_f, dst_f)



def _tc_dis_y1(degp, x, W1):

    def body(deg_ref, x_ref, w_ref, dis_ref, y_ref):
        d = jnp.sum(deg_ref[...], axis=0)[:N, None]
        dis = lax.rsqrt(d + 1.0)
        dis_ref[...] = dis
        y_ref[...] = jnp.dot(x_ref[...], w_ref[...],
                             preferred_element_type=jnp.float32) * dis

    return pl.pallas_call(
        body,
        out_shape=(jax.ShapeDtypeStruct((N, 1), jnp.float32),
                   jax.ShapeDtypeStruct((N, H), jnp.float32)),
    )(degp, x, W1)


def _tc_layer(acc, y, dis, b, W_next):

    def body(acc_ref, y_ref, dis_ref, b_ref, w_ref, out_ref):
        dis = dis_ref[...]
        h = jnp.maximum((acc_ref[0, :N] + acc_ref[1, :N] + y_ref[...]) * dis
                        + b_ref[...], 0.0)
        out_ref[...] = jnp.dot(h, w_ref[...],
                               preferred_element_type=jnp.float32) * dis

    return pl.pallas_call(
        body,
        out_shape=jax.ShapeDtypeStruct((N, H), jnp.float32),
    )(acc, y, dis, b, W_next)


def _tc_final(acc, y, dis, b, batch2d, lin_W, lin_b2d):

    def body(acc_ref, y_ref, dis_ref, b_ref, batch_ref, lw_ref, lb_ref, out_ref):
        dis = dis_ref[...]
        h = jnp.maximum((acc_ref[0, :N] + acc_ref[1, :N] + y_ref[...]) * dis
                        + b_ref[...], 0.0)
        g = lax.broadcasted_iota(jnp.int32, (1, NUM_GRAPHS), 1)
        m = (batch_ref[...] == g).astype(jnp.float32)
        sums = lax.dot_general(m, h, (((0,), (0,)), ((), ())),
                               preferred_element_type=jnp.float32)
        cnts = jnp.sum(m, axis=0)[:, None]
        pooled = sums / jnp.maximum(cnts, 1.0)
        out_ref[...] = jnp.dot(pooled, lw_ref[...],
                               preferred_element_type=jnp.float32) + lb_ref[...]

    return pl.pallas_call(
        body,
        out_shape=jax.ShapeDtypeStruct((NUM_GRAPHS, 1), jnp.float32),
    )(acc, y, dis, b, batch2d, lin_W, lin_b2d)



def kernel(x, edge_index, batch, W1, b1, W2, b2, W3, b3, lin_W, lin_b):
    E = edge_index.shape[1]
    rows_tot = TOTC

    src = edge_index[0].astype(jnp.int32)
    dst = edge_index[1].astype(jnp.int32)
    npad = rows_tot * CHUNK - E
    pad_src = (jnp.arange(npad, dtype=jnp.int32) * 37) % N
    pad_dst = N + (jnp.arange(npad, dtype=jnp.int32) % (ACC - N - 8))
    src_f = jnp.concatenate([src, pad_src]).reshape(rows_tot, CHUNK)
    dst_f = jnp.concatenate([dst, pad_dst]).reshape(rows_tot, CHUNK)

    batch2d = batch.astype(jnp.int32).reshape(N, 1)
    lin_b2d = lin_b.reshape(1, 1)

    degp = _sc_degree(dst_f)
    dis, y1 = _tc_dis_y1(degp, x, W1)

    acc1 = _sc_aggregate(y1, src_f, dst_f)
    y2 = _tc_layer(acc1, y1, dis, b1, W2)
    acc2 = _sc_aggregate(y2, src_f, dst_f)
    y3 = _tc_layer(acc2, y2, dis, b2, W3)
    acc3 = _sc_aggregate(y3, src_f, dst_f)
    return _tc_final(acc3, y3, dis, b3, batch2d, lin_W, lin_b2d)

# --- scband reference (transcript-rebuilt; emitter-appended) ---
"""Pipeline reference for scband-gcn-1726576853644 (READ-ONLY COPY).

The authoritative reference and input builder live on the scoring server;
editing this copy changes nothing except your own understanding.
"""

import jax, jax.numpy as jnp
import numpy as np

N = 10000
E = 320000
D = 128
H = 128
NUM_GRAPHS = 64


def setup_inputs(seed: int = 0) -> dict:
    key = jax.random.key(seed)
    ks = jax.random.split(key, 12)
    x = jax.random.normal(ks[0], (N, D), dtype=jnp.float32)
    edge_index = jax.random.randint(ks[1], (2, E), 0, N)
    batch = jnp.sort(jax.random.randint(ks[2], (N,), 0, NUM_GRAPHS))
    W1 = jax.random.normal(ks[3], (D, H), dtype=jnp.float32) * (1.0 / np.sqrt(D))
    b1 = jnp.zeros((H,), dtype=jnp.float32)
    W2 = jax.random.normal(ks[4], (H, H), dtype=jnp.float32) * (1.0 / np.sqrt(H))
    b2 = jnp.zeros((H,), dtype=jnp.float32)
    W3 = jax.random.normal(ks[5], (H, H), dtype=jnp.float32) * (1.0 / np.sqrt(H))
    b3 = jnp.zeros((H,), dtype=jnp.float32)
    lin_W = jax.random.normal(ks[6], (H, 1), dtype=jnp.float32) * (1.0 / np.sqrt(H))
    lin_b = jnp.zeros((1,), dtype=jnp.float32)
    return {"x": x, "edge_index": edge_index, "batch": batch,
            "W1": W1, "b1": b1, "W2": W2, "b2": b2, "W3": W3, "b3": b3,
            "lin_W": lin_W, "lin_b": lin_b}


def _gcn_conv(x, edge_index, W, b):
    # PyG GCNConv: add self-loops, symmetric deg^{-1/2} normalization, linear transform
    src = edge_index[0]
    dst = edge_index[1]
    loop = jnp.arange(N, dtype=src.dtype)
    s = jnp.concatenate([src, loop])
    d = jnp.concatenate([dst, loop])
    deg = jnp.zeros((N,), dtype=x.dtype).at[d].add(1.0)
    dis = jnp.where(deg > 0, jax.lax.rsqrt(jnp.maximum(deg, 1e-12)), 0.0)
    norm = dis[s] * dis[d]
    xw = x @ W
    msg = xw[s] * norm[:, None]
    out = jnp.zeros((N, W.shape[1]), dtype=x.dtype).at[d].add(msg)
    return out + b


def reference(x, edge_index, batch, W1, b1, W2, b2, W3, b3, lin_W, lin_b):
    h = jax.nn.relu(_gcn_conv(x, edge_index, W1, b1))
    h = jax.nn.relu(_gcn_conv(h, edge_index, W2, b2))
    h = jax.nn.relu(_gcn_conv(h, edge_index, W3, b3))
    sums = jax.ops.segment_sum(h, batch, num_segments=NUM_GRAPHS)
    cnts = jax.ops.segment_sum(jnp.ones((N, 1), dtype=h.dtype), batch, num_segments=NUM_GRAPHS)
    pooled = sums / jnp.maximum(cnts, 1.0)
    return pooled @ lin_W + lin_b

if __name__ == "__main__":
    import jax
    _d = setup_inputs()
    print(jax.jit(kernel)(*tuple(_d.values())))

</pallas_src>

<mosaic_0001>
#map = affine_map<(d0, d1) -> (0, 0)>
#map1 = affine_map<(d0, d1) -> (0, 0, 0)>
module attributes {stable_mosaic.version = 14 : i64} {
  func.func @k(%arg0: i32, %arg1: i32, %arg2: memref<10000x128xf32, #tpu.memory_space<hbm>>, %arg3: memref<2560x128xi32, #tpu.memory_space<hbm>>, %arg4: memref<2560x128xi32, #tpu.memory_space<hbm>>, %arg5: memref<2x10112x128xf32, #tpu.memory_space<hbm>>, %arg6: memref<80x128xi32, #tpu.memory_space<vmem>>, %arg7: memref<8x128xi32, #tpu.memory_space<vmem>>, %arg8: memref<128x128xf32, #tpu.memory_space<vmem>>, %arg9: memref<128x128xf32, #tpu.memory_space<vmem>>, %arg10: memref<!tpu.dma_semaphore, #tpu.memory_space<semaphore_mem>>, %arg11: memref<!tpu.dma_semaphore, #tpu.memory_space<semaphore_mem>>, %arg12: memref<10112x128xf32, #tpu.memory_space<vmem_shared>>) attributes {dimension_semantics = [#tpu.dimension_semantics<core_parallel>, #tpu.dimension_semantics<subcore_parallel>], iteration_bounds = array<i64: 2, 16>, scalar_prefetch = 0 : i64, scratch_operands = 7 : i64, tpu.core_type = #tpu.core_type<sc_vector_subcore>, window_params = [{transform_indices = #map}, {transform_indices = #map}, {transform_indices = #map}, {transform_indices = #map1}]} {
    %mul3A = arith.constant 16 : i32
    %mul3A_0 = arith.muli %arg0, %mul3A : i32
    %add3A = arith.addi %mul3A_0, %arg1 : i32
    %mul3A_1 = arith.constant 80 : i32
    %mul3A_2 = arith.muli %add3A, %mul3A_1 : i32
    "tpu.region"() ({
      %run_scoped3A = tpu.sem_alloc : memref<!tpu.dma_semaphore, #tpu.memory_space<semaphore_mem>>
      %dma_start3A_51 = arith.constant 0 : i32
      %dma_start3A_52 = tpu.memref_slice %arg3[%mul3A_2, %dma_start3A_51] : memref<2560x128xi32, #tpu.memory_space<hbm>> -> memref<80x128xi32, #tpu.memory_space<hbm>>
      %dma_start3A_53 = arith.constant 0 : i32
      %dma_start3A_54 = tpu.memref_slice %arg3[%mul3A_2, %dma_start3A_53] : memref<2560x128xi32, #tpu.memory_space<hbm>> -> memref<80x128xi32, #tpu.memory_space<hbm>>
      tpu.enqueue_dma source(%dma_start3A_54 : memref<80x128xi32, #tpu.memory_space<hbm>>) target(%arg6 : memref<80x128xi32, #tpu.memory_space<vmem>>) target_semaphore(%run_scoped3A : memref<!tpu.dma_semaphore, #tpu.memory_space<semaphore_mem>>)
      %dma_wait3A = arith.constant 0 : i32
      %dma_wait3A_55 = tpu.memref_slice %arg3[%mul3A_2, %dma_wait3A] : memref<2560x128xi32, #tpu.memory_space<hbm>> -> memref<80x128xi32, #tpu.memory_space<hbm>>
      %dma_wait3A_56 = arith.constant 0 : i32
      %dma_wait3A_57 = tpu.memref_slice %arg3[%mul3A_2, %dma_wait3A_56] : memref<2560x128xi32, #tpu.memory_space<hbm>> -> memref<80x128xi32, #tpu.memory_space<hbm>>
      tpu.wait_dma2 semaphore(%run_scoped3A : memref<!tpu.dma_semaphore, #tpu.memory_space<semaphore_mem>>) src(%dma_wait3A_57 : memref<80x128xi32, #tpu.memory_space<hbm>>) dst(%arg6 : memref<80x128xi32, #tpu.memory_space<vmem>>)
      tpu.yield
    }) : () -> ()
    %broadcast_in_dim3A = arith.constant 0.000000e+00 : f32
    %broadcast_in_dim3A_3 = vector.broadcast %broadcast_in_dim3A : f32 to vector<16xf32>
    %scan3A = arith.constant 0 : i32
    %scan3A_4 = arith.constant 128 : i32
    %scan3A_5 = arith.addi %scan3A, %scan3A_4 : i32
    %scan3A_6 = arith.constant 1 : i32
    scf.for %scan3A_51 = %scan3A to %scan3A_5 step %scan3A_6  : i32 {
      %mul3A_52 = arith.constant 1 : i32
      %mul3A_53 = arith.muli %scan3A_51, %mul3A_52 : i32
      %add3A_54 = arith.constant 0 : i32
      %add3A_55 = arith.addi %add3A_54, %mul3A_53 : i32
      %swap3A = arith.index_cast %add3A_55 : i32 to index
      %swap3A_56 = arith.constant 0 : index
      %swap3A_57 = tpu.vector_load %arg8[%swap3A, %swap3A_56] {strides = array<i32>} : memref<128x128xf32, #tpu.memory_space<vmem>>, vector<1x16xf32>,
      %swap3A_58 = vector.shape_cast %swap3A_57 : vector<1x16xf32> to vector<16xf32>
      %swap3A_59 = vector.shape_cast %broadcast_in_dim3A_3 : vector<16xf32> to vector<1x16xf32>
      tpu.vector_store %arg8[%swap3A, %swap3A_56], %swap3A_59 {strides = array<i32>} : memref<128x128xf32, #tpu.memory_space<vmem>>, vector<1x16xf32>,
      %swap3A_60 = arith.index_cast %add3A_55 : i32 to index
      %swap3A_61 = arith.constant 16 : index
      %swap3A_62 = tpu.vector_load %arg8[%swap3A_60, %swap3A_61] {strides = array<i32>} : memref<128x128xf32, #tpu.memory_space<vmem>>, vector<1x16xf32>,
      %swap3A_63 = vector.shape_cast %swap3A_62 : vector<1x16xf32> to vector<16xf32>
      %swap3A_64 = vector.shape_cast %broadcast_in_dim3A_3 : vector<16xf32> to vector<1x16xf32>
      tpu.vector_store %arg8[%swap3A_60, %swap3A_61], %swap3A_64 {strides = array<i32>} : memref<128x128xf32, #tpu.memory_space<vmem>>, vector<1x16xf32>,
      %swap3A_65 = arith.index_cast %add3A_55 : i32 to index
      %swap3A_66 = arith.constant 32 : index
      %swap3A_67 = tpu.vector_load %arg8[%swap3A_65, %swap3A_66] {strides = array<i32>} : memref<128x128xf32, #tpu.memory_space<vmem>>, vector<1x16xf32>,
      %swap3A_68 = vector.shape_cast %swap3A_67 : vector<1x16xf32> to vector<16xf32>
      %swap3A_69 = vector.shape_cast %broadcast_in_dim3A_3 : vector<16xf32> to vector<1x16xf32>
      tpu.vector_store %arg8[%swap3A_65, %swap3A_66], %swap3A_69 {strides = array<i32>} : memref<128x128xf32, #tpu.memory_space<vmem>>, vector<1x16xf32>,
      %swap3A_70 = arith.index_cast %add3A_55 : i32 to index
      %swap3A_71 = arith.constant 48 : index
      %swap3A_72 = tpu.vector_load %arg8[%swap3A_70, %swap3A_71] {strides = array<i32>} : memref<128x128xf32, #tpu.memory_space<vmem>>, vector<1x16xf32>,
      %swap3A_73 = vector.shape_cast %swap3A_72 : vector<1x16xf32> to vector<16xf32>
      %swap3A_74 = vector.shape_cast %broadcast_in_dim3A_3 : vector<16xf32> to vector<1x16xf32>
      tpu.vector_store %arg8[%swap3A_70, %swap3A_71], %swap3A_74 {strides = array<i32>} : memref<128x128xf32, #tpu.memory_space<vmem>>, vector<1x16xf32>,
      %swap3A_75 = arith.index_cast %add3A_55 : i32 to index
      %swap3A_76 = arith.constant 64 : index
      %swap3A_77 = tpu.vector_load %arg8[%swap3A_75, %swap3A_76] {strides = array<i32>} : memref<128x128xf32, #tpu.memory_space<vmem>>, vector<1x16xf32>,
      %swap3A_78 = vector.shape_cast %swap3A_77 : vector<1x16xf32> to vector<16xf32>
      %swap3A_79 = vector.shape_cast %broadcast_in_dim3A_3 : vector<16xf32> to vector<1x16xf32>
      tpu.vector_store %arg8[%swap3A_75, %swap3A_76], %swap3A_79 {strides = array<i32>} : memref<128x128xf32, #tpu.memory_space<vmem>>, vector<1x16xf32>,
      %swap3A_80 = arith.index_cast %add3A_55 : i32 to index
      %swap3A_81 = arith.constant 80 : index
      %swap3A_82 = tpu.vector_load %arg8[%swap3A_80, %swap3A_81] {strides = array<i32>} : memref<128x128xf32, #tpu.memory_space<vmem>>, vector<1x16xf32>,
      %swap3A_83 = vector.shape_cast %swap3A_82 : vector<1x16xf32> to vector<16xf32>
      %swap3A_84 = vector.shape_cast %broadcast_in_dim3A_3 : vector<16xf32> to vector<1x16xf32>
      tpu.vector_store %arg8[%swap3A_80, %swap3A_81], %swap3A_84 {strides = array<i32>} : memref<128x128xf32, #tpu.memory_space<vmem>>, vector<1x16xf32>,
      %swap3A_85 = arith.index_cast %add3A_55 : i32 to index
      %swap3A_86 = arith.constant 96 : index
      %swap3A_87 = tpu.vector_load %arg8[%swap3A_85, %swap3A_86] {strides = array<i32>} : memref<128x128xf32, #tpu.memory_space<vmem>>, vector<1x16xf32>,
      %swap3A_88 = vector.shape_cast %swap3A_87 : vector<1x16xf32> to vector<16xf32>
      %swap3A_89 = vector.shape_cast %broadcast_in_dim3A_3 : vector<16xf32> to vector<1x16xf32>
      tpu.vector_store %arg8[%swap3A_85, %swap3A_86], %swap3A_89 {strides = array<i32>} : memref<128x128xf32, #tpu.memory_space<vmem>>, vector<1x16xf32>,
      %swap3A_90 = arith.index_cast %add3A_55 : i32 to index
      %swap3A_91 = arith.constant 112 : index
      %swap3A_92 = tpu.vector_load %arg8[%swap3A_90, %swap3A_91] {strides = array<i32>} : memref<128x128xf32, #tpu.memory_space<vmem>>, vector<1x16xf32>,
      %swap3A_93 = vector.shape_cast %swap3A_92 : vector<1x16xf32> to vector<16xf32>
      %swap3A_94 = vector.shape_cast %broadcast_in_dim3A_3 : vector<16xf32> to vector<1x16xf32>
      tpu.vector_store %arg8[%swap3A_90, %swap3A_91], %swap3A_94 {strides = array<i32>} : memref<128x128xf32, #tpu.memory_space<vmem>>, vector<1x16xf32>,
    }
    %scan3A_7 = arith.constant 128 : i32
    %mul3A_8 = arith.constant 632 : i32
    %mul3A_9 = arith.muli %arg1, %mul3A_8 : i32
    %add3A_10 = arith.constant 0 : i32
    %add3A_11 = arith.addi %mul3A_9, %add3A_10 : i32
    "tpu.region"() ({
      %run_scoped3A = tpu.sem_alloc : memref<!tpu.dma_semaphore, #tpu.memory_space<semaphore_mem>>
      %dma_start3A_51 = arith.constant 0 : i32
      %dma_start3A_52 = tpu.memref_slice %arg12[%add3A_11, %dma_start3A_51] : memref<10112x128xf32, #tpu.memory_space<vmem_shared>> -> memref<128x128xf32, #tpu.memory_space<vmem_shared>>
      %dma_start3A_53 = arith.constant 0 : i32
      %dma_start3A_54 = tpu.memref_slice %arg12[%add3A_11, %dma_start3A_53] : memref<10112x128xf32, #tpu.memory_space<vmem_shared>> -> memref<128x128xf32, #tpu.memory_space<vmem_shared>>
      tpu.enqueue_dma source(%arg8 : memref<128x128xf32, #tpu.memory_space<vmem>>) target(%dma_start3A_54 : memref<128x128xf32, #tpu.memory_space<vmem_shared>>) target_semaphore(%run_scoped3A : memref<!tpu.dma_semaphore, #tpu.memory_space<semaphore_mem>>)
      %dma_wait3A = arith.constant 0 : i32
      %dma_wait3A_55 = tpu.memref_slice %arg12[%add3A_11, %dma_wait3A] : memref<10112x128xf32, #tpu.memory_space<vmem_shared>> -> memref<128x128xf32, #tpu.memory_space<vmem_shared>>
      %dma_wait3A_56 = arith.constant 0 : i32
      %dma_wait3A_57 = tpu.memref_slice %arg12[%add3A_11, %dma_wait3A_56] : memref<10112x128xf32, #tpu.memory_space<vmem_shared>> -> memref<128x128xf32, #tpu.memory_space<vmem_shared>>
      tpu.wait_dma2 semaphore(%run_scoped3A : memref<!tpu.dma_semaphore, #tpu.memory_space<semaphore_mem>>) src(%arg8 : memref<128x128xf32, #tpu.memory_space<vmem>>) dst(%dma_wait3A_57 : memref<128x128xf32, #tpu.memory_space<vmem_shared>>)
      tpu.yield
    }) : () -> ()
    %mul3A_12 = arith.constant 632 : i32
    %mul3A_13 = arith.muli %arg1, %mul3A_12 : i32
    %add3A_14 = arith.constant 128 : i32
    %add3A_15 = arith.addi %mul3A_13, %add3A_14 : i32
    "tpu.region"() ({
      %run_scoped3A = tpu.sem_alloc : memref<!tpu.dma_semaphore, #tpu.memory_space<semaphore_mem>>
      %dma_start3A_51 = arith.constant 0 : i32
      %dma_start3A_52 = tpu.memref_slice %arg12[%add3A_15, %dma_start3A_51] : memref<10112x128xf32, #tpu.memory_space<vmem_shared>> -> memref<128x128xf32, #tpu.memory_space<vmem_shared>>
      %dma_start3A_53 = arith.constant 0 : i32
      %dma_start3A_54 = tpu.memref_slice %arg12[%add3A_15, %dma_start3A_53] : memref<10112x128xf32, #tpu.memory_space<vmem_shared>> -> memref<128x128xf32, #tpu.memory_space<vmem_shared>>
      tpu.enqueue_dma source(%arg8 : memref<128x128xf32, #tpu.memory_space<vmem>>) target(%dma_start3A_54 : memref<128x128xf32, #tpu.memory_space<vmem_shared>>) target_semaphore(%run_scoped3A : memref<!tpu.dma_semaphore, #tpu.memory_space<semaphore_mem>>)
      %dma_wait3A = arith.constant 0 : i32
      %dma_wait3A_55 = tpu.memref_slice %arg12[%add3A_15, %dma_wait3A] : memref<10112x128xf32, #tpu.memory_space<vmem_shared>> -> memref<128x128xf32, #tpu.memory_space<vmem_shared>>
      %dma_wait3A_56 = arith.constant 0 : i32
      %dma_wait3A_57 = tpu.memref_slice %arg12[%add3A_15, %dma_wait3A_56] : memref<10112x128xf32, #tpu.memory_space<vmem_shared>> -> memref<128x128xf32, #tpu.memory_space<vmem_shared>>
      tpu.wait_dma2 semaphore(%run_scoped3A : memref<!tpu.dma_semaphore, #tpu.memory_space<semaphore_mem>>) src(%arg8 : memref<128x128xf32, #tpu.memory_space<vmem>>) dst(%dma_wait3A_57 : memref<128x128xf32, #tpu.memory_space<vmem_shared>>)
      tpu.yield
    }) : () -> ()
    %mul3A_16 = arith.constant 632 : i32
    %mul3A_17 = arith.muli %arg1, %mul3A_16 : i32
    %add3A_18 = arith.constant 256 : i32
    %add3A_19 = arith.addi %mul3A_17, %add3A_18 : i32
    "tpu.region"() ({
      %run_scoped3A = tpu.sem_alloc : memref<!tpu.dma_semaphore, #tpu.memory_space<semaphore_mem>>
      %dma_start3A_51 = arith.constant 0 : i32
      %dma_start3A_52 = tpu.memref_slice %arg12[%add3A_19, %dma_start3A_51] : memref<10112x128xf32, #tpu.memory_space<vmem_shared>> -> memref<128x128xf32, #tpu.memory_space<vmem_shared>>
      %dma_start3A_53 = arith.constant 0 : i32
      %dma_start3A_54 = tpu.memref_slice %arg12[%add3A_19, %dma_start3A_53] : memref<10112x128xf32, #tpu.memory_space<vmem_shared>> -> memref<128x128xf32, #tpu.memory_space<vmem_shared>>
      tpu.enqueue_dma source(%arg8 : memref<128x128xf32, #tpu.memory_space<vmem>>) target(%dma_start3A_54 : memref<128x128xf32, #tpu.memory_space<vmem_shared>>) target_semaphore(%run_scoped3A : memref<!tpu.dma_semaphore, #tpu.memory_space<semaphore_mem>>)
      %dma_wait3A = arith.constant 0 : i32
      %dma_wait3A_55 = tpu.memref_slice %arg12[%add3A_19, %dma_wait3A] : memref<10112x128xf32, #tpu.memory_space<vmem_shared>> -> memref<128x128xf32, #tpu.memory_space<vmem_shared>>
      %dma_wait3A_56 = arith.constant 0 : i32
      %dma_wait3A_57 = tpu.memref_slice %arg12[%add3A_19, %dma_wait3A_56] : memref<10112x128xf32, #tpu.memory_space<vmem_shared>> -> memref<128x128xf32, #tpu.memory_space<vmem_shared>>
      tpu.wait_dma2 semaphore(%run_scoped3A : memref<!tpu.dma_semaphore, #tpu.memory_space<semaphore_mem>>) src(%arg8 : memref<128x128xf32, #tpu.memory_space<vmem>>) dst(%dma_wait3A_57 : memref<128x128xf32, #tpu.memory_space<vmem_shared>>)
      tpu.yield
    }) : () -> ()
    %mul3A_20 = arith.constant 632 : i32
    %mul3A_21 = arith.muli %arg1, %mul3A_20 : i32
    %add3A_22 = arith.constant 384 : i32
    %add3A_23 = arith.addi %mul3A_21, %add3A_22 : i32
    "tpu.region"() ({
      %run_scoped3A = tpu.sem_alloc : memref<!tpu.dma_semaphore, #tpu.memory_space<semaphore_mem>>
      %dma_start3A_51 = arith.constant 0 : i32
      %dma_start3A_52 = tpu.memref_slice %arg12[%add3A_23, %dma_start3A_51] : memref<10112x128xf32, #tpu.memory_space<vmem_shared>> -> memref<128x128xf32, #tpu.memory_space<vmem_shared>>
      %dma_start3A_53 = arith.constant 0 : i32
      %dma_start3A_54 = tpu.memref_slice %arg12[%add3A_23, %dma_start3A_53] : memref<10112x128xf32, #tpu.memory_space<vmem_shared>> -> memref<128x128xf32, #tpu.memory_space<vmem_shared>>
      tpu.enqueue_dma source(%arg8 : memref<128x128xf32, #tpu.memory_space<vmem>>) target(%dma_start3A_54 : memref<128x128xf32, #tpu.memory_space<vmem_shared>>) target_semaphore(%run_scoped3A : memref<!tpu.dma_semaphore, #tpu.memory_space<semaphore_mem>>)
      %dma_wait3A = arith.constant 0 : i32
      %dma_wait3A_55 = tpu.memref_slice %arg12[%add3A_23, %dma_wait3A] : memref<10112x128xf32, #tpu.memory_space<vmem_shared>> -> memref<128x128xf32, #tpu.memory_space<vmem_shared>>
      %dma_wait3A_56 = arith.constant 0 : i32
      %dma_wait3A_57 = tpu.memref_slice %arg12[%add3A_23, %dma_wait3A_56] : memref<10112x128xf32, #tpu.memory_space<vmem_shared>> -> memref<128x128xf32, #tpu.memory_space<vmem_shared>>
      tpu.wait_dma2 semaphore(%run_scoped3A : memref<!tpu.dma_semaphore, #tpu.memory_space<semaphore_mem>>) src(%arg8 : memref<128x128xf32, #tpu.memory_space<vmem>>) dst(%dma_wait3A_57 : memref<128x128xf32, #tpu.memory_space<vmem_shared>>)
      tpu.yield
    }) : () -> ()
    %mul3A_24 = arith.constant 632 : i32
    %mul3A_25 = arith.muli %arg1, %mul3A_24 : i32
    %add3A_26 = arith.constant 504 : i32
    %add3A_27 = arith.addi %mul3A_25, %add3A_26 : i32
    "tpu.region"() ({
      %run_scoped3A = tpu.sem_alloc : memref<!tpu.dma_semaphore, #tpu.memory_space<semaphore_mem>>
      %dma_start3A_51 = arith.constant 0 : i32
      %dma_start3A_52 = tpu.memref_slice %arg12[%add3A_27, %dma_start3A_51] : memref<10112x128xf32, #tpu.memory_space<vmem_shared>> -> memref<128x128xf32, #tpu.memory_space<vmem_shared>>
      %dma_start3A_53 = arith.constant 0 : i32
      %dma_start3A_54 = tpu.memref_slice %arg12[%add3A_27, %dma_start3A_53] : memref<10112x128xf32, #tpu.memory_space<vmem_shared>> -> memref<128x128xf32, #tpu.memory_space<vmem_shared>>
      tpu.enqueue_dma source(%arg8 : memref<128x128xf32, #tpu.memory_space<vmem>>) target(%dma_start3A_54 : memref<128x128xf32, #tpu.memory_space<vmem_shared>>) target_semaphore(%run_scoped3A : memref<!tpu.dma_semaphore, #tpu.memory_space<semaphore_mem>>)
      %dma_wait3A = arith.constant 0 : i32
      %dma_wait3A_55 = tpu.memref_slice %arg12[%add3A_27, %dma_wait3A] : memref<10112x128xf32, #tpu.memory_space<vmem_shared>> -> memref<128x128xf32, #tpu.memory_space<vmem_shared>>
      %dma_wait3A_56 = arith.constant 0 : i32
      %dma_wait3A_57 = tpu.memref_slice %arg12[%add3A_27, %dma_wait3A_56] : memref<10112x128xf32, #tpu.memory_space<vmem_shared>> -> memref<128x128xf32, #tpu.memory_space<vmem_shared>>
      tpu.wait_dma2 semaphore(%run_scoped3A : memref<!tpu.dma_semaphore, #tpu.memory_space<semaphore_mem>>) src(%arg8 : memref<128x128xf32, #tpu.memory_space<vmem>>) dst(%dma_wait3A_57 : memref<128x128xf32, #tpu.memory_space<vmem_shared>>)
      tpu.yield
    }) : () -> ()
    %dma_start3A = arith.constant 0 : i32
    %dma_start3A_28 = arith.constant 0 : i32
    %dma_start3A_29 = tpu.memref_slice %arg6[%dma_start3A, %dma_start3A_28] : memref<80x128xi32, #tpu.memory_space<vmem>> -> memref<1x128xi32, #tpu.memory_space<vmem>>
    %dma_start3A_30 = tpu.memref_squeeze %dma_start3A_29 : memref<1x128xi32, #tpu.memory_space<vmem>> -> memref<128xi32, #tpu.memory_space<vmem>>
    %dma_start3A_31 = arith.constant 0 : i32
    %dma_start3A_32 = arith.constant 0 : i32
    %dma_start3A_33 = tpu.memref_slice %arg2[%dma_start3A_31, %dma_start3A_32] : memref<10000x128xf32, #tpu.memory_space<hbm>> -> memref<10000x128xf32, #tpu.memory_space<hbm>>
    tpu.enqueue_indirect_dma source(%dma_start3A_33 : memref<10000x128xf32, #tpu.memory_space<hbm>>) target(%arg8 : memref<128x128xf32, #tpu.memory_space<vmem>>) offsets(%dma_start3A_30 : memref<128xi32, #tpu.memory_space<vmem>>) semaphore(%arg10 : memref<!tpu.dma_semaphore, #tpu.memory_space<semaphore_mem>>)
    %dma_start3A_34 = arith.constant 1 : i32
    %dma_start3A_35 = arith.constant 0 : i32
    %dma_start3A_36 = tpu.memref_slice %arg6[%dma_start3A_34, %dma_start3A_35] : memref<80x128xi32, #tpu.memory_space<vmem>> -> memref<1x128xi32, #tpu.memory_space<vmem>>
    %dma_start3A_37 = tpu.memref_squeeze %dma_start3A_36 : memref<1x128xi32, #tpu.memory_space<vmem>> -> memref<128xi32, #tpu.memory_space<vmem>>
    %dma_start3A_38 = arith.constant 0 : i32
    %dma_start3A_39 = arith.constant 0 : i32
    %dma_start3A_40 = tpu.memref_slice %arg2[%dma_start3A_38, %dma_start3A_39] : memref<10000x128xf32, #tpu.memory_space<hbm>> -> memref<10000x128xf32, #tpu.memory_space<hbm>>
    tpu.enqueue_indirect_dma source(%dma_start3A_40 : memref<10000x128xf32, #tpu.memory_space<hbm>>) target(%arg9 : memref<128x128xf32, #tpu.memory_space<vmem>>) offsets(%dma_start3A_37 : memref<128xi32, #tpu.memory_space<vmem>>) semaphore(%arg11 : memref<!tpu.dma_semaphore, #tpu.memory_space<semaphore_mem>>)
    %barrier3A = arith.constant 0 : index
    tpu.barrier barrier_id(%barrier3A)
    %scan3A_41 = arith.constant 0 : i32
    %scan3A_42 = arith.constant 10 : i32
    %scan3A_43 = arith.addi %scan3A_41, %scan3A_42 : i32
    %scan3A_44 = arith.constant 1 : i32
    scf.for %scan3A_51 = %scan3A_41 to %scan3A_43 step %scan3A_44  : i32 {
      %mul3A_52 = arith.constant 1 : i32
      %mul3A_53 = arith.muli %scan3A_51, %mul3A_52 : i32
      %add3A_54 = arith.constant 0 : i32
      %add3A_55 = arith.addi %add3A_54, %mul3A_53 : i32
      %mul3A_56 = arith.constant 8 : i32
      %mul3A_57 = arith.muli %add3A_55, %mul3A_56 : i32
      %add3A_58 = arith.addi %mul3A_2, %mul3A_57 : i32
      %multiple_of3A = tpu.assume_multiple %add3A_58, 8 : i32
      "tpu.region"() ({
        %run_scoped3A = tpu.sem_alloc : memref<!tpu.dma_semaphore, #tpu.memory_space<semaphore_mem>>
        %dma_start3A_64 = arith.constant 0 : i32
        %dma_start3A_65 = tpu.memref_slice %arg4[%multiple_of3A, %dma_start3A_64] : memref<2560x128xi32, #tpu.memory_space<hbm>> -> memref<8x128xi32, #tpu.memory_space<hbm>>
        %dma_start3A_66 = arith.constant 0 : i32
        %dma_start3A_67 = tpu.memref_slice %arg4[%multiple_of3A, %dma_start3A_66] : memref<2560x128xi32, #tpu.memory_space<hbm>> -> memref<8x128xi32, #tpu.memory_space<hbm>>
        tpu.enqueue_dma source(%dma_start3A_67 : memref<8x128xi32, #tpu.memory_space<hbm>>) target(%arg7 : memref<8x128xi32, #tpu.memory_space<vmem>>) target_semaphore(%run_scoped3A : memref<!tpu.dma_semaphore, #tpu.memory_space<semaphore_mem>>)
        %dma_wait3A = arith.constant 0 : i32
        %dma_wait3A_68 = tpu.memref_slice %arg4[%multiple_of3A, %dma_wait3A] : memref<2560x128xi32, #tpu.memory_space<hbm>> -> memref<8x128xi32, #tpu.memory_space<hbm>>
        %dma_wait3A_69 = arith.constant 0 : i32
        %dma_wait3A_70 = tpu.memref_slice %arg4[%multiple_of3A, %dma_wait3A_69] : memref<2560x128xi32, #tpu.memory_space<hbm>> -> memref<8x128xi32, #tpu.memory_space<hbm>>
        tpu.wait_dma2 semaphore(%run_scoped3A : memref<!tpu.dma_semaphore, #tpu.memory_space<semaphore_mem>>) src(%dma_wait3A_70 : memref<8x128xi32, #tpu.memory_space<hbm>>) dst(%arg7 : memref<8x128xi32, #tpu.memory_space<vmem>>)
        tpu.yield
      }) : () -> ()
      %scan3A_59 = arith.constant 0 : i32
      %scan3A_60 = arith.constant 4 : i32
      %scan3A_61 = arith.addi %scan3A_59, %scan3A_60 : i32
      %scan3A_62 = arith.constant 1 : i32
      scf.for %scan3A_64 = %scan3A_59 to %scan3A_61 step %scan3A_62  : i32 {
        %mul3A_65 = arith.constant 2 : i32
        %mul3A_66 = arith.muli %scan3A_64, %mul3A_65 : i32
        %add3A_67 = arith.constant 0 : i32
        %add3A_68 = arith.addi %add3A_67, %mul3A_66 : i32
        %mul3A_69 = arith.constant 8 : i32
        %mul3A_70 = arith.muli %add3A_55, %mul3A_69 : i32
        %add3A_71 = arith.addi %mul3A_70, %add3A_68 : i32
        %add3A_72 = arith.constant 0 : i32
        %add3A_73 = arith.addi %add3A_71, %add3A_72 : i32
        %dma_wait3A = arith.constant 0 : i32
        %dma_wait3A_74 = tpu.memref_slice %arg6[%add3A_73, %dma_wait3A] : memref<80x128xi32, #tpu.memory_space<vmem>> -> memref<1x128xi32, #tpu.memory_space<vmem>>
        %dma_wait3A_75 = tpu.memref_squeeze %dma_wait3A_74 : memref<1x128xi32, #tpu.memory_space<vmem>> -> memref<128xi32, #tpu.memory_space<vmem>>
        %dma_wait3A_76 = arith.constant 0 : i32
        %dma_wait3A_77 = arith.constant 0 : i32
        %dma_wait3A_78 = tpu.memref_slice %arg2[%dma_wait3A_76, %dma_wait3A_77] : memref<10000x128xf32, #tpu.memory_space<hbm>> -> memref<10000x128xf32, #tpu.memory_space<hbm>>
        tpu.wait_indirect_dma semaphore(%arg10 : memref<!tpu.dma_semaphore, #tpu.memory_space<semaphore_mem>>) src(%dma_wait3A_78 : memref<10000x128xf32, #tpu.memory_space<hbm>>) dst(%arg8 : memref<128x128xf32, #tpu.memory_space<vmem>>)
        %add3A_79 = arith.constant 0 : i32
        %add3A_80 = arith.addi %add3A_68, %add3A_79 : i32
        "tpu.region"() ({
          %run_scoped3A = tpu.sem_alloc : memref<!tpu.dma_semaphore, #tpu.memory_space<semaphore_mem>>
          %dma_start3A_106 = arith.constant 0 : i32
          %dma_start3A_107 = tpu.memref_slice %arg7[%add3A_80, %dma_start3A_106] : memref<8x128xi32, #tpu.memory_space<vmem>> -> memref<1x128xi32, #tpu.memory_space<vmem>>
          %dma_start3A_108 = tpu.memref_squeeze %dma_start3A_107 : memref<1x128xi32, #tpu.memory_space<vmem>> -> memref<128xi32, #tpu.memory_space<vmem>>
          %dma_start3A_109 = arith.constant 0 : i32
          %dma_start3A_110 = arith.constant 0 : i32
          %dma_start3A_111 = tpu.memref_slice %arg12[%dma_start3A_109, %dma_start3A_110] : memref<10112x128xf32, #tpu.memory_space<vmem_shared>> -> memref<10112x128xf32, #tpu.memory_space<vmem_shared>>
          tpu.enqueue_indirect_dma source(%arg8 : memref<128x128xf32, #tpu.memory_space<vmem>>) target(%dma_start3A_111 : memref<10112x128xf32, #tpu.memory_space<vmem_shared>>) offsets(%dma_start3A_108 : memref<128xi32, #tpu.memory_space<vmem>>) semaphore(%run_scoped3A : memref<!tpu.dma_semaphore, #tpu.memory_space<semaphore_mem>>) {add = true}
          %dma_wait3A_112 = arith.constant 0 : i32
          %dma_wait3A_113 = tpu.memref_slice %arg7[%add3A_80, %dma_wait3A_112] : memref<8x128xi32, #tpu.memory_space<vmem>> -> memref<1x128xi32, #tpu.memory_space<vmem>>
          %dma_wait3A_114 = tpu.memref_squeeze %dma_wait3A_113 : memref<1x128xi32, #tpu.memory_space<vmem>> -> memref<128xi32, #tpu.memory_space<vmem>>
          %dma_wait3A_115 = arith.constant 0 : i32
          %dma_wait3A_116 = arith.constant 0 : i32
          %dma_wait3A_117 = tpu.memref_slice %arg12[%dma_wait3A_115, %dma_wait3A_116] : memref<10112x128xf32, #tpu.memory_space<vmem_shared>> -> memref<10112x128xf32, #tpu.memory_space<vmem_shared>>
          tpu.wait_indirect_dma semaphore(%run_scoped3A : memref<!tpu.dma_semaphore, #tpu.memory_space<semaphore_mem>>) src(%arg8 : memref<128x128xf32, #tpu.memory_space<vmem>>) dst(%dma_wait3A_117 : memref<10112x128xf32, #tpu.memory_space<vmem_shared>>)
          tpu.yield
        }) : () -> ()
        %add3A_81 = arith.constant 0 : i32
        %add3A_82 = arith.addi %add3A_71, %add3A_81 : i32
        %add3A_83 = arith.constant 2 : i32
        %add3A_84 = arith.addi %add3A_82, %add3A_83 : i32
        %lt3A = arith.constant 80 : i32
        %lt3A_85 = arith.cmpi slt, %add3A_84, %lt3A : i32
        %convert_element_type3A = arith.extui %lt3A_85 : i1 to i32
        %cond3A = arith.constant 0 : i32
        %cond3A_86 = arith.cmpi ne, %convert_element_type3A, %cond3A : i32
        scf.if %cond3A_86 {
          %add3A_106 = arith.constant 0 : i32
          %add3A_107 = arith.addi %add3A_71, %add3A_106 : i32
          %add3A_108 = arith.constant 2 : i32
          %add3A_109 = arith.addi %add3A_107, %add3A_108 : i32
          %dma_start3A_110 = arith.constant 0 : i32
          %dma_start3A_111 = tpu.memref_slice %arg6[%add3A_109, %dma_start3A_110] : memref<80x128xi32, #tpu.memory_space<vmem>> -> memref<1x128xi32, #tpu.memory_space<vmem>>
          %dma_start3A_112 = tpu.memref_squeeze %dma_start3A_111 : memref<1x128xi32, #tpu.memory_space<vmem>> -> memref<128xi32, #tpu.memory_space<vmem>>
          %dma_start3A_113 = arith.constant 0 : i32
          %dma_start3A_114 = arith.constant 0 : i32
          %dma_start3A_115 = tpu.memref_slice %arg2[%dma_start3A_113, %dma_start3A_114] : memref<10000x128xf32, #tpu.memory_space<hbm>> -> memref<10000x128xf32, #tpu.memory_space<hbm>>
          tpu.enqueue_indirect_dma source(%dma_start3A_115 : memref<10000x128xf32, #tpu.memory_space<hbm>>) target(%arg8 : memref<128x128xf32, #tpu.memory_space<vmem>>) offsets(%dma_start3A_112 : memref<128xi32, #tpu.memory_space<vmem>>) semaphore(%arg10 : memref<!tpu.dma_semaphore, #tpu.memory_space<semaphore_mem>>)
        } else {
        }
        %add3A_87 = arith.constant 1 : i32
        %add3A_88 = arith.addi %add3A_71, %add3A_87 : i32
        %dma_wait3A_89 = arith.constant 0 : i32
        %dma_wait3A_90 = tpu.memref_slice %arg6[%add3A_88, %dma_wait3A_89] : memref<80x128xi32, #tpu.memory_space<vmem>> -> memref<1x128xi32, #tpu.memory_space<vmem>>
        %dma_wait3A_91 = tpu.memref_squeeze %dma_wait3A_90 : memref<1x128xi32, #tpu.memory_space<vmem>> -> memref<128xi32, #tpu.memory_space<vmem>>
        %dma_wait3A_92 = arith.constant 0 : i32
        %dma_wait3A_93 = arith.constant 0 : i32
        %dma_wait3A_94 = tpu.memref_slice %arg2[%dma_wait3A_92, %dma_wait3A_93] : memref<10000x128xf32, #tpu.memory_space<hbm>> -> memref<10000x128xf32, #tpu.memory_space<hbm>>
        tpu.wait_indirect_dma semaphore(%arg11 : memref<!tpu.dma_semaphore, #tpu.memory_space<semaphore_mem>>) src(%dma_wait3A_94 : memref<10000x128xf32, #tpu.memory_space<hbm>>) dst(%arg9 : memref<128x128xf32, #tpu.memory_space<vmem>>)
        %add3A_95 = arith.constant 1 : i32
        %add3A_96 = arith.addi %add3A_68, %add3A_95 : i32
        "tpu.region"() ({
          %run_scoped3A = tpu.sem_alloc : memref<!tpu.dma_semaphore, #tpu.memory_space<semaphore_mem>>
          %dma_start3A_106 = arith.constant 0 : i32
          %dma_start3A_107 = tpu.memref_slice %arg7[%add3A_96, %dma_start3A_106] : memref<8x128xi32, #tpu.memory_space<vmem>> -> memref<1x128xi32, #tpu.memory_space<vmem>>
          %dma_start3A_108 = tpu.memref_squeeze %dma_start3A_107 : memref<1x128xi32, #tpu.memory_space<vmem>> -> memref<128xi32, #tpu.memory_space<vmem>>
          %dma_start3A_109 = arith.constant 0 : i32
          %dma_start3A_110 = arith.constant 0 : i32
          %dma_start3A_111 = tpu.memref_slice %arg12[%dma_start3A_109, %dma_start3A_110] : memref<10112x128xf32, #tpu.memory_space<vmem_shared>> -> memref<10112x128xf32, #tpu.memory_space<vmem_shared>>
          tpu.enqueue_indirect_dma source(%arg9 : memref<128x128xf32, #tpu.memory_space<vmem>>) target(%dma_start3A_111 : memref<10112x128xf32, #tpu.memory_space<vmem_shared>>) offsets(%dma_start3A_108 : memref<128xi32, #tpu.memory_space<vmem>>) semaphore(%run_scoped3A : memref<!tpu.dma_semaphore, #tpu.memory_space<semaphore_mem>>) {add = true}
          %dma_wait3A_112 = arith.constant 0 : i32
          %dma_wait3A_113 = tpu.memref_slice %arg7[%add3A_96, %dma_wait3A_112] : memref<8x128xi32, #tpu.memory_space<vmem>> -> memref<1x128xi32, #tpu.memory_space<vmem>>
          %dma_wait3A_114 = tpu.memref_squeeze %dma_wait3A_113 : memref<1x128xi32, #tpu.memory_space<vmem>> -> memref<128xi32, #tpu.memory_space<vmem>>
          %dma_wait3A_115 = arith.constant 0 : i32
          %dma_wait3A_116 = arith.constant 0 : i32
          %dma_wait3A_117 = tpu.memref_slice %arg12[%dma_wait3A_115, %dma_wait3A_116] : memref<10112x128xf32, #tpu.memory_space<vmem_shared>> -> memref<10112x128xf32, #tpu.memory_space<vmem_shared>>
          tpu.wait_indirect_dma semaphore(%run_scoped3A : memref<!tpu.dma_semaphore, #tpu.memory_space<semaphore_mem>>) src(%arg9 : memref<128x128xf32, #tpu.memory_space<vmem>>) dst(%dma_wait3A_117 : memref<10112x128xf32, #tpu.memory_space<vmem_shared>>)
          tpu.yield
        }) : () -> ()
        %add3A_97 = arith.constant 1 : i32
        %add3A_98 = arith.addi %add3A_71, %add3A_97 : i32
        %add3A_99 = arith.constant 2 : i32
        %add3A_100 = arith.addi %add3A_98, %add3A_99 : i32
        %lt3A_101 = arith.constant 80 : i32
        %lt3A_102 = arith.cmpi slt, %add3A_100, %lt3A_101 : i32
        %convert_element_type3A_103 = arith.extui %lt3A_102 : i1 to i32
        %cond3A_104 = arith.constant 0 : i32
        %cond3A_105 = arith.cmpi ne, %convert_element_type3A_103, %cond3A_104 : i32
        scf.if %cond3A_105 {
          %add3A_106 = arith.constant 1 : i32
          %add3A_107 = arith.addi %add3A_71, %add3A_106 : i32
          %add3A_108 = arith.constant 2 : i32
          %add3A_109 = arith.addi %add3A_107, %add3A_108 : i32
          %dma_start3A_110 = arith.constant 0 : i32
          %dma_start3A_111 = tpu.memref_slice %arg6[%add3A_109, %dma_start3A_110] : memref<80x128xi32, #tpu.memory_space<vmem>> -> memref<1x128xi32, #tpu.memory_space<vmem>>
          %dma_start3A_112 = tpu.memref_squeeze %dma_start3A_111 : memref<1x128xi32, #tpu.memory_space<vmem>> -> memref<128xi32, #tpu.memory_space<vmem>>
          %dma_start3A_113 = arith.constant 0 : i32
          %dma_start3A_114 = arith.constant 0 : i32
          %dma_start3A_115 = tpu.memref_slice %arg2[%dma_start3A_113, %dma_start3A_114] : memref<10000x128xf32, #tpu.memory_space<hbm>> -> memref<10000x128xf32, #tpu.memory_space<hbm>>
          tpu.enqueue_indirect_dma source(%dma_start3A_115 : memref<10000x128xf32, #tpu.memory_space<hbm>>) target(%arg9 : memref<128x128xf32, #tpu.memory_space<vmem>>) offsets(%dma_start3A_112 : memref<128xi32, #tpu.memory_space<vmem>>) semaphore(%arg11 : memref<!tpu.dma_semaphore, #tpu.memory_space<semaphore_mem>>)
        } else {
        }
      }
      %scan3A_63 = arith.constant 4 : i32
    }
    %scan3A_45 = arith.constant 10 : i32
    %barrier3A_46 = arith.constant 0 : index
    tpu.barrier barrier_id(%barrier3A_46)
    %mul3A_47 = arith.constant 632 : i32
    %mul3A_48 = arith.muli %arg1, %mul3A_47 : i32
    %mul3A_49 = arith.constant 632 : i32
    %mul3A_50 = arith.muli %arg1, %mul3A_49 : i32
    "tpu.region"() ({
      %run_scoped3A = tpu.sem_alloc : memref<!tpu.dma_semaphore, #tpu.memory_space<semaphore_mem>>
      %dma_start3A_51 = arith.constant 0 : i32
      %dma_start3A_52 = tpu.memref_slice %arg5[%arg0, %mul3A_50, %dma_start3A_51] : memref<2x10112x128xf32, #tpu.memory_space<hbm>> -> memref<1x632x128xf32, #tpu.memory_space<hbm>>
      %dma_start3A_53 = tpu.memref_squeeze %dma_start3A_52 : memref<1x632x128xf32, #tpu.memory_space<hbm>> -> memref<632x128xf32, #tpu.memory_space<hbm>>
      %dma_start3A_54 = arith.constant 0 : i32
      %dma_start3A_55 = tpu.memref_slice %arg12[%mul3A_48, %dma_start3A_54] : memref<10112x128xf32, #tpu.memory_space<vmem_shared>> -> memref<632x128xf32, #tpu.memory_space<vmem_shared>>
      tpu.enqueue_dma source(%dma_start3A_55 : memref<632x128xf32, #tpu.memory_space<vmem_shared>>) target(%dma_start3A_53 : memref<632x128xf32, #tpu.memory_space<hbm>>) target_semaphore(%run_scoped3A : memref<!tpu.dma_semaphore, #tpu.memory_space<semaphore_mem>>)
      %dma_wait3A = arith.constant 0 : i32
      %dma_wait3A_56 = tpu.memref_slice %arg5[%arg0, %mul3A_50, %dma_wait3A] : memref<2x10112x128xf32, #tpu.memory_space<hbm>> -> memref<1x632x128xf32, #tpu.memory_space<hbm>>
      %dma_wait3A_57 = tpu.memref_squeeze %dma_wait3A_56 : memref<1x632x128xf32, #tpu.memory_space<hbm>> -> memref<632x128xf32, #tpu.memory_space<hbm>>
      %dma_wait3A_58 = arith.constant 0 : i32
      %dma_wait3A_59 = tpu.memref_slice %arg12[%mul3A_48, %dma_wait3A_58] : memref<10112x128xf32, #tpu.memory_space<vmem_shared>> -> memref<632x128xf32, #tpu.memory_space<vmem_shared>>
      tpu.wait_dma2 semaphore(%run_scoped3A : memref<!tpu.dma_semaphore, #tpu.memory_space<semaphore_mem>>) src(%dma_wait3A_59 : memref<632x128xf32, #tpu.memory_space<vmem_shared>>) dst(%dma_wait3A_57 : memref<632x128xf32, #tpu.memory_space<hbm>>)
      tpu.yield
    }) : () -> ()
    return
  }
}

#map = affine_map<(d0, d1) -> (0, 0)>
module attributes {stable_mosaic.version = 14 : i64} {
  func.func @k(%arg0: i32, %arg1: i32, %arg2: memref<2560x128xi32, #tpu.memory_space<hbm>>, %arg3: memref<32x10112xf32, #tpu.memory_space<hbm>>, %arg4: memref<80x128xi32, #tpu.memory_space<vmem>>, %arg5: memref<10112xf32, #tpu.memory_space<vmem>>) attributes {dimension_semantics = [#tpu.dimension_semantics<core_parallel>, #tpu.dimension_semantics<subcore_parallel>], iteration_bounds = array<i64: 2, 16>, scalar_prefetch = 0 : i64, scratch_operands = 2 : i64, tpu.core_type = #tpu.core_type<sc_vector_subcore>, window_params = [{transform_indices = #map}, {transform_indices = #map}]} {
    %mul3A = arith.constant 16 : i32
    %mul3A_0 = arith.muli %arg0, %mul3A : i32
    %add3A = arith.addi %mul3A_0, %arg1 : i32
    %mul3A_1 = arith.constant 80 : i32
    %mul3A_2 = arith.muli %add3A, %mul3A_1 : i32
    "tpu.region"() ({
      %run_scoped3A = tpu.sem_alloc : memref<!tpu.dma_semaphore, #tpu.memory_space<semaphore_mem>>
      %dma_start3A = arith.constant 0 : i32
      %dma_start3A_15 = tpu.memref_slice %arg2[%mul3A_2, %dma_start3A] : memref<2560x128xi32, #tpu.memory_space<hbm>> -> memref<80x128xi32, #tpu.memory_space<hbm>>
      %dma_start3A_16 = arith.constant 0 : i32
      %dma_start3A_17 = tpu.memref_slice %arg2[%mul3A_2, %dma_start3A_16] : memref<2560x128xi32, #tpu.memory_space<hbm>> -> memref<80x128xi32, #tpu.memory_space<hbm>>
      tpu.enqueue_dma source(%dma_start3A_17 : memref<80x128xi32, #tpu.memory_space<hbm>>) target(%arg4 : memref<80x128xi32, #tpu.memory_space<vmem>>) target_semaphore(%run_scoped3A : memref<!tpu.dma_semaphore, #tpu.memory_space<semaphore_mem>>)
      %dma_wait3A = arith.constant 0 : i32
      %dma_wait3A_18 = tpu.memref_slice %arg2[%mul3A_2, %dma_wait3A] : memref<2560x128xi32, #tpu.memory_space<hbm>> -> memref<80x128xi32, #tpu.memory_space<hbm>>
      %dma_wait3A_19 = arith.constant 0 : i32
      %dma_wait3A_20 = tpu.memref_slice %arg2[%mul3A_2, %dma_wait3A_19] : memref<2560x128xi32, #tpu.memory_space<hbm>> -> memref<80x128xi32, #tpu.memory_space<hbm>>
      tpu.wait_dma2 semaphore(%run_scoped3A : memref<!tpu.dma_semaphore, #tpu.memory_space<semaphore_mem>>) src(%dma_wait3A_20 : memref<80x128xi32, #tpu.memory_space<hbm>>) dst(%arg4 : memref<80x128xi32, #tpu.memory_space<vmem>>)
      tpu.yield
    }) : () -> ()
    %broadcast_in_dim3A = arith.constant 0.000000e+00 : f32
    %broadcast_in_dim3A_3 = vector.broadcast %broadcast_in_dim3A : f32 to vector<16xf32>
    %scan3A = arith.constant 0 : i32
    %scan3A_4 = arith.constant 632 : i32
    %scan3A_5 = arith.addi %scan3A, %scan3A_4 : i32
    %scan3A_6 = arith.constant 1 : i32
    scf.for %scan3A_15 = %scan3A to %scan3A_5 step %scan3A_6  : i32 {
      %mul3A_16 = arith.constant 16 : i32
      %mul3A_17 = arith.muli %scan3A_15, %mul3A_16 : i32
      %add3A_18 = arith.constant 0 : i32
      %add3A_19 = arith.addi %add3A_18, %mul3A_17 : i32
      %swap3A = arith.index_cast %add3A_19 : i32 to index
      %swap3A_20 = tpu.vector_load %arg5[%swap3A] {strides = array<i32>} : memref<10112xf32, #tpu.memory_space<vmem>>, vector<16xf32>,
      tpu.vector_store %arg5[%swap3A], %broadcast_in_dim3A_3 {strides = array<i32>} : memref<10112xf32, #tpu.memory_space<vmem>>, vector<16xf32>,
    }
    %scan3A_7 = arith.constant 632 : i32
    %broadcast_in_dim3A_8 = arith.constant 1.000000e+00 : f32
    %broadcast_in_dim3A_9 = vector.broadcast %broadcast_in_dim3A_8 : f32 to vector<16xf32>
    %scan3A_10 = arith.constant 0 : i32
    %scan3A_11 = arith.constant 80 : i32
    %scan3A_12 = arith.addi %scan3A_10, %scan3A_11 : i32
    %scan3A_13 = arith.constant 1 : i32
    scf.for %scan3A_15 = %scan3A_10 to %scan3A_12 step %scan3A_13  : i32 {
      %mul3A_16 = arith.constant 1 : i32
      %mul3A_17 = arith.muli %scan3A_15, %mul3A_16 : i32
      %add3A_18 = arith.constant 0 : i32
      %add3A_19 = arith.addi %add3A_18, %mul3A_17 : i32
      %get3A = arith.index_cast %add3A_19 : i32 to index
      %get3A_20 = arith.constant 0 : index
      %get3A_21 = tpu.vector_load %arg4[%get3A, %get3A_20] {strides = array<i32>} : memref<80x128xi32, #tpu.memory_space<vmem>>, vector<16xi32>,
      tpu.vector_store_idx %arg5[%get3A_21], %broadcast_in_dim3A_9 {add = true} : memref<10112xf32, #tpu.memory_space<vmem>>[vector<16xi32>], vector<16xf32>,
      %get3A_22 = arith.index_cast %add3A_19 : i32 to index
      %get3A_23 = arith.constant 16 : index
      %get3A_24 = tpu.vector_load %arg4[%get3A_22, %get3A_23] {strides = array<i32>} : memref<80x128xi32, #tpu.memory_space<vmem>>, vector<16xi32>,
      tpu.vector_store_idx %arg5[%get3A_24], %broadcast_in_dim3A_9 {add = true} : memref<10112xf32, #tpu.memory_space<vmem>>[vector<16xi32>], vector<16xf32>,
      %get3A_25 = arith.index_cast %add3A_19 : i32 to index
      %get3A_26 = arith.constant 32 : index
      %get3A_27 = tpu.vector_load %arg4[%get3A_25, %get3A_26] {strides = array<i32>} : memref<80x128xi32, #tpu.memory_space<vmem>>, vector<16xi32>,
      tpu.vector_store_idx %arg5[%get3A_27], %broadcast_in_dim3A_9 {add = true} : memref<10112xf32, #tpu.memory_space<vmem>>[vector<16xi32>], vector<16xf32>,
      %get3A_28 = arith.index_cast %add3A_19 : i32 to index
      %get3A_29 = arith.constant 48 : index
      %get3A_30 = tpu.vector_load %arg4[%get3A_28, %get3A_29] {strides = array<i32>} : memref<80x128xi32, #tpu.memory_space<vmem>>, vector<16xi32>,
      tpu.vector_store_idx %arg5[%get3A_30], %broadcast_in_dim3A_9 {add = true} : memref<10112xf32, #tpu.memory_space<vmem>>[vector<16xi32>], vector<16xf32>,
      %get3A_31 = arith.index_cast %add3A_19 : i32 to index
      %get3A_32 = arith.constant 64 : index
      %get3A_33 = tpu.vector_load %arg4[%get3A_31, %get3A_32] {strides = array<i32>} : memref<80x128xi32, #tpu.memory_space<vmem>>, vector<16xi32>,
      tpu.vector_store_idx %arg5[%get3A_33], %broadcast_in_dim3A_9 {add = true} : memref<10112xf32, #tpu.memory_space<vmem>>[vector<16xi32>], vector<16xf32>,
      %get3A_34 = arith.index_cast %add3A_19 : i32 to index
      %get3A_35 = arith.constant 80 : index
      %get3A_36 = tpu.vector_load %arg4[%get3A_34, %get3A_35] {strides = array<i32>} : memref<80x128xi32, #tpu.memory_space<vmem>>, vector<16xi32>,
      tpu.vector_store_idx %arg5[%get3A_36], %broadcast_in_dim3A_9 {add = true} : memref<10112xf32, #tpu.memory_space<vmem>>[vector<16xi32>], vector<16xf32>,
      %get3A_37 = arith.index_cast %add3A_19 : i32 to index
      %get3A_38 = arith.constant 96 : index
      %get3A_39 = tpu.vector_load %arg4[%get3A_37, %get3A_38] {strides = array<i32>} : memref<80x128xi32, #tpu.memory_space<vmem>>, vector<16xi32>,
      tpu.vector_store_idx %arg5[%get3A_39], %broadcast_in_dim3A_9 {add = true} : memref<10112xf32, #tpu.memory_space<vmem>>[vector<16xi32>], vector<16xf32>,
      %get3A_40 = arith.index_cast %add3A_19 : i32 to index
      %get3A_41 = arith.constant 112 : index
      %get3A_42 = tpu.vector_load %arg4[%get3A_40, %get3A_41] {strides = array<i32>} : memref<80x128xi32, #tpu.memory_space<vmem>>, vector<16xi32>,
      tpu.vector_store_idx %arg5[%get3A_42], %broadcast_in_dim3A_9 {add = true} : memref<10112xf32, #tpu.memory_space<vmem>>[vector<16xi32>], vector<16xf32>,
    }
    %scan3A_14 = arith.constant 80 : i32
    "tpu.region"() ({
      %run_scoped3A = tpu.sem_alloc : memref<!tpu.dma_semaphore, #tpu.memory_space<semaphore_mem>>
      %dma_start3A = arith.constant 0 : i32
      %dma_start3A_15 = tpu.memref_slice %arg3[%add3A, %dma_start3A] : memref<32x10112xf32, #tpu.memory_space<hbm>> -> memref<1x10112xf32, #tpu.memory_space<hbm>>
      %dma_start3A_16 = tpu.memref_squeeze %dma_start3A_15 : memref<1x10112xf32, #tpu.memory_space<hbm>> -> memref<10112xf32, #tpu.memory_space<hbm>>
      %dma_start3A_17 = arith.constant 0 : i32
      %dma_start3A_18 = tpu.memref_slice %arg3[%add3A, %dma_start3A_17] : memref<32x10112xf32, #tpu.memory_space<hbm>> -> memref<1x10112xf32, #tpu.memory_space<hbm>>
      %dma_start3A_19 = tpu.memref_squeeze %dma_start3A_18 : memref<1x10112xf32, #tpu.memory_space<hbm>> -> memref<10112xf32, #tpu.memory_space<hbm>>
      tpu.enqueue_dma source(%arg5 : memref<10112xf32, #tpu.memory_space<vmem>>) target(%dma_start3A_19 : memref<10112xf32, #tpu.memory_space<hbm>>) target_semaphore(%run_scoped3A : memref<!tpu.dma_semaphore, #tpu.memory_space<semaphore_mem>>)
      %dma_wait3A = arith.constant 0 : i32
      %dma_wait3A_20 = tpu.memref_slice %arg3[%add3A, %dma_wait3A] : memref<32x10112xf32, #tpu.memory_space<hbm>> -> memref<1x10112xf32, #tpu.memory_space<hbm>>
      %dma_wait3A_21 = tpu.memref_squeeze %dma_wait3A_20 : memref<1x10112xf32, #tpu.memory_space<hbm>> -> memref<10112xf32, #tpu.memory_space<hbm>>
      %dma_wait3A_22 = arith.constant 0 : i32
      %dma_wait3A_23 = tpu.memref_slice %arg3[%add3A, %dma_wait3A_22] : memref<32x10112xf32, #tpu.memory_space<hbm>> -> memref<1x10112xf32, #tpu.memory_space<hbm>>
      %dma_wait3A_24 = tpu.memref_squeeze %dma_wait3A_23 : memref<1x10112xf32, #tpu.memory_space<hbm>> -> memref<10112xf32, #tpu.memory_space<hbm>>
      tpu.wait_dma2 semaphore(%run_scoped3A : memref<!tpu.dma_semaphore, #tpu.memory_space<semaphore_mem>>) src(%arg5 : memref<10112xf32, #tpu.memory_space<vmem>>) dst(%dma_wait3A_24 : memref<10112xf32, #tpu.memory_space<hbm>>)
      tpu.yield
    }) : () -> ()
    return
  }
}

#map = affine_map<(d0, d1) -> (0, 0)>
#map1 = affine_map<(d0, d1) -> (0, 0, 0)>
module attributes {stable_mosaic.version = 14 : i64} {
  func.func @k(%arg0: i32, %arg1: i32, %arg2: memref<10000x128xf32, #tpu.memory_space<hbm>>, %arg3: memref<2560x128xi32, #tpu.memory_space<hbm>>, %arg4: memref<2560x128xi32, #tpu.memory_space<hbm>>, %arg5: memref<2x10112x128xf32, #tpu.memory_space<hbm>>, %arg6: memref<80x128xi32, #tpu.memory_space<vmem>>, %arg7: memref<8x128xi32, #tpu.memory_space<vmem>>, %arg8: memref<128x128xf32, #tpu.memory_space<vmem>>, %arg9: memref<128x128xf32, #tpu.memory_space<vmem>>, %arg10: memref<!tpu.dma_semaphore, #tpu.memory_space<semaphore_mem>>, %arg11: memref<!tpu.dma_semaphore, #tpu.memory_space<semaphore_mem>>, %arg12: memref<10112x128xf32, #tpu.memory_space<vmem_shared>>) attributes {dimension_semantics = [#tpu.dimension_semantics<core_parallel>, #tpu.dimension_semantics<subcore_parallel>], iteration_bounds = array<i64: 2, 16>, scalar_prefetch = 0 : i64, scratch_operands = 7 : i64, tpu.core_type = #tpu.core_type<sc_vector_subcore>, window_params = [{transform_indices = #map}, {transform_indices = #map}, {transform_indices = #map}, {transform_indices = #map1}]} {
    %mul3A = arith.constant 16 : i32
    %mul3A_0 = arith.muli %arg0, %mul3A : i32
    %add3A = arith.addi %mul3A_0, %arg1 : i32
    %mul3A_1 = arith.constant 80 : i32
    %mul3A_2 = arith.muli %add3A, %mul3A_1 : i32
    "tpu.region"() ({
      %run_scoped3A = tpu.sem_alloc : memref<!tpu.dma_semaphore, #tpu.memory_space<semaphore_mem>>
      %dma_start3A_51 = arith.constant 0 : i32
      %dma_start3A_52 = tpu.memref_slice %arg3[%mul3A_2, %dma_start3A_51] : memref<2560x128xi32, #tpu.memory_space<hbm>> -> memref<80x128xi32, #tpu.memory_space<hbm>>
      %dma_start3A_53 = arith.constant 0 : i32
      %dma_start3A_54 = tpu.memref_slice %arg3[%mul3A_2, %dma_start3A_53] : memref<2560x128xi32, #tpu.memory_space<hbm>> -> memref<80x128xi32, #tpu.memory_space<hbm>>
      tpu.enqueue_dma source(%dma_start3A_54 : memref<80x128xi32, #tpu.memory_space<hbm>>) target(%arg6 : memref<80x128xi32, #tpu.memory_space<vmem>>) target_semaphore(%run_scoped3A : memref<!tpu.dma_semaphore, #tpu.memory_space<semaphore_mem>>)
      %dma_wait3A = arith.constant 0 : i32
      %dma_wait3A_55 = tpu.memref_slice %arg3[%mul3A_2, %dma_wait3A] : memref<2560x128xi32, #tpu.memory_space<hbm>> -> memref<80x128xi32, #tpu.memory_space<hbm>>
      %dma_wait3A_56 = arith.constant 0 : i32
      %dma_wait3A_57 = tpu.memref_slice %arg3[%mul3A_2, %dma_wait3A_56] : memref<2560x128xi32, #tpu.memory_space<hbm>> -> memref<80x128xi32, #tpu.memory_space<hbm>>
      tpu.wait_dma2 semaphore(%run_scoped3A : memref<!tpu.dma_semaphore, #tpu.memory_space<semaphore_mem>>) src(%dma_wait3A_57 : memref<80x128xi32, #tpu.memory_space<hbm>>) dst(%arg6 : memref<80x128xi32, #tpu.memory_space<vmem>>)
      tpu.yield
    }) : () -> ()
    %broadcast_in_dim3A = arith.constant 0.000000e+00 : f32
    %broadcast_in_dim3A_3 = vector.broadcast %broadcast_in_dim3A : f32 to vector<16xf32>
    %scan3A = arith.constant 0 : i32
    %scan3A_4 = arith.constant 128 : i32
    %scan3A_5 = arith.addi %scan3A, %scan3A_4 : i32
    %scan3A_6 = arith.constant 1 : i32
    scf.for %scan3A_51 = %scan3A to %scan3A_5 step %scan3A_6  : i32 {
      %mul3A_52 = arith.constant 1 : i32
      %mul3A_53 = arith.muli %scan3A_51, %mul3A_52 : i32
      %add3A_54 = arith.constant 0 : i32
      %add3A_55 = arith.addi %add3A_54, %mul3A_53 : i32
      %swap3A = arith.index_cast %add3A_55 : i32 to index
      %swap3A_56 = arith.constant 0 : index
      %swap3A_57 = tpu.vector_load %arg8[%swap3A, %swap3A_56] {strides = array<i32>} : memref<128x128xf32, #tpu.memory_space<vmem>>, vector<1x16xf32>,
      %swap3A_58 = vector.shape_cast %swap3A_57 : vector<1x16xf32> to vector<16xf32>
      %swap3A_59 = vector.shape_cast %broadcast_in_dim3A_3 : vector<16xf32> to vector<1x16xf32>
      tpu.vector_store %arg8[%swap3A, %swap3A_56], %swap3A_59 {strides = array<i32>} : memref<128x128xf32, #tpu.memory_space<vmem>>, vector<1x16xf32>,
      %swap3A_60 = arith.index_cast %add3A_55 : i32 to index
      %swap3A_61 = arith.constant 16 : index
      %swap3A_62 = tpu.vector_load %arg8[%swap3A_60, %swap3A_61] {strides = array<i32>} : memref<128x128xf32, #tpu.memory_space<vmem>>, vector<1x16xf32>,
      %swap3A_63 = vector.shape_cast %swap3A_62 : vector<1x16xf32> to vector<16xf32>
      %swap3A_64 = vector.shape_cast %broadcast_in_dim3A_3 : vector<16xf32> to vector<1x16xf32>
      tpu.vector_store %arg8[%swap3A_60, %swap3A_61], %swap3A_64 {strides = array<i32>} : memref<128x128xf32, #tpu.memory_space<vmem>>, vector<1x16xf32>,
      %swap3A_65 = arith.index_cast %add3A_55 : i32 to index
      %swap3A_66 = arith.constant 32 : index
      %swap3A_67 = tpu.vector_load %arg8[%swap3A_65, %swap3A_66] {strides = array<i32>} : memref<128x128xf32, #tpu.memory_space<vmem>>, vector<1x16xf32>,
      %swap3A_68 = vector.shape_cast %swap3A_67 : vector<1x16xf32> to vector<16xf32>
      %swap3A_69 = vector.shape_cast %broadcast_in_dim3A_3 : vector<16xf32> to vector<1x16xf32>
      tpu.vector_store %arg8[%swap3A_65, %swap3A_66], %swap3A_69 {strides = array<i32>} : memref<128x128xf32, #tpu.memory_space<vmem>>, vector<1x16xf32>,
      %swap3A_70 = arith.index_cast %add3A_55 : i32 to index
      %swap3A_71 = arith.constant 48 : index
      %swap3A_72 = tpu.vector_load %arg8[%swap3A_70, %swap3A_71] {strides = array<i32>} : memref<128x128xf32, #tpu.memory_space<vmem>>, vector<1x16xf32>,
      %swap3A_73 = vector.shape_cast %swap3A_72 : vector<1x16xf32> to vector<16xf32>
      %swap3A_74 = vector.shape_cast %broadcast_in_dim3A_3 : vector<16xf32> to vector<1x16xf32>
      tpu.vector_store %arg8[%swap3A_70, %swap3A_71], %swap3A_74 {strides = array<i32>} : memref<128x128xf32, #tpu.memory_space<vmem>>, vector<1x16xf32>,
      %swap3A_75 = arith.index_cast %add3A_55 : i32 to index
      %swap3A_76 = arith.constant 64 : index
      %swap3A_77 = tpu.vector_load %arg8[%swap3A_75, %swap3A_76] {strides = array<i32>} : memref<128x128xf32, #tpu.memory_space<vmem>>, vector<1x16xf32>,
      %swap3A_78 = vector.shape_cast %swap3A_77 : vector<1x16xf32> to vector<16xf32>
      %swap3A_79 = vector.shape_cast %broadcast_in_dim3A_3 : vector<16xf32> to vector<1x16xf32>
      tpu.vector_store %arg8[%swap3A_75, %swap3A_76], %swap3A_79 {strides = array<i32>} : memref<128x128xf32, #tpu.memory_space<vmem>>, vector<1x16xf32>,
      %swap3A_80 = arith.index_cast %add3A_55 : i32 to index
      %swap3A_81 = arith.constant 80 : index
      %swap3A_82 = tpu.vector_load %arg8[%swap3A_80, %swap3A_81] {strides = array<i32>} : memref<128x128xf32, #tpu.memory_space<vmem>>, vector<1x16xf32>,
      %swap3A_83 = vector.shape_cast %swap3A_82 : vector<1x16xf32> to vector<16xf32>
      %swap3A_84 = vector.shape_cast %broadcast_in_dim3A_3 : vector<16xf32> to vector<1x16xf32>
      tpu.vector_store %arg8[%swap3A_80, %swap3A_81], %swap3A_84 {strides = array<i32>} : memref<128x128xf32, #tpu.memory_space<vmem>>, vector<1x16xf32>,
      %swap3A_85 = arith.index_cast %add3A_55 : i32 to index
      %swap3A_86 = arith.constant 96 : index
      %swap3A_87 = tpu.vector_load %arg8[%swap3A_85, %swap3A_86] {strides = array<i32>} : memref<128x128xf32, #tpu.memory_space<vmem>>, vector<1x16xf32>,
      %swap3A_88 = vector.shape_cast %swap3A_87 : vector<1x16xf32> to vector<16xf32>
      %swap3A_89 = vector.shape_cast %broadcast_in_dim3A_3 : vector<16xf32> to vector<1x16xf32>
      tpu.vector_store %arg8[%swap3A_85, %swap3A_86], %swap3A_89 {strides = array<i32>} : memref<128x128xf32, #tpu.memory_space<vmem>>, vector<1x16xf32>,
      %swap3A_90 = arith.index_cast %add3A_55 : i32 to index
      %swap3A_91 = arith.constant 112 : index
      %swap3A_92 = tpu.vector_load %arg8[%swap3A_90, %swap3A_91] {strides = array<i32>} : memref<128x128xf32, #tpu.memory_space<vmem>>, vector<1x16xf32>,
      %swap3A_93 = vector.shape_cast %swap3A_92 : vector<1x16xf32> to vector<16xf32>
      %swap3A_94 = vector.shape_cast %broadcast_in_dim3A_3 : vector<16xf32> to vector<1x16xf32>
      tpu.vector_store %arg8[%swap3A_90, %swap3A_91], %swap3A_94 {strides = array<i32>} : memref<128x128xf32, #tpu.memory_space<vmem>>, vector<1x16xf32>,
    }
    %scan3A_7 = arith.constant 128 : i32
    %mul3A_8 = arith.constant 632 : i32
    %mul3A_9 = arith.muli %arg1, %mul3A_8 : i32
    %add3A_10 = arith.constant 0 : i32
    %add3A_11 = arith.addi %mul3A_9, %add3A_10 : i32
    "tpu.region"() ({
      %run_scoped3A = tpu.sem_alloc : memref<!tpu.dma_semaphore, #tpu.memory_space<semaphore_mem>>
      %dma_start3A_51 = arith.constant 0 : i32
      %dma_start3A_52 = tpu.memref_slice %arg12[%add3A_11, %dma_start3A_51] : memref<10112x128xf32, #tpu.memory_space<vmem_shared>> -> memref<128x128xf32, #tpu.memory_space<vmem_shared>>
      %dma_start3A_53 = arith.constant 0 : i32
      %dma_start3A_54 = tpu.memref_slice %arg12[%add3A_11, %dma_start3A_53] : memref<10112x128xf32, #tpu.memory_space<vmem_shared>> -> memref<128x128xf32, #tpu.memory_space<vmem_shared>>
      tpu.enqueue_dma source(%arg8 : memref<128x128xf32, #tpu.memory_space<vmem>>) target(%dma_start3A_54 : memref<128x128xf32, #tpu.memory_space<vmem_shared>>) target_semaphore(%run_scoped3A : memref<!tpu.dma_semaphore, #tpu.memory_space<semaphore_mem>>)
      %dma_wait3A = arith.constant 0 : i32
      %dma_wait3A_55 = tpu.memref_slice %arg12[%add3A_11, %dma_wait3A] : memref<10112x128xf32, #tpu.memory_space<vmem_shared>> -> memref<128x128xf32, #tpu.memory_space<vmem_shared>>
      %dma_wait3A_56 = arith.constant 0 : i32
      %dma_wait3A_57 = tpu.memref_slice %arg12[%add3A_11, %dma_wait3A_56] : memref<10112x128xf32, #tpu.memory_space<vmem_shared>> -> memref<128x128xf32, #tpu.memory_space<vmem_shared>>
      tpu.wait_dma2 semaphore(%run_scoped3A : memref<!tpu.dma_semaphore, #tpu.memory_space<semaphore_mem>>) src(%arg8 : memref<128x128xf32, #tpu.memory_space<vmem>>) dst(%dma_wait3A_57 : memref<128x128xf32, #tpu.memory_space<vmem_shared>>)
      tpu.yield
    }) : () -> ()
    %mul3A_12 = arith.constant 632 : i32
    %mul3A_13 = arith.muli %arg1, %mul3A_12 : i32
    %add3A_14 = arith.constant 128 : i32
    %add3A_15 = arith.addi %mul3A_13, %add3A_14 : i32
    "tpu.region"() ({
      %run_scoped3A = tpu.sem_alloc : memref<!tpu.dma_semaphore, #tpu.memory_space<semaphore_mem>>
      %dma_start3A_51 = arith.constant 0 : i32
      %dma_start3A_52 = tpu.memref_slice %arg12[%add3A_15, %dma_start3A_51] : memref<10112x128xf32, #tpu.memory_space<vmem_shared>> -> memref<128x128xf32, #tpu.memory_space<vmem_shared>>
      %dma_start3A_53 = arith.constant 0 : i32
      %dma_start3A_54 = tpu.memref_slice %arg12[%add3A_15, %dma_start3A_53] : memref<10112x128xf32, #tpu.memory_space<vmem_shared>> -> memref<128x128xf32, #tpu.memory_space<vmem_shared>>
      tpu.enqueue_dma source(%arg8 : memref<128x128xf32, #tpu.memory_space<vmem>>) target(%dma_start3A_54 : memref<128x128xf32, #tpu.memory_space<vmem_shared>>) target_semaphore(%run_scoped3A : memref<!tpu.dma_semaphore, #tpu.memory_space<semaphore_mem>>)
      %dma_wait3A = arith.constant 0 : i32
      %dma_wait3A_55 = tpu.memref_slice %arg12[%add3A_15, %dma_wait3A] : memref<10112x128xf32, #tpu.memory_space<vmem_shared>> -> memref<128x128xf32, #tpu.memory_space<vmem_shared>>
      %dma_wait3A_56 = arith.constant 0 : i32
      %dma_wait3A_57 = tpu.memref_slice %arg12[%add3A_15, %dma_wait3A_56] : memref<10112x128xf32, #tpu.memory_space<vmem_shared>> -> memref<128x128xf32, #tpu.memory_space<vmem_shared>>
      tpu.wait_dma2 semaphore(%run_scoped3A : memref<!tpu.dma_semaphore, #tpu.memory_space<semaphore_mem>>) src(%arg8 : memref<128x128xf32, #tpu.memory_space<vmem>>) dst(%dma_wait3A_57 : memref<128x128xf32, #tpu.memory_space<vmem_shared>>)
      tpu.yield
    }) : () -> ()
    %mul3A_16 = arith.constant 632 : i32
    %mul3A_17 = arith.muli %arg1, %mul3A_16 : i32
    %add3A_18 = arith.constant 256 : i32
    %add3A_19 = arith.addi %mul3A_17, %add3A_18 : i32
    "tpu.region"() ({
      %run_scoped3A = tpu.sem_alloc : memref<!tpu.dma_semaphore, #tpu.memory_space<semaphore_mem>>
      %dma_start3A_51 = arith.constant 0 : i32
      %dma_start3A_52 = tpu.memref_slice %arg12[%add3A_19, %dma_start3A_51] : memref<10112x128xf32, #tpu.memory_space<vmem_shared>> -> memref<128x128xf32, #tpu.memory_space<vmem_shared>>
      %dma_start3A_53 = arith.constant 0 : i32
      %dma_start3A_54 = tpu.memref_slice %arg12[%add3A_19, %dma_start3A_53] : memref<10112x128xf32, #tpu.memory_space<vmem_shared>> -> memref<128x128xf32, #tpu.memory_space<vmem_shared>>
      tpu.enqueue_dma source(%arg8 : memref<128x128xf32, #tpu.memory_space<vmem>>) target(%dma_start3A_54 : memref<128x128xf32, #tpu.memory_space<vmem_shared>>) target_semaphore(%run_scoped3A : memref<!tpu.dma_semaphore, #tpu.memory_space<semaphore_mem>>)
      %dma_wait3A = arith.constant 0 : i32
      %dma_wait3A_55 = tpu.memref_slice %arg12[%add3A_19, %dma_wait3A] : memref<10112x128xf32, #tpu.memory_space<vmem_shared>> -> memref<128x128xf32, #tpu.memory_space<vmem_shared>>
      %dma_wait3A_56 = arith.constant 0 : i32
      %dma_wait3A_57 = tpu.memref_slice %arg12[%add3A_19, %dma_wait3A_56] : memref<10112x128xf32, #tpu.memory_space<vmem_shared>> -> memref<128x128xf32, #tpu.memory_space<vmem_shared>>
      tpu.wait_dma2 semaphore(%run_scoped3A : memref<!tpu.dma_semaphore, #tpu.memory_space<semaphore_mem>>) src(%arg8 : memref<128x128xf32, #tpu.memory_space<vmem>>) dst(%dma_wait3A_57 : memref<128x128xf32, #tpu.memory_space<vmem_shared>>)
      tpu.yield
    }) : () -> ()
    %mul3A_20 = arith.constant 632 : i32
    %mul3A_21 = arith.muli %arg1, %mul3A_20 : i32
    %add3A_22 = arith.constant 384 : i32
    %add3A_23 = arith.addi %mul3A_21, %add3A_22 : i32
    "tpu.region"() ({
      %run_scoped3A = tpu.sem_alloc : memref<!tpu.dma_semaphore, #tpu.memory_space<semaphore_mem>>
      %dma_start3A_51 = arith.constant 0 : i32
      %dma_start3A_52 = tpu.memref_slice %arg12[%add3A_23, %dma_start3A_51] : memref<10112x128xf32, #tpu.memory_space<vmem_shared>> -> memref<128x128xf32, #tpu.memory_space<vmem_shared>>
      %dma_start3A_53 = arith.constant 0 : i32
      %dma_start3A_54 = tpu.memref_slice %arg12[%add3A_23, %dma_start3A_53] : memref<10112x128xf32, #tpu.memory_space<vmem_shared>> -> memref<128x128xf32, #tpu.memory_space<vmem_shared>>
      tpu.enqueue_dma source(%arg8 : memref<128x128xf32, #tpu.memory_space<vmem>>) target(%dma_start3A_54 : memref<128x128xf32, #tpu.memory_space<vmem_shared>>) target_semaphore(%run_scoped3A : memref<!tpu.dma_semaphore, #tpu.memory_space<semaphore_mem>>)
      %dma_wait3A = arith.constant 0 : i32
      %dma_wait3A_55 = tpu.memref_slice %arg12[%add3A_23, %dma_wait3A] : memref<10112x128xf32, #tpu.memory_space<vmem_shared>> -> memref<128x128xf32, #tpu.memory_space<vmem_shared>>
      %dma_wait3A_56 = arith.constant 0 : i32
      %dma_wait3A_57 = tpu.memref_slice %arg12[%add3A_23, %dma_wait3A_56] : memref<10112x128xf32, #tpu.memory_space<vmem_shared>> -> memref<128x128xf32, #tpu.memory_space<vmem_shared>>
      tpu.wait_dma2 semaphore(%run_scoped3A : memref<!tpu.dma_semaphore, #tpu.memory_space<semaphore_mem>>) src(%arg8 : memref<128x128xf32, #tpu.memory_space<vmem>>) dst(%dma_wait3A_57 : memref<128x128xf32, #tpu.memory_space<vmem_shared>>)
      tpu.yield
    }) : () -> ()
    %mul3A_24 = arith.constant 632 : i32
    %mul3A_25 = arith.muli %arg1, %mul3A_24 : i32
    %add3A_26 = arith.constant 504 : i32
    %add3A_27 = arith.addi %mul3A_25, %add3A_26 : i32
    "tpu.region"() ({
      %run_scoped3A = tpu.sem_alloc : memref<!tpu.dma_semaphore, #tpu.memory_space<semaphore_mem>>
      %dma_start3A_51 = arith.constant 0 : i32
      %dma_start3A_52 = tpu.memref_slice %arg12[%add3A_27, %dma_start3A_51] : memref<10112x128xf32, #tpu.memory_space<vmem_shared>> -> memref<128x128xf32, #tpu.memory_space<vmem_shared>>
      %dma_start3A_53 = arith.constant 0 : i32
      %dma_start3A_54 = tpu.memref_slice %arg12[%add3A_27, %dma_start3A_53] : memref<10112x128xf32, #tpu.memory_space<vmem_shared>> -> memref<128x128xf32, #tpu.memory_space<vmem_shared>>
      tpu.enqueue_dma source(%arg8 : memref<128x128xf32, #tpu.memory_space<vmem>>) target(%dma_start3A_54 : memref<128x128xf32, #tpu.memory_space<vmem_shared>>) target_semaphore(%run_scoped3A : memref<!tpu.dma_semaphore, #tpu.memory_space<semaphore_mem>>)
      %dma_wait3A = arith.constant 0 : i32
      %dma_wait3A_55 = tpu.memref_slice %arg12[%add3A_27, %dma_wait3A] : memref<10112x128xf32, #tpu.memory_space<vmem_shared>> -> memref<128x128xf32, #tpu.memory_space<vmem_shared>>
      %dma_wait3A_56 = arith.constant 0 : i32
      %dma_wait3A_57 = tpu.memref_slice %arg12[%add3A_27, %dma_wait3A_56] : memref<10112x128xf32, #tpu.memory_space<vmem_shared>> -> memref<128x128xf32, #tpu.memory_space<vmem_shared>>
      tpu.wait_dma2 semaphore(%run_scoped3A : memref<!tpu.dma_semaphore, #tpu.memory_space<semaphore_mem>>) src(%arg8 : memref<128x128xf32, #tpu.memory_space<vmem>>) dst(%dma_wait3A_57 : memref<128x128xf32, #tpu.memory_space<vmem_shared>>)
      tpu.yield
    }) : () -> ()
    %dma_start3A = arith.constant 0 : i32
    %dma_start3A_28 = arith.constant 0 : i32
    %dma_start3A_29 = tpu.memref_slice %arg6[%dma_start3A, %dma_start3A_28] : memref<80x128xi32, #tpu.memory_space<vmem>> -> memref<1x128xi32, #tpu.memory_space<vmem>>
    %dma_start3A_30 = tpu.memref_squeeze %dma_start3A_29 : memref<1x128xi32, #tpu.memory_space<vmem>> -> memref<128xi32, #tpu.memory_space<vmem>>
    %dma_start3A_31 = arith.constant 0 : i32
    %dma_start3A_32 = arith.constant 0 : i32
    %dma_start3A_33 = tpu.memref_slice %arg2[%dma_start3A_31, %dma_start3A_32] : memref<10000x128xf32, #tpu.memory_space<hbm>> -> memref<10000x128xf32, #tpu.memory_space<hbm>>
    tpu.enqueue_indirect_dma source(%dma_start3A_33 : memref<10000x128xf32, #tpu.memory_space<hbm>>) target(%arg8 : memref<128x128xf32, #tpu.memory_space<vmem>>) offsets(%dma_start3A_30 : memref<128xi32, #tpu.memory_space<vmem>>) semaphore(%arg10 : memref<!tpu.dma_semaphore, #tpu.memory_space<semaphore_mem>>)
    %dma_start3A_34 = arith.constant 1 : i32
    %dma_start3A_35 = arith.constant 0 : i32
    %dma_start3A_36 = tpu.memref_slice %arg6[%dma_start3A_34, %dma_start3A_35] : memref<80x128xi32, #tpu.memory_space<vmem>> -> memref<1x128xi32, #tpu.memory_space<vmem>>
    %dma_start3A_37 = tpu.memref_squeeze %dma_start3A_36 : memref<1x128xi32, #tpu.memory_space<vmem>> -> memref<128xi32, #tpu.memory_space<vmem>>
    %dma_start3A_38 = arith.constant 0 : i32
    %dma_start3A_39 = arith.constant 0 : i32
    %dma_start3A_40 = tpu.memref_slice %arg2[%dma_start3A_38, %dma_start3A_39] : memref<10000x128xf32, #tpu.memory_space<hbm>> -> memref<10000x128xf32, #tpu.memory_space<hbm>>
    tpu.enqueue_indirect_dma source(%dma_start3A_40 : memref<10000x128xf32, #tpu.memory_space<hbm>>) target(%arg9 : memref<128x128xf32, #tpu.memory_space<vmem>>) offsets(%dma_start3A_37 : memref<128xi32, #tpu.memory_space<vmem>>) semaphore(%arg11 : memref<!tpu.dma_semaphore, #tpu.memory_space<semaphore_mem>>)
    %barrier3A = arith.constant 0 : index
    tpu.barrier barrier_id(%barrier3A)
    %scan3A_41 = arith.constant 0 : i32
    %scan3A_42 = arith.constant 10 : i32
    %scan3A_43 = arith.addi %scan3A_41, %scan3A_42 : i32
    %scan3A_44 = arith.constant 1 : i32
    scf.for %scan3A_51 = %scan3A_41 to %scan3A_43 step %scan3A_44  : i32 {
      %mul3A_52 = arith.constant 1 : i32
      %mul3A_53 = arith.muli %scan3A_51, %mul3A_52 : i32
      %add3A_54 = arith.constant 0 : i32
      %add3A_55 = arith.addi %add3A_54, %mul3A_53 : i32
      %mul3A_56 = arith.constant 8 : i32
      %mul3A_57 = arith.muli %add3A_55, %mul3A_56 : i32
      %add3A_58 = arith.addi %mul3A_2, %mul3A_57 : i32
      %multiple_of3A = tpu.assume_multiple %add3A_58, 8 : i32
      "tpu.region"() ({
        %run_scoped3A = tpu.sem_alloc : memref<!tpu.dma_semaphore, #tpu.memory_space<semaphore_mem>>
        %dma_start3A_64 = arith.constant 0 : i32
        %dma_start3A_65 = tpu.memref_slice %arg4[%multiple_of3A, %dma_start3A_64] : memref<2560x128xi32, #tpu.memory_space<hbm>> -> memref<8x128xi32, #tpu.memory_space<hbm>>
        %dma_start3A_66 = arith.constant 0 : i32
        %dma_start3A_67 = tpu.memref_slice %arg4[%multiple_of3A, %dma_start3A_66] : memref<2560x128xi32, #tpu.memory_space<hbm>> -> memref<8x128xi32, #tpu.memory_space<hbm>>
        tpu.enqueue_dma source(%dma_start3A_67 : memref<8x128xi32, #tpu.memory_space<hbm>>) target(%arg7 : memref<8x128xi32, #tpu.memory_space<vmem>>) target_semaphore(%run_scoped3A : memref<!tpu.dma_semaphore, #tpu.memory_space<semaphore_mem>>)
        %dma_wait3A = arith.constant 0 : i32
        %dma_wait3A_68 = tpu.memref_slice %arg4[%multiple_of3A, %dma_wait3A] : memref<2560x128xi32, #tpu.memory_space<hbm>> -> memref<8x128xi32, #tpu.memory_space<hbm>>
        %dma_wait3A_69 = arith.constant 0 : i32
        %dma_wait3A_70 = tpu.memref_slice %arg4[%multiple_of3A, %dma_wait3A_69] : memref<2560x128xi32, #tpu.memory_space<hbm>> -> memref<8x128xi32, #tpu.memory_space<hbm>>
        tpu.wait_dma2 semaphore(%run_scoped3A : memref<!tpu.dma_semaphore, #tpu.memory_space<semaphore_mem>>) src(%dma_wait3A_70 : memref<8x128xi32, #tpu.memory_space<hbm>>) dst(%arg7 : memref<8x128xi32, #tpu.memory_space<vmem>>)
        tpu.yield
      }) : () -> ()
      %scan3A_59 = arith.constant 0 : i32
      %scan3A_60 = arith.constant 4 : i32
      %scan3A_61 = arith.addi %scan3A_59, %scan3A_60 : i32
      %scan3A_62 = arith.constant 1 : i32
      scf.for %scan3A_64 = %scan3A_59 to %scan3A_61 step %scan3A_62  : i32 {
        %mul3A_65 = arith.constant 2 : i32
        %mul3A_66 = arith.muli %scan3A_64, %mul3A_65 : i32
        %add3A_67 = arith.constant 0 : i32
        %add3A_68 = arith.addi %add3A_67, %mul3A_66 : i32
        %mul3A_69 = arith.constant 8 : i32
        %mul3A_70 = arith.muli %add3A_55, %mul3A_69 : i32
        %add3A_71 = arith.addi %mul3A_70, %add3A_68 : i32
        %add3A_72 = arith.constant 0 : i32
        %add3A_73 = arith.addi %add3A_71, %add3A_72 : i32
        %dma_wait3A = arith.constant 0 : i32
        %dma_wait3A_74 = tpu.memref_slice %arg6[%add3A_73, %dma_wait3A] : memref<80x128xi32, #tpu.memory_space<vmem>> -> memref<1x128xi32, #tpu.memory_space<vmem>>
        %dma_wait3A_75 = tpu.memref_squeeze %dma_wait3A_74 : memref<1x128xi32, #tpu.memory_space<vmem>> -> memref<128xi32, #tpu.memory_space<vmem>>
        %dma_wait3A_76 = arith.constant 0 : i32
        %dma_wait3A_77 = arith.constant 0 : i32
        %dma_wait3A_78 = tpu.memref_slice %arg2[%dma_wait3A_76, %dma_wait3A_77] : memref<10000x128xf32, #tpu.memory_space<hbm>> -> memref<10000x128xf32, #tpu.memory_space<hbm>>
        tpu.wait_indirect_dma semaphore(%arg10 : memref<!tpu.dma_semaphore, #tpu.memory_space<semaphore_mem>>) src(%dma_wait3A_78 : memref<10000x128xf32, #tpu.memory_space<hbm>>) dst(%arg8 : memref<128x128xf32, #tpu.memory_space<vmem>>)
        %add3A_79 = arith.constant 0 : i32
        %add3A_80 = arith.addi %add3A_68, %add3A_79 : i32
        "tpu.region"() ({
          %run_scoped3A = tpu.sem_alloc : memref<!tpu.dma_semaphore, #tpu.memory_space<semaphore_mem>>
          %dma_start3A_106 = arith.constant 0 : i32
          %dma_start3A_107 = tpu.memref_slice %arg7[%add3A_80, %dma_start3A_106] : memref<8x128xi32, #tpu.memory_space<vmem>> -> memref<1x128xi32, #tpu.memory_space<vmem>>
          %dma_start3A_108 = tpu.memref_squeeze %dma_start3A_107 : memref<1x128xi32, #tpu.memory_space<vmem>> -> memref<128xi32, #tpu.memory_space<vmem>>
          %dma_start3A_109 = arith.constant 0 : i32
          %dma_start3A_110 = arith.constant 0 : i32
          %dma_start3A_111 = tpu.memref_slice %arg12[%dma_start3A_109, %dma_start3A_110] : memref<10112x128xf32, #tpu.memory_space<vmem_shared>> -> memref<10112x128xf32, #tpu.memory_space<vmem_shared>>
          tpu.enqueue_indirect_dma source(%arg8 : memref<128x128xf32, #tpu.memory_space<vmem>>) target(%dma_start3A_111 : memref<10112x128xf32, #tpu.memory_space<vmem_shared>>) offsets(%dma_start3A_108 : memref<128xi32, #tpu.memory_space<vmem>>) semaphore(%run_scoped3A : memref<!tpu.dma_semaphore, #tpu.memory_space<semaphore_mem>>) {add = true}
          %dma_wait3A_112 = arith.constant 0 : i32
          %dma_wait3A_113 = tpu.memref_slice %arg7[%add3A_80, %dma_wait3A_112] : memref<8x128xi32, #tpu.memory_space<vmem>> -> memref<1x128xi32, #tpu.memory_space<vmem>>
          %dma_wait3A_114 = tpu.memref_squeeze %dma_wait3A_113 : memref<1x128xi32, #tpu.memory_space<vmem>> -> memref<128xi32, #tpu.memory_space<vmem>>
          %dma_wait3A_115 = arith.constant 0 : i32
          %dma_wait3A_116 = arith.constant 0 : i32
          %dma_wait3A_117 = tpu.memref_slice %arg12[%dma_wait3A_115, %dma_wait3A_116] : memref<10112x128xf32, #tpu.memory_space<vmem_shared>> -> memref<10112x128xf32, #tpu.memory_space<vmem_shared>>
          tpu.wait_indirect_dma semaphore(%run_scoped3A : memref<!tpu.dma_semaphore, #tpu.memory_space<semaphore_mem>>) src(%arg8 : memref<128x128xf32, #tpu.memory_space<vmem>>) dst(%dma_wait3A_117 : memref<10112x128xf32, #tpu.memory_space<vmem_shared>>)
          tpu.yield
        }) : () -> ()
        %add3A_81 = arith.constant 0 : i32
        %add3A_82 = arith.addi %add3A_71, %add3A_81 : i32
        %add3A_83 = arith.constant 2 : i32
        %add3A_84 = arith.addi %add3A_82, %add3A_83 : i32
        %lt3A = arith.constant 80 : i32
        %lt3A_85 = arith.cmpi slt, %add3A_84, %lt3A : i32
        %convert_element_type3A = arith.extui %lt3A_85 : i1 to i32
        %cond3A = arith.constant 0 : i32
        %cond3A_86 = arith.cmpi ne, %convert_element_type3A, %cond3A : i32
        scf.if %cond3A_86 {
          %add3A_106 = arith.constant 0 : i32
          %add3A_107 = arith.addi %add3A_71, %add3A_106 : i32
          %add3A_108 = arith.constant 2 : i32
          %add3A_109 = arith.addi %add3A_107, %add3A_108 : i32
          %dma_start3A_110 = arith.constant 0 : i32
          %dma_start3A_111 = tpu.memref_slice %arg6[%add3A_109, %dma_start3A_110] : memref<80x128xi32, #tpu.memory_space<vmem>> -> memref<1x128xi32, #tpu.memory_space<vmem>>
          %dma_start3A_112 = tpu.memref_squeeze %dma_start3A_111 : memref<1x128xi32, #tpu.memory_space<vmem>> -> memref<128xi32, #tpu.memory_space<vmem>>
          %dma_start3A_113 = arith.constant 0 : i32
          %dma_start3A_114 = arith.constant 0 : i32
          %dma_start3A_115 = tpu.memref_slice %arg2[%dma_start3A_113, %dma_start3A_114] : memref<10000x128xf32, #tpu.memory_space<hbm>> -> memref<10000x128xf32, #tpu.memory_space<hbm>>
          tpu.enqueue_indirect_dma source(%dma_start3A_115 : memref<10000x128xf32, #tpu.memory_space<hbm>>) target(%arg8 : memref<128x128xf32, #tpu.memory_space<vmem>>) offsets(%dma_start3A_112 : memref<128xi32, #tpu.memory_space<vmem>>) semaphore(%arg10 : memref<!tpu.dma_semaphore, #tpu.memory_space<semaphore_mem>>)
        } else {
        }
        %add3A_87 = arith.constant 1 : i32
        %add3A_88 = arith.addi %add3A_71, %add3A_87 : i32
        %dma_wait3A_89 = arith.constant 0 : i32
        %dma_wait3A_90 = tpu.memref_slice %arg6[%add3A_88, %dma_wait3A_89] : memref<80x128xi32, #tpu.memory_space<vmem>> -> memref<1x128xi32, #tpu.memory_space<vmem>>
        %dma_wait3A_91 = tpu.memref_squeeze %dma_wait3A_90 : memref<1x128xi32, #tpu.memory_space<vmem>> -> memref<128xi32, #tpu.memory_space<vmem>>
        %dma_wait3A_92 = arith.constant 0 : i32
        %dma_wait3A_93 = arith.constant 0 : i32
        %dma_wait3A_94 = tpu.memref_slice %arg2[%dma_wait3A_92, %dma_wait3A_93] : memref<10000x128xf32, #tpu.memory_space<hbm>> -> memref<10000x128xf32, #tpu.memory_space<hbm>>
        tpu.wait_indirect_dma semaphore(%arg11 : memref<!tpu.dma_semaphore, #tpu.memory_space<semaphore_mem>>) src(%dma_wait3A_94 : memref<10000x128xf32, #tpu.memory_space<hbm>>) dst(%arg9 : memref<128x128xf32, #tpu.memory_space<vmem>>)
        %add3A_95 = arith.constant 1 : i32
        %add3A_96 = arith.addi %add3A_68, %add3A_95 : i32
        "tpu.region"() ({
          %run_scoped3A = tpu.sem_alloc : memref<!tpu.dma_semaphore, #tpu.memory_space<semaphore_mem>>
          %dma_start3A_106 = arith.constant 0 : i32
          %dma_start3A_107 = tpu.memref_slice %arg7[%add3A_96, %dma_start3A_106] : memref<8x128xi32, #tpu.memory_space<vmem>> -> memref<1x128xi32, #tpu.memory_space<vmem>>
          %dma_start3A_108 = tpu.memref_squeeze %dma_start3A_107 : memref<1x128xi32, #tpu.memory_space<vmem>> -> memref<128xi32, #tpu.memory_space<vmem>>
          %dma_start3A_109 = arith.constant 0 : i32
          %dma_start3A_110 = arith.constant 0 : i32
          %dma_start3A_111 = tpu.memref_slice %arg12[%dma_start3A_109, %dma_start3A_110] : memref<10112x128xf32, #tpu.memory_space<vmem_shared>> -> memref<10112x128xf32, #tpu.memory_space<vmem_shared>>
          tpu.enqueue_indirect_dma source(%arg9 : memref<128x128xf32, #tpu.memory_space<vmem>>) target(%dma_start3A_111 : memref<10112x128xf32, #tpu.memory_space<vmem_shared>>) offsets(%dma_start3A_108 : memref<128xi32, #tpu.memory_space<vmem>>) semaphore(%run_scoped3A : memref<!tpu.dma_semaphore, #tpu.memory_space<semaphore_mem>>) {add = true}
          %dma_wait3A_112 = arith.constant 0 : i32
          %dma_wait3A_113 = tpu.memref_slice %arg7[%add3A_96, %dma_wait3A_112] : memref<8x128xi32, #tpu.memory_space<vmem>> -> memref<1x128xi32, #tpu.memory_space<vmem>>
          %dma_wait3A_114 = tpu.memref_squeeze %dma_wait3A_113 : memref<1x128xi32, #tpu.memory_space<vmem>> -> memref<128xi32, #tpu.memory_space<vmem>>
          %dma_wait3A_115 = arith.constant 0 : i32
          %dma_wait3A_116 = arith.constant 0 : i32
          %dma_wait3A_117 = tpu.memref_slice %arg12[%dma_wait3A_115, %dma_wait3A_116] : memref<10112x128xf32, #tpu.memory_space<vmem_shared>> -> memref<10112x128xf32, #tpu.memory_space<vmem_shared>>
          tpu.wait_indirect_dma semaphore(%run_scoped3A : memref<!tpu.dma_semaphore, #tpu.memory_space<semaphore_mem>>) src(%arg9 : memref<128x128xf32, #tpu.memory_space<vmem>>) dst(%dma_wait3A_117 : memref<10112x128xf32, #tpu.memory_space<vmem_shared>>)
          tpu.yield
        }) : () -> ()
        %add3A_97 = arith.constant 1 : i32
        %add3A_98 = arith.addi %add3A_71, %add3A_97 : i32
        %add3A_99 = arith.constant 2 : i32
        %add3A_100 = arith.addi %add3A_98, %add3A_99 : i32
        %lt3A_101 = arith.constant 80 : i32
        %lt3A_102 = arith.cmpi slt, %add3A_100, %lt3A_101 : i32
        %convert_element_type3A_103 = arith.extui %lt3A_102 : i1 to i32
        %cond3A_104 = arith.constant 0 : i32
        %cond3A_105 = arith.cmpi ne, %convert_element_type3A_103, %cond3A_104 : i32
        scf.if %cond3A_105 {
          %add3A_106 = arith.constant 1 : i32
          %add3A_107 = arith.addi %add3A_71, %add3A_106 : i32
          %add3A_108 = arith.constant 2 : i32
          %add3A_109 = arith.addi %add3A_107, %add3A_108 : i32
          %dma_start3A_110 = arith.constant 0 : i32
          %dma_start3A_111 = tpu.memref_slice %arg6[%add3A_109, %dma_start3A_110] : memref<80x128xi32, #tpu.memory_space<vmem>> -> memref<1x128xi32, #tpu.memory_space<vmem>>
          %dma_start3A_112 = tpu.memref_squeeze %dma_start3A_111 : memref<1x128xi32, #tpu.memory_space<vmem>> -> memref<128xi32, #tpu.memory_space<vmem>>
          %dma_start3A_113 = arith.constant 0 : i32
          %dma_start3A_114 = arith.constant 0 : i32
          %dma_start3A_115 = tpu.memref_slice %arg2[%dma_start3A_113, %dma_start3A_114] : memref<10000x128xf32, #tpu.memory_space<hbm>> -> memref<10000x128xf32, #tpu.memory_space<hbm>>
          tpu.enqueue_indirect_dma source(%dma_start3A_115 : memref<10000x128xf32, #tpu.memory_space<hbm>>) target(%arg9 : memref<128x128xf32, #tpu.memory_space<vmem>>) offsets(%dma_start3A_112 : memref<128xi32, #tpu.memory_space<vmem>>) semaphore(%arg11 : memref<!tpu.dma_semaphore, #tpu.memory_space<semaphore_mem>>)
        } else {
        }
      }
      %scan3A_63 = arith.constant 4 : i32
    }
    %scan3A_45 = arith.constant 10 : i32
    %barrier3A_46 = arith.constant 0 : index
    tpu.barrier barrier_id(%barrier3A_46)
    %mul3A_47 = arith.constant 632 : i32
    %mul3A_48 = arith.muli %arg1, %mul3A_47 : i32
    %mul3A_49 = arith.constant 632 : i32
    %mul3A_50 = arith.muli %arg1, %mul3A_49 : i32
    "tpu.region"() ({
      %run_scoped3A = tpu.sem_alloc : memref<!tpu.dma_semaphore, #tpu.memory_space<semaphore_mem>>
      %dma_start3A_51 = arith.constant 0 : i32
      %dma_start3A_52 = tpu.memref_slice %arg5[%arg0, %mul3A_50, %dma_start3A_51] : memref<2x10112x128xf32, #tpu.memory_space<hbm>> -> memref<1x632x128xf32, #tpu.memory_space<hbm>>
      %dma_start3A_53 = tpu.memref_squeeze %dma_start3A_52 : memref<1x632x128xf32, #tpu.memory_space<hbm>> -> memref<632x128xf32, #tpu.memory_space<hbm>>
      %dma_start3A_54 = arith.constant 0 : i32
      %dma_start3A_55 = tpu.memref_slice %arg12[%mul3A_48, %dma_start3A_54] : memref<10112x128xf32, #tpu.memory_space<vmem_shared>> -> memref<632x128xf32, #tpu.memory_space<vmem_shared>>
      tpu.enqueue_dma source(%dma_start3A_55 : memref<632x128xf32, #tpu.memory_space<vmem_shared>>) target(%dma_start3A_53 : memref<632x128xf32, #tpu.memory_space<hbm>>) target_semaphore(%run_scoped3A : memref<!tpu.dma_semaphore, #tpu.memory_space<semaphore_mem>>)
      %dma_wait3A = arith.constant 0 : i32
      %dma_wait3A_56 = tpu.memref_slice %arg5[%arg0, %mul3A_50, %dma_wait3A] : memref<2x10112x128xf32, #tpu.memory_space<hbm>> -> memref<1x632x128xf32, #tpu.memory_space<hbm>>
      %dma_wait3A_57 = tpu.memref_squeeze %dma_wait3A_56 : memref<1x632x128xf32, #tpu.memory_space<hbm>> -> memref<632x128xf32, #tpu.memory_space<hbm>>
      %dma_wait3A_58 = arith.constant 0 : i32
      %dma_wait3A_59 = tpu.memref_slice %arg12[%mul3A_48, %dma_wait3A_58] : memref<10112x128xf32, #tpu.memory_space<vmem_shared>> -> memref<632x128xf32, #tpu.memory_space<vmem_shared>>
      tpu.wait_dma2 semaphore(%run_scoped3A : memref<!tpu.dma_semaphore, #tpu.memory_space<semaphore_mem>>) src(%dma_wait3A_59 : memref<632x128xf32, #tpu.memory_space<vmem_shared>>) dst(%dma_wait3A_57 : memref<632x128xf32, #tpu.memory_space<hbm>>)
      tpu.yield
    }) : () -> ()
    return
  }
}

#map = affine_map<(d0, d1) -> (0, 0)>
#map1 = affine_map<(d0, d1) -> (0, 0, 0)>
module attributes {stable_mosaic.version = 14 : i64} {
  func.func @k(%arg0: i32, %arg1: i32, %arg2: memref<10000x128xf32, #tpu.memory_space<hbm>>, %arg3: memref<2560x128xi32, #tpu.memory_space<hbm>>, %arg4: memref<2560x128xi32, #tpu.memory_space<hbm>>, %arg5: memref<2x10112x128xf32, #tpu.memory_space<hbm>>, %arg6: memref<80x128xi32, #tpu.memory_space<vmem>>, %arg7: memref<8x128xi32, #tpu.memory_space<vmem>>, %arg8: memref<128x128xf32, #tpu.memory_space<vmem>>, %arg9: memref<128x128xf32, #tpu.memory_space<vmem>>, %arg10: memref<!tpu.dma_semaphore, #tpu.memory_space<semaphore_mem>>, %arg11: memref<!tpu.dma_semaphore, #tpu.memory_space<semaphore_mem>>, %arg12: memref<10112x128xf32, #tpu.memory_space<vmem_shared>>) attributes {dimension_semantics = [#tpu.dimension_semantics<core_parallel>, #tpu.dimension_semantics<subcore_parallel>], iteration_bounds = array<i64: 2, 16>, scalar_prefetch = 0 : i64, scratch_operands = 7 : i64, tpu.core_type = #tpu.core_type<sc_vector_subcore>, window_params = [{transform_indices = #map}, {transform_indices = #map}, {transform_indices = #map}, {transform_indices = #map1}]} {
    %mul3A = arith.constant 16 : i32
    %mul3A_0 = arith.muli %arg0, %mul3A : i32
    %add3A = arith.addi %mul3A_0, %arg1 : i32
    %mul3A_1 = arith.constant 80 : i32
    %mul3A_2 = arith.muli %add3A, %mul3A_1 : i32
    "tpu.region"() ({
      %run_scoped3A = tpu.sem_alloc : memref<!tpu.dma_semaphore, #tpu.memory_space<semaphore_mem>>
      %dma_start3A_51 = arith.constant 0 : i32
      %dma_start3A_52 = tpu.memref_slice %arg3[%mul3A_2, %dma_start3A_51] : memref<2560x128xi32, #tpu.memory_space<hbm>> -> memref<80x128xi32, #tpu.memory_space<hbm>>
      %dma_start3A_53 = arith.constant 0 : i32
      %dma_start3A_54 = tpu.memref_slice %arg3[%mul3A_2, %dma_start3A_53] : memref<2560x128xi32, #tpu.memory_space<hbm>> -> memref<80x128xi32, #tpu.memory_space<hbm>>
      tpu.enqueue_dma source(%dma_start3A_54 : memref<80x128xi32, #tpu.memory_space<hbm>>) target(%arg6 : memref<80x128xi32, #tpu.memory_space<vmem>>) target_semaphore(%run_scoped3A : memref<!tpu.dma_semaphore, #tpu.memory_space<semaphore_mem>>)
      %dma_wait3A = arith.constant 0 : i32
      %dma_wait3A_55 = tpu.memref_slice %arg3[%mul3A_2, %dma_wait3A] : memref<2560x128xi32, #tpu.memory_space<hbm>> -> memref<80x128xi32, #tpu.memory_space<hbm>>
      %dma_wait3A_56 = arith.constant 0 : i32
      %dma_wait3A_57 = tpu.memref_slice %arg3[%mul3A_2, %dma_wait3A_56] : memref<2560x128xi32, #tpu.memory_space<hbm>> -> memref<80x128xi32, #tpu.memory_space<hbm>>
      tpu.wait_dma2 semaphore(%run_scoped3A : memref<!tpu.dma_semaphore, #tpu.memory_space<semaphore_mem>>) src(%dma_wait3A_57 : memref<80x128xi32, #tpu.memory_space<hbm>>) dst(%arg6 : memref<80x128xi32, #tpu.memory_space<vmem>>)
      tpu.yield
    }) : () -> ()
    %broadcast_in_dim3A = arith.constant 0.000000e+00 : f32
    %broadcast_in_dim3A_3 = vector.broadcast %broadcast_in_dim3A : f32 to vector<16xf32>
    %scan3A = arith.constant 0 : i32
    %scan3A_4 = arith.constant 128 : i32
    %scan3A_5 = arith.addi %scan3A, %scan3A_4 : i32
    %scan3A_6 = arith.constant 1 : i32
    scf.for %scan3A_51 = %scan3A to %scan3A_5 step %scan3A_6  : i32 {
      %mul3A_52 = arith.constant 1 : i32
      %mul3A_53 = arith.muli %scan3A_51, %mul3A_52 : i32
      %add3A_54 = arith.constant 0 : i32
      %add3A_55 = arith.addi %add3A_54, %mul3A_53 : i32
      %swap3A = arith.index_cast %add3A_55 : i32 to index
      %swap3A_56 = arith.constant 0 : index
      %swap3A_57 = tpu.vector_load %arg8[%swap3A, %swap3A_56] {strides = array<i32>} : memref<128x128xf32, #tpu.memory_space<vmem>>, vector<1x16xf32>,
      %swap3A_58 = vector.shape_cast %swap3A_57 : vector<1x16xf32> to vector<16xf32>
      %swap3A_59 = vector.shape_cast %broadcast_in_dim3A_3 : vector<16xf32> to vector<1x16xf32>
      tpu.vector_store %arg8[%swap3A, %swap3A_56], %swap3A_59 {strides = array<i32>} : memref<128x128xf32, #tpu.memory_space<vmem>>, vector<1x16xf32>,
      %swap3A_60 = arith.index_cast %add3A_55 : i32 to index
      %swap3A_61 = arith.constant 16 : index
      %swap3A_62 = tpu.vector_load %arg8[%swap3A_60, %swap3A_61] {strides = array<i32>} : memref<128x128xf32, #tpu.memory_space<vmem>>, vector<1x16xf32>,
      %swap3A_63 = vector.shape_cast %swap3A_62 : vector<1x16xf32> to vector<16xf32>
      %swap3A_64 = vector.shape_cast %broadcast_in_dim3A_3 : vector<16xf32> to vector<1x16xf32>
      tpu.vector_store %arg8[%swap3A_60, %swap3A_61], %swap3A_64 {strides = array<i32>} : memref<128x128xf32, #tpu.memory_space<vmem>>, vector<1x16xf32>,
      %swap3A_65 = arith.index_cast %add3A_55 : i32 to index
      %swap3A_66 = arith.constant 32 : index
      %swap3A_67 = tpu.vector_load %arg8[%swap3A_65, %swap3A_66] {strides = array<i32>} : memref<128x128xf32, #tpu.memory_space<vmem>>, vector<1x16xf32>,
      %swap3A_68 = vector.shape_cast %swap3A_67 : vector<1x16xf32> to vector<16xf32>
      %swap3A_69 = vector.shape_cast %broadcast_in_dim3A_3 : vector<16xf32> to vector<1x16xf32>
      tpu.vector_store %arg8[%swap3A_65, %swap3A_66], %swap3A_69 {strides = array<i32>} : memref<128x128xf32, #tpu.memory_space<vmem>>, vector<1x16xf32>,
      %swap3A_70 = arith.index_cast %add3A_55 : i32 to index
      %swap3A_71 = arith.constant 48 : index
      %swap3A_72 = tpu.vector_load %arg8[%swap3A_70, %swap3A_71] {strides = array<i32>} : memref<128x128xf32, #tpu.memory_space<vmem>>, vector<1x16xf32>,
      %swap3A_73 = vector.shape_cast %swap3A_72 : vector<1x16xf32> to vector<16xf32>
      %swap3A_74 = vector.shape_cast %broadcast_in_dim3A_3 : vector<16xf32> to vector<1x16xf32>
      tpu.vector_store %arg8[%swap3A_70, %swap3A_71], %swap3A_74 {strides = array<i32>} : memref<128x128xf32, #tpu.memory_space<vmem>>, vector<1x16xf32>,
      %swap3A_75 = arith.index_cast %add3A_55 : i32 to index
      %swap3A_76 = arith.constant 64 : index
      %swap3A_77 = tpu.vector_load %arg8[%swap3A_75, %swap3A_76] {strides = array<i32>} : memref<128x128xf32, #tpu.memory_space<vmem>>, vector<1x16xf32>,
      %swap3A_78 = vector.shape_cast %swap3A_77 : vector<1x16xf32> to vector<16xf32>
      %swap3A_79 = vector.shape_cast %broadcast_in_dim3A_3 : vector<16xf32> to vector<1x16xf32>
      tpu.vector_store %arg8[%swap3A_75, %swap3A_76], %swap3A_79 {strides = array<i32>} : memref<128x128xf32, #tpu.memory_space<vmem>>, vector<1x16xf32>,
      %swap3A_80 = arith.index_cast %add3A_55 : i32 to index
      %swap3A_81 = arith.constant 80 : index
      %swap3A_82 = tpu.vector_load %arg8[%swap3A_80, %swap3A_81] {strides = array<i32>} : memref<128x128xf32, #tpu.memory_space<vmem>>, vector<1x16xf32>,
      %swap3A_83 = vector.shape_cast %swap3A_82 : vector<1x16xf32> to vector<16xf32>
      %swap3A_84 = vector.shape_cast %broadcast_in_dim3A_3 : vector<16xf32> to vector<1x16xf32>
      tpu.vector_store %arg8[%swap3A_80, %swap3A_81], %swap3A_84 {strides = array<i32>} : memref<128x128xf32, #tpu.memory_space<vmem>>, vector<1x16xf32>,
      %swap3A_85 = arith.index_cast %add3A_55 : i32 to index
      %swap3A_86 = arith.constant 96 : index
      %swap3A_87 = tpu.vector_load %arg8[%swap3A_85, %swap3A_86] {strides = array<i32>} : memref<128x128xf32, #tpu.memory_space<vmem>>, vector<1x16xf32>,
      %swap3A_88 = vector.shape_cast %swap3A_87 : vector<1x16xf32> to vector<16xf32>
      %swap3A_89 = vector.shape_cast %broadcast_in_dim3A_3 : vector<16xf32> to vector<1x16xf32>
      tpu.vector_store %arg8[%swap3A_85, %swap3A_86], %swap3A_89 {strides = array<i32>} : memref<128x128xf32, #tpu.memory_space<vmem>>, vector<1x16xf32>,
      %swap3A_90 = arith.index_cast %add3A_55 : i32 to index
      %swap3A_91 = arith.constant 112 : index
      %swap3A_92 = tpu.vector_load %arg8[%swap3A_90, %swap3A_91] {strides = array<i32>} : memref<128x128xf32, #tpu.memory_space<vmem>>, vector<1x16xf32>,
      %swap3A_93 = vector.shape_cast %swap3A_92 : vector<1x16xf32> to vector<16xf32>
      %swap3A_94 = vector.shape_cast %broadcast_in_dim3A_3 : vector<16xf32> to vector<1x16xf32>
      tpu.vector_store %arg8[%swap3A_90, %swap3A_91], %swap3A_94 {strides = array<i32>} : memref<128x128xf32, #tpu.memory_space<vmem>>, vector<1x16xf32>,
    }
    %scan3A_7 = arith.constant 128 : i32
    %mul3A_8 = arith.constant 632 : i32
    %mul3A_9 = arith.muli %arg1, %mul3A_8 : i32
    %add3A_10 = arith.constant 0 : i32
    %add3A_11 = arith.addi %mul3A_9, %add3A_10 : i32
    "tpu.region"() ({
      %run_scoped3A = tpu.sem_alloc : memref<!tpu.dma_semaphore, #tpu.memory_space<semaphore_mem>>
      %dma_start3A_51 = arith.constant 0 : i32
      %dma_start3A_52 = tpu.memref_slice %arg12[%add3A_11, %dma_start3A_51] : memref<10112x128xf32, #tpu.memory_space<vmem_shared>> -> memref<128x128xf32, #tpu.memory_space<vmem_shared>>
      %dma_start3A_53 = arith.constant 0 : i32
      %dma_start3A_54 = tpu.memref_slice %arg12[%add3A_11, %dma_start3A_53] : memref<10112x128xf32, #tpu.memory_space<vmem_shared>> -> memref<128x128xf32, #tpu.memory_space<vmem_shared>>
      tpu.enqueue_dma source(%arg8 : memref<128x128xf32, #tpu.memory_space<vmem>>) target(%dma_start3A_54 : memref<128x128xf32, #tpu.memory_space<vmem_shared>>) target_semaphore(%run_scoped3A : memref<!tpu.dma_semaphore, #tpu.memory_space<semaphore_mem>>)
      %dma_wait3A = arith.constant 0 : i32
      %dma_wait3A_55 = tpu.memref_slice %arg12[%add3A_11, %dma_wait3A] : memref<10112x128xf32, #tpu.memory_space<vmem_shared>> -> memref<128x128xf32, #tpu.memory_space<vmem_shared>>
      %dma_wait3A_56 = arith.constant 0 : i32
      %dma_wait3A_57 = tpu.memref_slice %arg12[%add3A_11, %dma_wait3A_56] : memref<10112x128xf32, #tpu.memory_space<vmem_shared>> -> memref<128x128xf32, #tpu.memory_space<vmem_shared>>
      tpu.wait_dma2 semaphore(%run_scoped3A : memref<!tpu.dma_semaphore, #tpu.memory_space<semaphore_mem>>) src(%arg8 : memref<128x128xf32, #tpu.memory_space<vmem>>) dst(%dma_wait3A_57 : memref<128x128xf32, #tpu.memory_space<vmem_shared>>)
      tpu.yield
    }) : () -> ()
    %mul3A_12 = arith.constant 632 : i32
    %mul3A_13 = arith.muli %arg1, %mul3A_12 : i32
    %add3A_14 = arith.constant 128 : i32
    %add3A_15 = arith.addi %mul3A_13, %add3A_14 : i32
    "tpu.region"() ({
      %run_scoped3A = tpu.sem_alloc : memref<!tpu.dma_semaphore, #tpu.memory_space<semaphore_mem>>
      %dma_start3A_51 = arith.constant 0 : i32
      %dma_start3A_52 = tpu.memref_slice %arg12[%add3A_15, %dma_start3A_51] : memref<10112x128xf32, #tpu.memory_space<vmem_shared>> -> memref<128x128xf32, #tpu.memory_space<vmem_shared>>
      %dma_start3A_53 = arith.constant 0 : i32
      %dma_start3A_54 = tpu.memref_slice %arg12[%add3A_15, %dma_start3A_53] : memref<10112x128xf32, #tpu.memory_space<vmem_shared>> -> memref<128x128xf32, #tpu.memory_space<vmem_shared>>
      tpu.enqueue_dma source(%arg8 : memref<128x128xf32, #tpu.memory_space<vmem>>) target(%dma_start3A_54 : memref<128x128xf32, #tpu.memory_space<vmem_shared>>) target_semaphore(%run_scoped3A : memref<!tpu.dma_semaphore, #tpu.memory_space<semaphore_mem>>)
      %dma_wait3A = arith.constant 0 : i32
      %dma_wait3A_55 = tpu.memref_slice %arg12[%add3A_15, %dma_wait3A] : memref<10112x128xf32, #tpu.memory_space<vmem_shared>> -> memref<128x128xf32, #tpu.memory_space<vmem_shared>>
      %dma_wait3A_56 = arith.constant 0 : i32
      %dma_wait3A_57 = tpu.memref_slice %arg12[%add3A_15, %dma_wait3A_56] : memref<10112x128xf32, #tpu.memory_space<vmem_shared>> -> memref<128x128xf32, #tpu.memory_space<vmem_shared>>
      tpu.wait_dma2 semaphore(%run_scoped3A : memref<!tpu.dma_semaphore, #tpu.memory_space<semaphore_mem>>) src(%arg8 : memref<128x128xf32, #tpu.memory_space<vmem>>) dst(%dma_wait3A_57 : memref<128x128xf32, #tpu.memory_space<vmem_shared>>)
      tpu.yield
    }) : () -> ()
    %mul3A_16 = arith.constant 632 : i32
    %mul3A_17 = arith.muli %arg1, %mul3A_16 : i32
    %add3A_18 = arith.constant 256 : i32
    %add3A_19 = arith.addi %mul3A_17, %add3A_18 : i32
    "tpu.region"() ({
      %run_scoped3A = tpu.sem_alloc : memref<!tpu.dma_semaphore, #tpu.memory_space<semaphore_mem>>
      %dma_start3A_51 = arith.constant 0 : i32
      %dma_start3A_52 = tpu.memref_slice %arg12[%add3A_19, %dma_start3A_51] : memref<10112x128xf32, #tpu.memory_space<vmem_shared>> -> memref<128x128xf32, #tpu.memory_space<vmem_shared>>
      %dma_start3A_53 = arith.constant 0 : i32
      %dma_start3A_54 = tpu.memref_slice %arg12[%add3A_19, %dma_start3A_53] : memref<10112x128xf32, #tpu.memory_space<vmem_shared>> -> memref<128x128xf32, #tpu.memory_space<vmem_shared>>
      tpu.enqueue_dma source(%arg8 : memref<128x128xf32, #tpu.memory_space<vmem>>) target(%dma_start3A_54 : memref<128x128xf32, #tpu.memory_space<vmem_shared>>) target_semaphore(%run_scoped3A : memref<!tpu.dma_semaphore, #tpu.memory_space<semaphore_mem>>)
      %dma_wait3A = arith.constant 0 : i32
      %dma_wait3A_55 = tpu.memref_slice %arg12[%add3A_19, %dma_wait3A] : memref<10112x128xf32, #tpu.memory_space<vmem_shared>> -> memref<128x128xf32, #tpu.memory_space<vmem_shared>>
      %dma_wait3A_56 = arith.constant 0 : i32
      %dma_wait3A_57 = tpu.memref_slice %arg12[%add3A_19, %dma_wait3A_56] : memref<10112x128xf32, #tpu.memory_space<vmem_shared>> -> memref<128x128xf32, #tpu.memory_space<vmem_shared>>
      tpu.wait_dma2 semaphore(%run_scoped3A : memref<!tpu.dma_semaphore, #tpu.memory_space<semaphore_mem>>) src(%arg8 : memref<128x128xf32, #tpu.memory_space<vmem>>) dst(%dma_wait3A_57 : memref<128x128xf32, #tpu.memory_space<vmem_shared>>)
      tpu.yield
    }) : () -> ()
    %mul3A_20 = arith.constant 632 : i32
    %mul3A_21 = arith.muli %arg1, %mul3A_20 : i32
    %add3A_22 = arith.constant 384 : i32
    %add3A_23 = arith.addi %mul3A_21, %add3A_22 : i32
    "tpu.region"() ({
      %run_scoped3A = tpu.sem_alloc : memref<!tpu.dma_semaphore, #tpu.memory_space<semaphore_mem>>
      %dma_start3A_51 = arith.constant 0 : i32
      %dma_start3A_52 = tpu.memref_slice %arg12[%add3A_23, %dma_start3A_51] : memref<10112x128xf32, #tpu.memory_space<vmem_shared>> -> memref<128x128xf32, #tpu.memory_space<vmem_shared>>
      %dma_start3A_53 = arith.constant 0 : i32
      %dma_start3A_54 = tpu.memref_slice %arg12[%add3A_23, %dma_start3A_53] : memref<10112x128xf32, #tpu.memory_space<vmem_shared>> -> memref<128x128xf32, #tpu.memory_space<vmem_shared>>
      tpu.enqueue_dma source(%arg8 : memref<128x128xf32, #tpu.memory_space<vmem>>) target(%dma_start3A_54 : memref<128x128xf32, #tpu.memory_space<vmem_shared>>) target_semaphore(%run_scoped3A : memref<!tpu.dma_semaphore, #tpu.memory_space<semaphore_mem>>)
      %dma_wait3A = arith.constant 0 : i32
      %dma_wait3A_55 = tpu.memref_slice %arg12[%add3A_23, %dma_wait3A] : memref<10112x128xf32, #tpu.memory_space<vmem_shared>> -> memref<128x128xf32, #tpu.memory_space<vmem_shared>>
      %dma_wait3A_56 = arith.constant 0 : i32
      %dma_wait3A_57 = tpu.memref_slice %arg12[%add3A_23, %dma_wait3A_56] : memref<10112x128xf32, #tpu.memory_space<vmem_shared>> -> memref<128x128xf32, #tpu.memory_space<vmem_shared>>
      tpu.wait_dma2 semaphore(%run_scoped3A : memref<!tpu.dma_semaphore, #tpu.memory_space<semaphore_mem>>) src(%arg8 : memref<128x128xf32, #tpu.memory_space<vmem>>) dst(%dma_wait3A_57 : memref<128x128xf32, #tpu.memory_space<vmem_shared>>)
      tpu.yield
    }) : () -> ()
    %mul3A_24 = arith.constant 632 : i32
    %mul3A_25 = arith.muli %arg1, %mul3A_24 : i32
    %add3A_26 = arith.constant 504 : i32
    %add3A_27 = arith.addi %mul3A_25, %add3A_26 : i32
    "tpu.region"() ({
      %run_scoped3A = tpu.sem_alloc : memref<!tpu.dma_semaphore, #tpu.memory_space<semaphore_mem>>
      %dma_start3A_51 = arith.constant 0 : i32
      %dma_start3A_52 = tpu.memref_slice %arg12[%add3A_27, %dma_start3A_51] : memref<10112x128xf32, #tpu.memory_space<vmem_shared>> -> memref<128x128xf32, #tpu.memory_space<vmem_shared>>
      %dma_start3A_53 = arith.constant 0 : i32
      %dma_start3A_54 = tpu.memref_slice %arg12[%add3A_27, %dma_start3A_53] : memref<10112x128xf32, #tpu.memory_space<vmem_shared>> -> memref<128x128xf32, #tpu.memory_space<vmem_shared>>
      tpu.enqueue_dma source(%arg8 : memref<128x128xf32, #tpu.memory_space<vmem>>) target(%dma_start3A_54 : memref<128x128xf32, #tpu.memory_space<vmem_shared>>) target_semaphore(%run_scoped3A : memref<!tpu.dma_semaphore, #tpu.memory_space<semaphore_mem>>)
      %dma_wait3A = arith.constant 0 : i32
      %dma_wait3A_55 = tpu.memref_slice %arg12[%add3A_27, %dma_wait3A] : memref<10112x128xf32, #tpu.memory_space<vmem_shared>> -> memref<128x128xf32, #tpu.memory_space<vmem_shared>>
      %dma_wait3A_56 = arith.constant 0 : i32
      %dma_wait3A_57 = tpu.memref_slice %arg12[%add3A_27, %dma_wait3A_56] : memref<10112x128xf32, #tpu.memory_space<vmem_shared>> -> memref<128x128xf32, #tpu.memory_space<vmem_shared>>
      tpu.wait_dma2 semaphore(%run_scoped3A : memref<!tpu.dma_semaphore, #tpu.memory_space<semaphore_mem>>) src(%arg8 : memref<128x128xf32, #tpu.memory_space<vmem>>) dst(%dma_wait3A_57 : memref<128x128xf32, #tpu.memory_space<vmem_shared>>)
      tpu.yield
    }) : () -> ()
    %dma_start3A = arith.constant 0 : i32
    %dma_start3A_28 = arith.constant 0 : i32
    %dma_start3A_29 = tpu.memref_slice %arg6[%dma_start3A, %dma_start3A_28] : memref<80x128xi32, #tpu.memory_space<vmem>> -> memref<1x128xi32, #tpu.memory_space<vmem>>
    %dma_start3A_30 = tpu.memref_squeeze %dma_start3A_29 : memref<1x128xi32, #tpu.memory_space<vmem>> -> memref<128xi32, #tpu.memory_space<vmem>>
    %dma_start3A_31 = arith.constant 0 : i32
    %dma_start3A_32 = arith.constant 0 : i32
    %dma_start3A_33 = tpu.memref_slice %arg2[%dma_start3A_31, %dma_start3A_32] : memref<10000x128xf32, #tpu.memory_space<hbm>> -> memref<10000x128xf32, #tpu.memory_space<hbm>>
    tpu.enqueue_indirect_dma source(%dma_start3A_33 : memref<10000x128xf32, #tpu.memory_space<hbm>>) target(%arg8 : memref<128x128xf32, #tpu.memory_space<vmem>>) offsets(%dma_start3A_30 : memref<128xi32, #tpu.memory_space<vmem>>) semaphore(%arg10 : memref<!tpu.dma_semaphore, #tpu.memory_space<semaphore_mem>>)
    %dma_start3A_34 = arith.constant 1 : i32
    %dma_start3A_35 = arith.constant 0 : i32
    %dma_start3A_36 = tpu.memref_slice %arg6[%dma_start3A_34, %dma_start3A_35] : memref<80x128xi32, #tpu.memory_space<vmem>> -> memref<1x128xi32, #tpu.memory_space<vmem>>
    %dma_start3A_37 = tpu.memref_squeeze %dma_start3A_36 : memref<1x128xi32, #tpu.memory_space<vmem>> -> memref<128xi32, #tpu.memory_space<vmem>>
    %dma_start3A_38 = arith.constant 0 : i32
    %dma_start3A_39 = arith.constant 0 : i32
    %dma_start3A_40 = tpu.memref_slice %arg2[%dma_start3A_38, %dma_start3A_39] : memref<10000x128xf32, #tpu.memory_space<hbm>> -> memref<10000x128xf32, #tpu.memory_space<hbm>>
    tpu.enqueue_indirect_dma source(%dma_start3A_40 : memref<10000x128xf32, #tpu.memory_space<hbm>>) target(%arg9 : memref<128x128xf32, #tpu.memory_space<vmem>>) offsets(%dma_start3A_37 : memref<128xi32, #tpu.memory_space<vmem>>) semaphore(%arg11 : memref<!tpu.dma_semaphore, #tpu.memory_space<semaphore_mem>>)
    %barrier3A = arith.constant 0 : index
    tpu.barrier barrier_id(%barrier3A)
    %scan3A_41 = arith.constant 0 : i32
    %scan3A_42 = arith.constant 10 : i32
    %scan3A_43 = arith.addi %scan3A_41, %scan3A_42 : i32
    %scan3A_44 = arith.constant 1 : i32
    scf.for %scan3A_51 = %scan3A_41 to %scan3A_43 step %scan3A_44  : i32 {
      %mul3A_52 = arith.constant 1 : i32
      %mul3A_53 = arith.muli %scan3A_51, %mul3A_52 : i32
      %add3A_54 = arith.constant 0 : i32
      %add3A_55 = arith.addi %add3A_54, %mul3A_53 : i32
      %mul3A_56 = arith.constant 8 : i32
      %mul3A_57 = arith.muli %add3A_55, %mul3A_56 : i32
      %add3A_58 = arith.addi %mul3A_2, %mul3A_57 : i32
      %multiple_of3A = tpu.assume_multiple %add3A_58, 8 : i32
      "tpu.region"() ({
        %run_scoped3A = tpu.sem_alloc : memref<!tpu.dma_semaphore, #tpu.memory_space<semaphore_mem>>
        %dma_start3A_64 = arith.constant 0 : i32
        %dma_start3A_65 = tpu.memref_slice %arg4[%multiple_of3A, %dma_start3A_64] : memref<2560x128xi32, #tpu.memory_space<hbm>> -> memref<8x128xi32, #tpu.memory_space<hbm>>
        %dma_start3A_66 = arith.constant 0 : i32
        %dma_start3A_67 = tpu.memref_slice %arg4[%multiple_of3A, %dma_start3A_66] : memref<2560x128xi32, #tpu.memory_space<hbm>> -> memref<8x128xi32, #tpu.memory_space<hbm>>
        tpu.enqueue_dma source(%dma_start3A_67 : memref<8x128xi32, #tpu.memory_space<hbm>>) target(%arg7 : memref<8x128xi32, #tpu.memory_space<vmem>>) target_semaphore(%run_scoped3A : memref<!tpu.dma_semaphore, #tpu.memory_space<semaphore_mem>>)
        %dma_wait3A = arith.constant 0 : i32
        %dma_wait3A_68 = tpu.memref_slice %arg4[%multiple_of3A, %dma_wait3A] : memref<2560x128xi32, #tpu.memory_space<hbm>> -> memref<8x128xi32, #tpu.memory_space<hbm>>
        %dma_wait3A_69 = arith.constant 0 : i32
        %dma_wait3A_70 = tpu.memref_slice %arg4[%multiple_of3A, %dma_wait3A_69] : memref<2560x128xi32, #tpu.memory_space<hbm>> -> memref<8x128xi32, #tpu.memory_space<hbm>>
        tpu.wait_dma2 semaphore(%run_scoped3A : memref<!tpu.dma_semaphore, #tpu.memory_space<semaphore_mem>>) src(%dma_wait3A_70 : memref<8x128xi32, #tpu.memory_space<hbm>>) dst(%arg7 : memref<8x128xi32, #tpu.memory_space<vmem>>)
        tpu.yield
      }) : () -> ()
      %scan3A_59 = arith.constant 0 : i32
      %scan3A_60 = arith.constant 4 : i32
      %scan3A_61 = arith.addi %scan3A_59, %scan3A_60 : i32
      %scan3A_62 = arith.constant 1 : i32
      scf.for %scan3A_64 = %scan3A_59 to %scan3A_61 step %scan3A_62  : i32 {
        %mul3A_65 = arith.constant 2 : i32
        %mul3A_66 = arith.muli %scan3A_64, %mul3A_65 : i32
        %add3A_67 = arith.constant 0 : i32
        %add3A_68 = arith.addi %add3A_67, %mul3A_66 : i32
        %mul3A_69 = arith.constant 8 : i32
        %mul3A_70 = arith.muli %add3A_55, %mul3A_69 : i32
        %add3A_71 = arith.addi %mul3A_70, %add3A_68 : i32
        %add3A_72 = arith.constant 0 : i32
        %add3A_73 = arith.addi %add3A_71, %add3A_72 : i32
        %dma_wait3A = arith.constant 0 : i32
        %dma_wait3A_74 = tpu.memref_slice %arg6[%add3A_73, %dma_wait3A] : memref<80x128xi32, #tpu.memory_space<vmem>> -> memref<1x128xi32, #tpu.memory_space<vmem>>
        %dma_wait3A_75 = tpu.memref_squeeze %dma_wait3A_74 : memref<1x128xi32, #tpu.memory_space<vmem>> -> memref<128xi32, #tpu.memory_space<vmem>>
        %dma_wait3A_76 = arith.constant 0 : i32
        %dma_wait3A_77 = arith.constant 0 : i32
        %dma_wait3A_78 = tpu.memref_slice %arg2[%dma_wait3A_76, %dma_wait3A_77] : memref<10000x128xf32, #tpu.memory_space<hbm>> -> memref<10000x128xf32, #tpu.memory_space<hbm>>
        tpu.wait_indirect_dma semaphore(%arg10 : memref<!tpu.dma_semaphore, #tpu.memory_space<semaphore_mem>>) src(%dma_wait3A_78 : memref<10000x128xf32, #tpu.memory_space<hbm>>) dst(%arg8 : memref<128x128xf32, #tpu.memory_space<vmem>>)
        %add3A_79 = arith.constant 0 : i32
        %add3A_80 = arith.addi %add3A_68, %add3A_79 : i32
        "tpu.region"() ({
          %run_scoped3A = tpu.sem_alloc : memref<!tpu.dma_semaphore, #tpu.memory_space<semaphore_mem>>
          %dma_start3A_106 = arith.constant 0 : i32
          %dma_start3A_107 = tpu.memref_slice %arg7[%add3A_80, %dma_start3A_106] : memref<8x128xi32, #tpu.memory_space<vmem>> -> memref<1x128xi32, #tpu.memory_space<vmem>>
          %dma_start3A_108 = tpu.memref_squeeze %dma_start3A_107 : memref<1x128xi32, #tpu.memory_space<vmem>> -> memref<128xi32, #tpu.memory_space<vmem>>
          %dma_start3A_109 = arith.constant 0 : i32
          %dma_start3A_110 = arith.constant 0 : i32
          %dma_start3A_111 = tpu.memref_slice %arg12[%dma_start3A_109, %dma_start3A_110] : memref<10112x128xf32, #tpu.memory_space<vmem_shared>> -> memref<10112x128xf32, #tpu.memory_space<vmem_shared>>
          tpu.enqueue_indirect_dma source(%arg8 : memref<128x128xf32, #tpu.memory_space<vmem>>) target(%dma_start3A_111 : memref<10112x128xf32, #tpu.memory_space<vmem_shared>>) offsets(%dma_start3A_108 : memref<128xi32, #tpu.memory_space<vmem>>) semaphore(%run_scoped3A : memref<!tpu.dma_semaphore, #tpu.memory_space<semaphore_mem>>) {add = true}
          %dma_wait3A_112 = arith.constant 0 : i32
          %dma_wait3A_113 = tpu.memref_slice %arg7[%add3A_80, %dma_wait3A_112] : memref<8x128xi32, #tpu.memory_space<vmem>> -> memref<1x128xi32, #tpu.memory_space<vmem>>
          %dma_wait3A_114 = tpu.memref_squeeze %dma_wait3A_113 : memref<1x128xi32, #tpu.memory_space<vmem>> -> memref<128xi32, #tpu.memory_space<vmem>>
          %dma_wait3A_115 = arith.constant 0 : i32
          %dma_wait3A_116 = arith.constant 0 : i32
          %dma_wait3A_117 = tpu.memref_slice %arg12[%dma_wait3A_115, %dma_wait3A_116] : memref<10112x128xf32, #tpu.memory_space<vmem_shared>> -> memref<10112x128xf32, #tpu.memory_space<vmem_shared>>
          tpu.wait_indirect_dma semaphore(%run_scoped3A : memref<!tpu.dma_semaphore, #tpu.memory_space<semaphore_mem>>) src(%arg8 : memref<128x128xf32, #tpu.memory_space<vmem>>) dst(%dma_wait3A_117 : memref<10112x128xf32, #tpu.memory_space<vmem_shared>>)
          tpu.yield
        }) : () -> ()
        %add3A_81 = arith.constant 0 : i32
        %add3A_82 = arith.addi %add3A_71, %add3A_81 : i32
        %add3A_83 = arith.constant 2 : i32
        %add3A_84 = arith.addi %add3A_82, %add3A_83 : i32
        %lt3A = arith.constant 80 : i32
        %lt3A_85 = arith.cmpi slt, %add3A_84, %lt3A : i32
        %convert_element_type3A = arith.extui %lt3A_85 : i1 to i32
        %cond3A = arith.constant 0 : i32
        %cond3A_86 = arith.cmpi ne, %convert_element_type3A, %cond3A : i32
        scf.if %cond3A_86 {
          %add3A_106 = arith.constant 0 : i32
          %add3A_107 = arith.addi %add3A_71, %add3A_106 : i32
          %add3A_108 = arith.constant 2 : i32
          %add3A_109 = arith.addi %add3A_107, %add3A_108 : i32
          %dma_start3A_110 = arith.constant 0 : i32
          %dma_start3A_111 = tpu.memref_slice %arg6[%add3A_109, %dma_start3A_110] : memref<80x128xi32, #tpu.memory_space<vmem>> -> memref<1x128xi32, #tpu.memory_space<vmem>>
          %dma_start3A_112 = tpu.memref_squeeze %dma_start3A_111 : memref<1x128xi32, #tpu.memory_space<vmem>> -> memref<128xi32, #tpu.memory_space<vmem>>
          %dma_start3A_113 = arith.constant 0 : i32
          %dma_start3A_114 = arith.constant 0 : i32
          %dma_start3A_115 = tpu.memref_slice %arg2[%dma_start3A_113, %dma_start3A_114] : memref<10000x128xf32, #tpu.memory_space<hbm>> -> memref<10000x128xf32, #tpu.memory_space<hbm>>
          tpu.enqueue_indirect_dma source(%dma_start3A_115 : memref<10000x128xf32, #tpu.memory_space<hbm>>) target(%arg8 : memref<128x128xf32, #tpu.memory_space<vmem>>) offsets(%dma_start3A_112 : memref<128xi32, #tpu.memory_space<vmem>>) semaphore(%arg10 : memref<!tpu.dma_semaphore, #tpu.memory_space<semaphore_mem>>)
        } else {
        }
        %add3A_87 = arith.constant 1 : i32
        %add3A_88 = arith.addi %add3A_71, %add3A_87 : i32
        %dma_wait3A_89 = arith.constant 0 : i32
        %dma_wait3A_90 = tpu.memref_slice %arg6[%add3A_88, %dma_wait3A_89] : memref<80x128xi32, #tpu.memory_space<vmem>> -> memref<1x128xi32, #tpu.memory_space<vmem>>
        %dma_wait3A_91 = tpu.memref_squeeze %dma_wait3A_90 : memref<1x128xi32, #tpu.memory_space<vmem>> -> memref<128xi32, #tpu.memory_space<vmem>>
        %dma_wait3A_92 = arith.constant 0 : i32
        %dma_wait3A_93 = arith.constant 0 : i32
        %dma_wait3A_94 = tpu.memref_slice %arg2[%dma_wait3A_92, %dma_wait3A_93] : memref<10000x128xf32, #tpu.memory_space<hbm>> -> memref<10000x128xf32, #tpu.memory_space<hbm>>
        tpu.wait_indirect_dma semaphore(%arg11 : memref<!tpu.dma_semaphore, #tpu.memory_space<semaphore_mem>>) src(%dma_wait3A_94 : memref<10000x128xf32, #tpu.memory_space<hbm>>) dst(%arg9 : memref<128x128xf32, #tpu.memory_space<vmem>>)
        %add3A_95 = arith.constant 1 : i32
        %add3A_96 = arith.addi %add3A_68, %add3A_95 : i32
        "tpu.region"() ({
          %run_scoped3A = tpu.sem_alloc : memref<!tpu.dma_semaphore, #tpu.memory_space<semaphore_mem>>
          %dma_start3A_106 = arith.constant 0 : i32
          %dma_start3A_107 = tpu.memref_slice %arg7[%add3A_96, %dma_start3A_106] : memref<8x128xi32, #tpu.memory_space<vmem>> -> memref<1x128xi32, #tpu.memory_space<vmem>>
          %dma_start3A_108 = tpu.memref_squeeze %dma_start3A_107 : memref<1x128xi32, #tpu.memory_space<vmem>> -> memref<128xi32, #tpu.memory_space<vmem>>
          %dma_start3A_109 = arith.constant 0 : i32
          %dma_start3A_110 = arith.constant 0 : i32
          %dma_start3A_111 = tpu.memref_slice %arg12[%dma_start3A_109, %dma_start3A_110] : memref<10112x128xf32, #tpu.memory_space<vmem_shared>> -> memref<10112x128xf32, #tpu.memory_space<vmem_shared>>
          tpu.enqueue_indirect_dma source(%arg9 : memref<128x128xf32, #tpu.memory_space<vmem>>) target(%dma_start3A_111 : memref<10112x128xf32, #tpu.memory_space<vmem_shared>>) offsets(%dma_start3A_108 : memref<128xi32, #tpu.memory_space<vmem>>) semaphore(%run_scoped3A : memref<!tpu.dma_semaphore, #tpu.memory_space<semaphore_mem>>) {add = true}
          %dma_wait3A_112 = arith.constant 0 : i32
          %dma_wait3A_113 = tpu.memref_slice %arg7[%add3A_96, %dma_wait3A_112] : memref<8x128xi32, #tpu.memory_space<vmem>> -> memref<1x128xi32, #tpu.memory_space<vmem>>
          %dma_wait3A_114 = tpu.memref_squeeze %dma_wait3A_113 : memref<1x128xi32, #tpu.memory_space<vmem>> -> memref<128xi32, #tpu.memory_space<vmem>>
          %dma_wait3A_115 = arith.constant 0 : i32
          %dma_wait3A_116 = arith.constant 0 : i32
          %dma_wait3A_117 = tpu.memref_slice %arg12[%dma_wait3A_115, %dma_wait3A_116] : memref<10112x128xf32, #tpu.memory_space<vmem_shared>> -> memref<10112x128xf32, #tpu.memory_space<vmem_shared>>
          tpu.wait_indirect_dma semaphore(%run_scoped3A : memref<!tpu.dma_semaphore, #tpu.memory_space<semaphore_mem>>) src(%arg9 : memref<128x128xf32, #tpu.memory_space<vmem>>) dst(%dma_wait3A_117 : memref<10112x128xf32, #tpu.memory_space<vmem_shared>>)
          tpu.yield
        }) : () -> ()
        %add3A_97 = arith.constant 1 : i32
        %add3A_98 = arith.addi %add3A_71, %add3A_97 : i32
        %add3A_99 = arith.constant 2 : i32
        %add3A_100 = arith.addi %add3A_98, %add3A_99 : i32
        %lt3A_101 = arith.constant 80 : i32
        %lt3A_102 = arith.cmpi slt, %add3A_100, %lt3A_101 : i32
        %convert_element_type3A_103 = arith.extui %lt3A_102 : i1 to i32
        %cond3A_104 = arith.constant 0 : i32
        %cond3A_105 = arith.cmpi ne, %convert_element_type3A_103, %cond3A_104 : i32
        scf.if %cond3A_105 {
          %add3A_106 = arith.constant 1 : i32
          %add3A_107 = arith.addi %add3A_71, %add3A_106 : i32
          %add3A_108 = arith.constant 2 : i32
          %add3A_109 = arith.addi %add3A_107, %add3A_108 : i32
          %dma_start3A_110 = arith.constant 0 : i32
          %dma_start3A_111 = tpu.memref_slice %arg6[%add3A_109, %dma_start3A_110] : memref<80x128xi32, #tpu.memory_space<vmem>> -> memref<1x128xi32, #tpu.memory_space<vmem>>
          %dma_start3A_112 = tpu.memref_squeeze %dma_start3A_111 : memref<1x128xi32, #tpu.memory_space<vmem>> -> memref<128xi32, #tpu.memory_space<vmem>>
          %dma_start3A_113 = arith.constant 0 : i32
          %dma_start3A_114 = arith.constant 0 : i32
          %dma_start3A_115 = tpu.memref_slice %arg2[%dma_start3A_113, %dma_start3A_114] : memref<10000x128xf32, #tpu.memory_space<hbm>> -> memref<10000x128xf32, #tpu.memory_space<hbm>>
          tpu.enqueue_indirect_dma source(%dma_start3A_115 : memref<10000x128xf32, #tpu.memory_space<hbm>>) target(%arg9 : memref<128x128xf32, #tpu.memory_space<vmem>>) offsets(%dma_start3A_112 : memref<128xi32, #tpu.memory_space<vmem>>) semaphore(%arg11 : memref<!tpu.dma_semaphore, #tpu.memory_space<semaphore_mem>>)
        } else {
        }
      }
      %scan3A_63 = arith.constant 4 : i32
    }
    %scan3A_45 = arith.constant 10 : i32
    %barrier3A_46 = arith.constant 0 : index
    tpu.barrier barrier_id(%barrier3A_46)
    %mul3A_47 = arith.constant 632 : i32
    %mul3A_48 = arith.muli %arg1, %mul3A_47 : i32
    %mul3A_49 = arith.constant 632 : i32
    %mul3A_50 = arith.muli %arg1, %mul3A_49 : i32
    "tpu.region"() ({
      %run_scoped3A = tpu.sem_alloc : memref<!tpu.dma_semaphore, #tpu.memory_space<semaphore_mem>>
      %dma_start3A_51 = arith.constant 0 : i32
      %dma_start3A_52 = tpu.memref_slice %arg5[%arg0, %mul3A_50, %dma_start3A_51] : memref<2x10112x128xf32, #tpu.memory_space<hbm>> -> memref<1x632x128xf32, #tpu.memory_space<hbm>>
      %dma_start3A_53 = tpu.memref_squeeze %dma_start3A_52 : memref<1x632x128xf32, #tpu.memory_space<hbm>> -> memref<632x128xf32, #tpu.memory_space<hbm>>
      %dma_start3A_54 = arith.constant 0 : i32
      %dma_start3A_55 = tpu.memref_slice %arg12[%mul3A_48, %dma_start3A_54] : memref<10112x128xf32, #tpu.memory_space<vmem_shared>> -> memref<632x128xf32, #tpu.memory_space<vmem_shared>>
      tpu.enqueue_dma source(%dma_start3A_55 : memref<632x128xf32, #tpu.memory_space<vmem_shared>>) target(%dma_start3A_53 : memref<632x128xf32, #tpu.memory_space<hbm>>) target_semaphore(%run_scoped3A : memref<!tpu.dma_semaphore, #tpu.memory_space<semaphore_mem>>)
      %dma_wait3A = arith.constant 0 : i32
      %dma_wait3A_56 = tpu.memref_slice %arg5[%arg0, %mul3A_50, %dma_wait3A] : memref<2x10112x128xf32, #tpu.memory_space<hbm>> -> memref<1x632x128xf32, #tpu.memory_space<hbm>>
      %dma_wait3A_57 = tpu.memref_squeeze %dma_wait3A_56 : memref<1x632x128xf32, #tpu.memory_space<hbm>> -> memref<632x128xf32, #tpu.memory_space<hbm>>
      %dma_wait3A_58 = arith.constant 0 : i32
      %dma_wait3A_59 = tpu.memref_slice %arg12[%mul3A_48, %dma_wait3A_58] : memref<10112x128xf32, #tpu.memory_space<vmem_shared>> -> memref<632x128xf32, #tpu.memory_space<vmem_shared>>
      tpu.wait_dma2 semaphore(%run_scoped3A : memref<!tpu.dma_semaphore, #tpu.memory_space<semaphore_mem>>) src(%dma_wait3A_59 : memref<632x128xf32, #tpu.memory_space<vmem_shared>>) dst(%dma_wait3A_57 : memref<632x128xf32, #tpu.memory_space<hbm>>)
      tpu.yield
    }) : () -> ()
    return
  }
}

module attributes {stable_mosaic.version = 14 : i64} {
  func.func @body(%arg0: memref<32x10112xf32, #tpu.memory_space<vmem>>, %arg1: memref<10000x128xf32, #tpu.memory_space<vmem>>, %arg2: memref<128x128xf32, #tpu.memory_space<vmem>>, %arg3: memref<10000x1xf32, #tpu.memory_space<vmem>>, %arg4: memref<10000x128xf32, #tpu.memory_space<vmem>>) attributes {dimension_semantics = [], scalar_prefetch = 0 : i64, scratch_operands = 0 : i64, tpu.core_type = #tpu.core_type<tc>} {
    %get3A = arith.constant 0 : index
    %get3A_0 = arith.constant 0 : index
    %get3A_1 = vector.load %arg0[%get3A, %get3A_0] : memref<32x10112xf32, #tpu.memory_space<vmem>>, vector<32x10112xf32>
    %reduce_sum3A = arith.constant dense<0.000000e+00> : vector<10112xf32>
    %reduce_sum3A_2 = vector.multi_reduction <add>, %get3A_1, %reduce_sum3A [0] : vector<32x10112xf32> to vector<10112xf32>
    %slice3A = vector.extract_strided_slice %reduce_sum3A_2 {offsets = [0], sizes = [10000], strides = [1]} : vector<10112xf32> to vector<10000xf32>
    %broadcast_in_dim3A = vector.shape_cast %slice3A : vector<10000xf32> to vector<10000x1xf32>
    %add3A = arith.constant 1.000000e+00 : f32
    %add3A_3 = vector.broadcast %add3A : f32 to vector<10000x1xf32>
    %add3A_4 = arith.addf %broadcast_in_dim3A, %add3A_3 : vector<10000x1xf32>
    %rsqrt3A = math.rsqrt %add3A_4 : vector<10000x1xf32>
    %swap3A = arith.constant 0 : index
    %swap3A_5 = arith.constant 0 : index
    %swap3A_6 = vector.load %arg3[%swap3A, %swap3A_5] : memref<10000x1xf32, #tpu.memory_space<vmem>>, vector<10000x1xf32>
    tpu.vector_store %arg3[%swap3A, %swap3A_5], %rsqrt3A {strides = array<i32>} : memref<10000x1xf32, #tpu.memory_space<vmem>>, vector<10000x1xf32>,
    %get3A_7 = arith.constant 0 : index
    %get3A_8 = arith.constant 0 : index
    %get3A_9 = vector.load %arg1[%get3A_7, %get3A_8] : memref<10000x128xf32, #tpu.memory_space<vmem>>, vector<10000x128xf32>
    %get3A_10 = arith.constant 0 : index
    %get3A_11 = arith.constant 0 : index
    %get3A_12 = vector.load %arg2[%get3A_10, %get3A_11] : memref<128x128xf32, #tpu.memory_space<vmem>>, vector<128x128xf32>
    %dot_general3A = arith.constant dense<0.000000e+00> : vector<10000x128xf32>
    %dot_general3A_13 = tpu.matmul %get3A_9, %get3A_12, %dot_general3A {dimension_numbers = #tpu.dot_dimension_numbers<[1], [0], [0], [1], [0, 0, 1, 1], [], []>, transpose_lhs_hint = false} : vector<10000x128xf32>, vector<128x128xf32>, vector<10000x128xf32> -> vector<10000x128xf32>
    %mul3A = vector.broadcast %rsqrt3A : vector<10000x1xf32> to vector<10000x128xf32>
    %mul3A_14 = arith.mulf %dot_general3A_13, %mul3A : vector<10000x128xf32>
    %swap3A_15 = arith.constant 0 : index
    %swap3A_16 = arith.constant 0 : index
    %swap3A_17 = vector.load %arg4[%swap3A_15, %swap3A_16] : memref<10000x128xf32, #tpu.memory_space<vmem>>, vector<10000x128xf32>
    tpu.vector_store %arg4[%swap3A_15, %swap3A_16], %mul3A_14 {strides = array<i32>} : memref<10000x128xf32, #tpu.memory_space<vmem>>, vector<10000x128xf32>,
    return
  }
}

module attributes {stable_mosaic.version = 14 : i64} {
  func.func @body(%arg0: memref<2x10112x128xf32, #tpu.memory_space<vmem>>, %arg1: memref<10000x128xf32, #tpu.memory_space<vmem>>, %arg2: memref<10000x1xf32, #tpu.memory_space<vmem>>, %arg3: memref<128xf32, #tpu.memory_space<vmem>>, %arg4: memref<128x128xf32, #tpu.memory_space<vmem>>, %arg5: memref<10000x128xf32, #tpu.memory_space<vmem>>) attributes {dimension_semantics = [], scalar_prefetch = 0 : i64, scratch_operands = 0 : i64, tpu.core_type = #tpu.core_type<tc>} {
    %get3A = arith.constant 0 : index
    %get3A_0 = arith.constant 0 : index
    %get3A_1 = vector.load %arg2[%get3A, %get3A_0] : memref<10000x1xf32, #tpu.memory_space<vmem>>, vector<10000x1xf32>
    %get3A_2 = arith.constant 0 : index
    %get3A_3 = arith.constant 0 : index
    %get3A_4 = arith.constant 0 : index
    %get3A_5 = vector.load %arg0[%get3A_2, %get3A_3, %get3A_4] : memref<2x10112x128xf32, #tpu.memory_space<vmem>>, vector<1x10000x128xf32>
    %get3A_6 = vector.shape_cast %get3A_5 : vector<1x10000x128xf32> to vector<10000x128xf32>
    %get3A_7 = arith.constant 1 : index
    %get3A_8 = arith.constant 0 : index
    %get3A_9 = arith.constant 0 : index
    %get3A_10 = vector.load %arg0[%get3A_7, %get3A_8, %get3A_9] : memref<2x10112x128xf32, #tpu.memory_space<vmem>>, vector<1x10000x128xf32>
    %get3A_11 = vector.shape_cast %get3A_10 : vector<1x10000x128xf32> to vector<10000x128xf32>
    %add3A = arith.addf %get3A_6, %get3A_11 : vector<10000x128xf32>
    %get3A_12 = arith.constant 0 : index
    %get3A_13 = arith.constant 0 : index
    %get3A_14 = vector.load %arg1[%get3A_12, %get3A_13] : memref<10000x128xf32, #tpu.memory_space<vmem>>, vector<10000x128xf32>
    %add3A_15 = arith.addf %add3A, %get3A_14 : vector<10000x128xf32>
    %mul3A = vector.broadcast %get3A_1 : vector<10000x1xf32> to vector<10000x128xf32>
    %mul3A_16 = arith.mulf %add3A_15, %mul3A : vector<10000x128xf32>
    %get3A_17 = arith.constant 0 : index
    %get3A_18 = vector.load %arg3[%get3A_17] : memref<128xf32, #tpu.memory_space<vmem>>, vector<128xf32>
    %broadcast_in_dim3A = vector.shape_cast %get3A_18 : vector<128xf32> to vector<1x128xf32>
    %add3A_19 = vector.broadcast %broadcast_in_dim3A : vector<1x128xf32> to vector<10000x128xf32>
    %add3A_20 = arith.addf %mul3A_16, %add3A_19 : vector<10000x128xf32>
    %max3A = arith.constant 0.000000e+00 : f32
    %max3A_21 = vector.broadcast %max3A : f32 to vector<10000x128xf32>
    %max3A_22 = arith.maximumf %add3A_20, %max3A_21 : vector<10000x128xf32>
    %get3A_23 = arith.constant 0 : index
    %get3A_24 = arith.constant 0 : index
    %get3A_25 = vector.load %arg4[%get3A_23, %get3A_24] : memref<128x128xf32, #tpu.memory_space<vmem>>, vector<128x128xf32>
    %dot_general3A = arith.constant dense<0.000000e+00> : vector<10000x128xf32>
    %dot_general3A_26 = tpu.matmul %max3A_22, %get3A_25, %dot_general3A {dimension_numbers = #tpu.dot_dimension_numbers<[1], [0], [0], [1], [0, 0, 1, 1], [], []>, transpose_lhs_hint = false} : vector<10000x128xf32>, vector<128x128xf32>, vector<10000x128xf32> -> vector<10000x128xf32>
    %mul3A_27 = vector.broadcast %get3A_1 : vector<10000x1xf32> to vector<10000x128xf32>
    %mul3A_28 = arith.mulf %dot_general3A_26, %mul3A_27 : vector<10000x128xf32>
    %swap3A = arith.constant 0 : index
    %swap3A_29 = arith.constant 0 : index
    %swap3A_30 = vector.load %arg5[%swap3A, %swap3A_29] : memref<10000x128xf32, #tpu.memory_space<vmem>>, vector<10000x128xf32>
    tpu.vector_store %arg5[%swap3A, %swap3A_29], %mul3A_28 {strides = array<i32>} : memref<10000x128xf32, #tpu.memory_space<vmem>>, vector<10000x128xf32>,
    return
  }
}

module attributes {stable_mosaic.version = 14 : i64} {
  func.func @body(%arg0: memref<2x10112x128xf32, #tpu.memory_space<vmem>>, %arg1: memref<10000x128xf32, #tpu.memory_space<vmem>>, %arg2: memref<10000x1xf32, #tpu.memory_space<vmem>>, %arg3: memref<128xf32, #tpu.memory_space<vmem>>, %arg4: memref<10000x1xi32, #tpu.memory_space<vmem>>, %arg5: memref<128x1xf32, #tpu.memory_space<vmem>>, %arg6: memref<1x1xf32, #tpu.memory_space<vmem>>, %arg7: memref<64x1xf32, #tpu.memory_space<vmem>>) attributes {dimension_semantics = [], scalar_prefetch = 0 : i64, scratch_operands = 0 : i64, tpu.core_type = #tpu.core_type<tc>} {
    %get3A = arith.constant 0 : index
    %get3A_0 = arith.constant 0 : index
    %get3A_1 = vector.load %arg2[%get3A, %get3A_0] : memref<10000x1xf32, #tpu.memory_space<vmem>>, vector<10000x1xf32>
    %get3A_2 = arith.constant 0 : index
    %get3A_3 = arith.constant 0 : index
    %get3A_4 = arith.constant 0 : index
    %get3A_5 = vector.load %arg0[%get3A_2, %get3A_3, %get3A_4] : memref<2x10112x128xf32, #tpu.memory_space<vmem>>, vector<1x10000x128xf32>
    %get3A_6 = vector.shape_cast %get3A_5 : vector<1x10000x128xf32> to vector<10000x128xf32>
    %get3A_7 = arith.constant 1 : index
    %get3A_8 = arith.constant 0 : index
    %get3A_9 = arith.constant 0 : index
    %get3A_10 = vector.load %arg0[%get3A_7, %get3A_8, %get3A_9] : memref<2x10112x128xf32, #tpu.memory_space<vmem>>, vector<1x10000x128xf32>
    %get3A_11 = vector.shape_cast %get3A_10 : vector<1x10000x128xf32> to vector<10000x128xf32>
    %add3A = arith.addf %get3A_6, %get3A_11 : vector<10000x128xf32>
    %get3A_12 = arith.constant 0 : index
    %get3A_13 = arith.constant 0 : index
    %get3A_14 = vector.load %arg1[%get3A_12, %get3A_13] : memref<10000x128xf32, #tpu.memory_space<vmem>>, vector<10000x128xf32>
    %add3A_15 = arith.addf %add3A, %get3A_14 : vector<10000x128xf32>
    %mul3A = vector.broadcast %get3A_1 : vector<10000x1xf32> to vector<10000x128xf32>
    %mul3A_16 = arith.mulf %add3A_15, %mul3A : vector<10000x128xf32>
    %get3A_17 = arith.constant 0 : index
    %get3A_18 = vector.load %arg3[%get3A_17] : memref<128xf32, #tpu.memory_space<vmem>>, vector<128xf32>
    %broadcast_in_dim3A = vector.shape_cast %get3A_18 : vector<128xf32> to vector<1x128xf32>
    %add3A_19 = vector.broadcast %broadcast_in_dim3A : vector<1x128xf32> to vector<10000x128xf32>
    %add3A_20 = arith.addf %mul3A_16, %add3A_19 : vector<10000x128xf32>
    %max3A = arith.constant 0.000000e+00 : f32
    %max3A_21 = vector.broadcast %max3A : f32 to vector<10000x128xf32>
    %max3A_22 = arith.maximumf %add3A_20, %max3A_21 : vector<10000x128xf32>
    %iota3A = tpu.iota {dimensions = array<i32: 1>} : vector<1x64xi32>
    %get3A_23 = arith.constant 0 : index
    %get3A_24 = arith.constant 0 : index
    %get3A_25 = vector.load %arg4[%get3A_23, %get3A_24] : memref<10000x1xi32, #tpu.memory_space<vmem>>, vector<10000x1xi32>
    %eq3A = vector.broadcast %get3A_25 : vector<10000x1xi32> to vector<10000x64xi32>
    %eq3A_26 = vector.broadcast %iota3A : vector<1x64xi32> to vector<10000x64xi32>
    %eq3A_27 = arith.cmpi eq, %eq3A, %eq3A_26 : vector<10000x64xi32>
    %convert_element_type3A = arith.extui %eq3A_27 : vector<10000x64xi1> to vector<10000x64xi32>
    %convert_element_type3A_28 = arith.sitofp %convert_element_type3A : vector<10000x64xi32> to vector<10000x64xf32>
    %dot_general3A = arith.constant dense<0.000000e+00> : vector<64x128xf32>
    %dot_general3A_29 = tpu.matmul %convert_element_type3A_28, %max3A_22, %dot_general3A {dimension_numbers = #tpu.dot_dimension_numbers<[0], [0], [1], [1], [0, 1, 1, 1], [], []>, transpose_lhs_hint = false} : vector<10000x64xf32>, vector<10000x128xf32>, vector<64x128xf32> -> vector<64x128xf32>
    %reduce_sum3A = arith.constant dense<0.000000e+00> : vector<64xf32>
    %reduce_sum3A_30 = vector.multi_reduction <add>, %convert_element_type3A_28, %reduce_sum3A [0] : vector<10000x64xf32> to vector<64xf32>
    %broadcast_in_dim3A_31 = vector.shape_cast %reduce_sum3A_30 : vector<64xf32> to vector<64x1xf32>
    %max3A_32 = arith.constant 1.000000e+00 : f32
    %max3A_33 = vector.broadcast %max3A_32 : f32 to vector<64x1xf32>
    %max3A_34 = arith.maximumf %broadcast_in_dim3A_31, %max3A_33 : vector<64x1xf32>
    %div3A = vector.broadcast %max3A_34 : vector<64x1xf32> to vector<64x128xf32>
    %div3A_35 = arith.divf %dot_general3A_29, %div3A : vector<64x128xf32>
    %get3A_36 = arith.constant 0 : index
    %get3A_37 = arith.constant 0 : index
    %get3A_38 = vector.load %arg5[%get3A_36, %get3A_37] : memref<128x1xf32, #tpu.memory_space<vmem>>, vector<128x1xf32>
    %dot_general3A_39 = arith.constant dense<0.000000e+00> : vector<64x1xf32>
    %dot_general3A_40 = tpu.matmul %div3A_35, %get3A_38, %dot_general3A_39 {dimension_numbers = #tpu.dot_dimension_numbers<[1], [0], [0], [1], [0, 0, 1, 1], [], []>, transpose_lhs_hint = false} : vector<64x128xf32>, vector<128x1xf32>, vector<64x1xf32> -> vector<64x1xf32>
    %get3A_41 = arith.constant 0 : index
    %get3A_42 = arith.constant 0 : index
    %get3A_43 = vector.load %arg6[%get3A_41, %get3A_42] : memref<1x1xf32, #tpu.memory_space<vmem>>, vector<1x1xf32>
    %add3A_44 = vector.broadcast %get3A_43 : vector<1x1xf32> to vector<64x1xf32>
    %add3A_45 = arith.addf %dot_general3A_40, %add3A_44 : vector<64x1xf32>
    %swap3A = arith.constant 0 : index
    %swap3A_46 = arith.constant 0 : index
    %swap3A_47 = vector.load %arg7[%swap3A, %swap3A_46] : memref<64x1xf32, #tpu.memory_space<vmem>>, vector<64x1xf32>
    tpu.vector_store %arg7[%swap3A, %swap3A_46], %add3A_45 {strides = array<i32>} : memref<64x1xf32, #tpu.memory_space<vmem>>, vector<64x1xf32>,
    return
  }
}

</mosaic_0001>

<sc_bundles>
// kernel: kernel.10.cloned.1.call-start
scs
__scs_entry_jumppad:
0x0: {  	(pc) =	sbr.rel $0x88, $3  }
0x1: {  	(tag) =	ssettag $0x0;
	lr =	simm.s32 $0x1  }
0x2: {  	[smem:$0x3F96] =	sst lr;
	_ =	strace $0xD0000000  }
0x3: {  	_ = 	snop  }
0x4: {  	_ = 	snop  }
0x5: {  	_ = 	snop  }
0x6: {  	_ = 	snop  }
0x7: {  	_ = 	snop  }
__scs_overlays_trampoline_lowered:
0x8: {  	[smem:$0x3FA5] =	sst s0  }
0x9: {  	[smem:$0x3FA6] =	sst s1  }
0xa: {  	[smem:$0x3FA7] =	sst s2  }
0xb: {  	[smem:$0x3FA8] =	sst s3  }
0xc: {  	[smem:$0x3FA9] =	sst s4  }
0xd: {  	[smem:$0x3FAA] =	sst s5  }
0xe: {  	[smem:$0x3FAB] =	sst s6  }
0xf: {  	[smem:$0x3FAC] =	sst s7  }
0x10: {  	[smem:$0x3FAD] =	sst s8  }
0x11: {  	[smem:$0x3FAE] =	sst s9;
	s0 =	simm.s32 @!p0 $0x0  }
0x12: {  	s1 =	sld [smem:$0x3F94];
	s0 =	simm.s32 @p0 $0x1  }
0x13: {  	[smem:$0x3FAF] =	sst s0;
	s0 =	simm.s32 @!p1 $0x0  }
0x14: {  	s2 =	sld [smem:$0x3F93];
	s0 =	simm.s32 @p1 $0x1  }
0x15: {  	[smem:$0x3FB0] =	sst s0;
	s0 =	simm.s32 @!p2 $0x0  }
0x16: {  	s3 =	sld [smem:$0x3FDB];
	s0 =	simm.s32 @p2 $0x1  }
0x17: {  	s4 =	simm.s32 $0x1BF5;
	[smem:$0x3FB2] =	sst s0  }
0x18: {  	s0 =	sld [smem:$0x3F95];
	_ =	swait.ge [sflag:s4], $0x0  }
0x19: {  	s7 =	sld [smem:$0x3F96]  }
0x1a: {  	s8 =	sadd.s32 $0xFFFFE003, lr  }
0x1b: {  	s9 =	sadd.s32 $0xFFFFFEF7, lr;
	s5 =	simm.s32 $0xFFFFFFFF;
	p2 =	slt.u32 s8, $0xFFFFF086  }
0x1c: {  	p1 =	slt.u32 s9, $0xF7A;
	s5 =	simm.s32 @!p2 $0x0  }
0x1d: {  	s5 =	simm.s32 @p1 $0x1;
	p0 =	seq.s32 s7, s2  }
0x1e: {  	s7 =	smul.u32 @!p0 $0xF7A, s2;
	p2 =	seq.s32 @!p0 s5, $0x0  }
0x1f: {  	s9 =	smul.u32 $0xF7A, s1;
	s8 =	simm.s32 @!p0 $0x1BF5;
	p2 =	por !p2, p0  }
0x20: {  	[sflag:s8] =	ssyncset.s32 @!p0 $0xFFFFF086;
	s6 =	sadd.s32 @!p0 s3, s7;
	s7 =	simm.s32 @!p0 $0x108  }
0x21: {  	s3 =	sadd.s32 s3, s9;
	s6 =	sadd.s32 @!p0 $0x88, s6;
	s7 =	simm.s32 @p2 $0x1082  }
0x22: {  	[simem:s7], [sflag:s8] =	dma.local @!p0 [hbm:s6], $0xF7A  }
0x23: {  	s9 =	sor.u32 $0xD0000000, s2;
	s6 =	simm.s32 $0x108;
	_ =	swait.ge @!p0 [sflag:s8], $0x0  }
0x24: {  	s3 =	sadd.s32 $0x88, s3;
	s6 =	simm.s32 @!p1 $0x1082;
	[sflag:s4] =	ssyncset.s32 $0xFFFFF086  }
0x25: {  	[simem:s6], [sflag:s4] =	dma.local [hbm:s3], $0xF7A  }
0x26: {  	[smem:$0x3F96] =	sst s1;
	(tag) =	ssettag s2;
	_ =	strace s9  }
0x27: {  	s1 =	sld [smem:$0x3FA6]  }
0x28: {  	s2 =	sld [smem:$0x3FA7]  }
0x29: {  	s4 =	sld [smem:$0x3FA9]  }
0x2a: {  	p0 =	seq.s32 s5, $0x0;
	s5 =	sld [smem:$0x3FAA]  }
0x2b: {  	s6 =	sld [smem:$0x3FAB]  }
0x2c: {  	s7 =	sld [smem:$0x3FAC]  }
0x2d: {  	s3 =	simm.s32 $0x108;
	s8 =	sld [smem:$0x3FAD]  }
0x2e: {  	s3 =	simm.s32 @!p0 $0x1082;
	s9 =	sld [smem:$0x3FAE]  }
0x2f: {  	lr =	sadd.s32 s0, s3;
	s0 =	sld [smem:$0x3FA5]  }
0x30: {  	s3 =	sld [smem:$0x3FA8]  }
0x31: {  	[smem:$0x3FB1] =	sst s10  }
0x32: {  	s10 =	sld [smem:$0x3FAF];
	_ =	sdelay $0x3  }
0x33: {  	p0 =	seq.s32 s10, $0x1;
	s10 =	sld [smem:$0x3FB1];
	_ =	sdelay $0x3  }
0x34: {  	[smem:$0x3FB1] =	sst s10  }
0x35: {  	s10 =	sld [smem:$0x3FB0];
	_ =	sdelay $0x3  }
0x36: {  	p1 =	seq.s32 s10, $0x1;
	s10 =	sld [smem:$0x3FB1];
	_ =	sdelay $0x3  }
0x37: {  	[smem:$0x3FB1] =	sst s10  }
0x38: {  	s10 =	sld [smem:$0x3FB2]  }
0x39: {  	_ = 	snop;
	(pc) =	sbr.ind lr, $3  }
0x3a: {  	_ = 	snop  }
0x3b: {  	_ = 	snop  }
0x3c: {  	p2 =	seq.s32 s10, $0x1;
	s10 =	sld [smem:$0x3FB1]  }
0x3d: {  	_ =	shalt  }
0x3e: {  	_ =	shalt  }
0x3f: {  	_ =	shalt  }
0x40: {  	_ =	shalt  }
0x41: {  	_ =	shalt  }
0x42: {  	_ =	shalt  }
0x43: {  	_ =	shalt  }
0x44: {  	_ =	shalt  }
0x45: {  	_ =	shalt  }
0x46: {  	_ =	shalt  }
0x47: {  	_ =	shalt  }
0x48: {  	_ =	shalt  }
0x49: {  	_ =	shalt  }
0x4a: {  	_ =	shalt  }
0x4b: {  	_ =	shalt  }
0x4c: {  	_ =	shalt  }
0x4d: {  	_ =	shalt  }
0x4e: {  	_ =	shalt  }
0x4f: {  	_ =	shalt  }
0x50: {  	_ =	shalt  }
0x51: {  	_ =	shalt  }
0x52: {  	_ =	shalt  }
0x53: {  	_ =	shalt  }
0x54: {  	_ =	shalt  }
0x55: {  	_ =	shalt  }
0x56: {  	_ =	shalt  }
0x57: {  	_ =	shalt  }
0x58: {  	_ =	shalt  }
0x59: {  	_ =	shalt  }
0x5a: {  	_ =	shalt  }
0x5b: {  	_ =	shalt  }
0x5c: {  	_ =	shalt  }
0x5d: {  	_ =	shalt  }
0x5e: {  	_ =	shalt  }
0x5f: {  	_ =	shalt  }
0x60: {  	_ =	shalt  }
0x61: {  	_ =	shalt  }
0x62: {  	_ =	shalt  }
0x63: {  	_ =	shalt  }
0x64: {  	_ =	shalt  }
0x65: {  	_ =	shalt  }
0x66: {  	_ =	shalt  }
0x67: {  	_ =	shalt  }
0x68: {  	_ =	shalt  }
0x69: {  	_ =	shalt  }
0x6a: {  	_ =	shalt  }
0x6b: {  	_ =	shalt  }
0x6c: {  	_ =	shalt  }
0x6d: {  	_ =	shalt  }
0x6e: {  	_ =	shalt  }
0x6f: {  	_ =	shalt  }
0x70: {  	_ =	shalt  }
0x71: {  	_ =	shalt  }
0x72: {  	_ =	shalt  }
0x73: {  	_ =	shalt  }
0x74: {  	_ =	shalt  }
0x75: {  	_ =	shalt  }
0x76: {  	_ =	shalt  }
0x77: {  	_ =	shalt  }
0x78: {  	_ =	shalt  }
0x79: {  	_ =	shalt  }
0x7a: {  	_ =	shalt  }
0x7b: {  	_ =	shalt  }
0x7c: {  	_ =	shalt  }
0x7d: {  	_ =	shalt  }
0x7e: {  	_ =	shalt  }
0x7f: {  	_ =	shalt  }
0x80: {  	_ =	shalt  }
0x81: {  	_ =	shalt  }
0x82: {  	_ =	shalt  }
0x83: {  	_ =	shalt  }
0x84: {  	_ =	shalt  }
0x85: {  	_ =	shalt  }
0x86: {  	_ =	shalt  }
0x87: {  	_ =	shalt  }
.Lfunc_end0:
.L_simem_size_0:
called_computation_lowered:
.L_overlay_start_0:
0x88: {  	s2 =	sld [smem:$0x3FD9]  }
0x89: {  	s3 =	sld [smem:$0x3FFE];
	_ =	sdelay $0x1  }
0x8a: {  	s1 =	srdreg.scid  }
0x8b: {  	s0 =	sand.u32 $0x1, s1  }
0x8c: {  	s16 =	sshll.u32 s0, $0xA;
	s2 =	sadd.s32 s3, s2  }
0x8d: {  	s2 =	sadd.s32 s2, s16  }
0x8e: {  	[smem:$0x3FBD] =	sst s2  }
0x8f: {  	_ = 	snop  }
0x90: {  	(tm) =	ssettm $0x1  }
0x91: {  	s17 =	sld [smem:$0x3FFB];
	_ =	sdelay $0x3  }
0x92: {  	_ =	strace s17  }
0x93: {  	s2 =	sld [smem:$0x3FFC];
	_ =	sdelay $0x3  }
0x94: {  	_ =	strace s2  }
0x95: {  	s2 =	sld [smem:$0x3FFD];
	_ =	sdelay $0x3  }
0x96: {  	_ =	strace s2  }
0x97: {  	_ =	strace $0x8FFFFFFF  }
0x98: {  	s18 =	sld [smem:$0x3FDB];
	_ =	sdelay $0x1  }
0x99: {  	s19 =	simm.s32 $_scs_section_size  }
0x9a: {  	s4 =	simm.s32 $_size__tile_overlayer_lowered;
	s5 =	simm.s32 $_tile_overlayer_lowered  }
0x9b: {  	s22 =	simm.s32 $0x1BFF;
	s21 =	sshll.u32 s5, $0x1;
	s2 =	sadd.s32 s19, s18  }
0x9c: {  	s6 =	simm.s32 $0x0;
	s20 =	sshll.u32 s4, $0x1;
	s4 =	sadd.s32 s21, s2  }
0x9d: {  	[timem:s6], [sflag:s22] =	dma.local [hbm:s4], s20  }
0x9e: {  	_ =	swait.ge [sflag:s22], s20  }
0x9f: {  	s3 =	ssub.s32 $0x0, s20;
	[sflag:s22] =	ssyncset.done $0x0  }
0xa0: {  	[sflag:s22] =	ssyncadd.s32 s3;
	_ =	sdelay $0x1  }
0xa1: {  	s23 =	simm.s32 $0x1B8B  }
0xa2: {  	_ =	swait.ge [sflag:s23], $0x1  }
0xa3: {  	[sflag:s23] =	ssyncset.done $0x0  }
0xa4: {  	s25 =	simm.s32 $0x1B8E;
	s24 =	sld [smem:$0x3FFE];
	[sflag:s23] =	ssyncadd.s32 $0xFFFFFFFF  }
0xa5: {  	s26 =	simm.s32 $execute0_lowered;
	[smem:$0x3FD2] =	sst s25  }
0xa6: {  	s4 =	sshll.u32 s26, $0x1;
	_ =	strace $0x80000046;
	[dreg:$0x1] =	wrdreg $0xFFFFFFFF  }
0xa7: {  	s28 =	simm.s32 $_size_execute0_lowered;
	s2 =	sadd.s32 s2, s4;
	[dreg:$0x0] =	wrdreg $0x0  }
0xa8: {  	s4 =	sshll.u32 s28, $0x1;
	[dreg:$0x2] =	wrdreg s2  }
0xa9: {  	[dreg:$0x3] =	wrdreg s4  }
0xaa: {  	[dreg:$0x4] =	wrdreg $0xC0  }
0xab: {  	_ =	task [dreg:s6], $0x5FFFF  }
0xac: {  	[dreg:$0x1] =	wrdreg $0xFFFFFFFF  }
0xad: {  	[dreg:$0x0] =	wrdreg $0x60  }
0xae: {  	[dreg:$0x2] =	wrdreg s24  }
0xaf: {  	[dreg:$0x3] =	wrdreg $0x9  }
0xb0: {  	_ =	task.clear_ibuf [dreg:s6], $0x4FFFF;
	_ =	strace $0x90000046  }
0xb1: {  	s29 =	simm.s32 $0x9;
	_ =	strace $0x80000048  }
0xb2: {  	_ =	swait.ge [sflag:s29], $0x1  }
0xb3: {  	[sflag:s29] =	ssyncadd.s32 $0xFFFFFFFF  }
0xb4: {  	_ =	strace $0x90000048  }
0xb5: {  	_ =	sfence  }
0xb6: {  	s30 =	sld [smem:$0x0];
	_ =	sdelay $0x2  }
0xb7: {  	s31 =	sshll.u32 s1, $0xD;
	s1 =	sshrl.u32 s1, $0x2  }
0xb8: {  	s3 =	sand.u32 $0x4000, s31;
	s1 =	sadd.s32 s1, s30  }
0xb9: {  	s0 =	sor.u32 s3, s0;
	s1 =	sshll.u32 s1, $0x11  }
0xba: {  	s0 =	sor.u32 s1, s0  }
0xbb: {  	s0 =	sadd.s32 $0x8F2B, s0  }
0xbc: {  	[sflag:s0] =	ssyncadd.remote.s32 $0x1  }
0xbd: {  	_ =	sfence.sel $0xFFFF  }
0xbe: {  	[dreg:$0x0] =	wrdreg $0xFFFFFFFF;
	(pc) =	sbr.abs _section_cstart, $3  }
0xbf: {  	[dreg:$0x1] =	wrdreg $0xFFFFFFFF  }
0xc0: {  	_ =	task.clear_ibuf [dreg:s6], $0x2FFFF;
	_ =	strace $0x9FFFFFFF  }
0xc1: {  	(tm) =	ssettm $0x7FFFFFFF  }
tec
execute0_lowered:
.L_overlay_start_1:
0x0: {  	(tag) =	ssettag $0x1  }
0x1: {  	s0 =	srdreg.scid  }
0x2: {  	s5 =	rddreg [dreg:$0x0];
	s3 =	sand.u32 $0x1, s0  }
0x3: {  	s2 =	simm.s32 $0x0;
	s0 =	stileid.u32;
	s1 =	sshll.u32 s3, $0x4  }
0x4: {  	s8 =	simm.s32 $0x80;
	s9 =	simm.s32 $0x400;
	s4 =	sor.u32 s0, s1  }
0x5: {  	s10 =	simm.s32 $0x0;
	[smem:$0x7FF] =	sst s2;
	s1 =	sshrl.u32 s4, $0x3  }
0x6: {  	s7 =	sshll.u32 s0, $0x7;
	s3 =	ssub.s32 $0x2, s3;
	s6 =	smul.u32 $0x13C00, s1  }
0x7: {  	s7 =	sand.u32 $0x380, s7;
	s31 =	sshrl.u32 s3, $0x1;
	s4 =	smul.u32 $0x500, s4  }
0x8: {  	s1 =	rddreg [dreg:$0x1];
	_ =	strace $0x80000047;
	s6 =	sor.u32 s7, s6  }
0x9: {  	s4 =	sadd.s32 s4, s5;
	s7 =	simm.s32 $0x2800;
	s6 =	sshrl.u32 s6, $0x3  }
0xa: {  	s5 =	sadd.s32 s6, s5;
	s6 =	ssub.s32 s3, s31;
	s3 =	sadd.s32 $0x3800, s4  }
0xb: {  	v0 =	vimm.f32 $0.0e+00;
	v1 =	vimm.f32 $1.000000000e+00;
	s4 =	sadd.s32 $0x17800, s5;
	s5 =	smax.u32 s6, $0x1;
	s6 =	simm.s32 $0x1  }
.LBB2_1:
0xc: {  	[tilespmem:s2], [sflag:$0x1] =	stream.linear.gather [hbm4b:s3+s2], $0x2800, $0x38;
	[tilespmem:$0x4F80] =	vst v63  }
0xd: {  	_ =	swait.ge [sflag:s6], $0x2800  }
0xe: {  	[sflag:s6] =	ssyncset.done $0x0  }
0xf: {  	s11 =	simm.s32 $0x0;
	[sflag:s6] =	ssyncadd.s32 $0xFFFFD800  }
.LBB2_2:
0x10: {  	p0 =	sne.s32 s11, $0x9DC0  }
.Ltmp0:
0x11: {  	_ = 	snop;
	(pc) =	sbr.rel @p0 .LBB2_2-.Ltmp0, $3  }
0x12: {  	_ =	sdelay $0x1  }
0x13: {  	s12 =	sshra.s32 s11, $0x2  }
0x14: {  	s11 =	sadd.s32 $0x40, s11;
	[tilespmem:s12+$0x2800] =	vst v0  }
0x15: {  	s11 =	simm.s32 $0x0  }
.LBB2_4:
0x16: {  	s12 =	sshra.s32 s11, $0x2  }
0x17: {  	v2 =	vld [tilespmem:s12+$0x0];
	_ =	sdelay $0x7  }
0x18: {  	[tilespmem:v2+s7+$0x0] =	vst.idx.add.f32.msk $0xffff, v1  }
0x19: {  	v2 =	vld [tilespmem:s12+$0x10];
	_ =	sdelay $0x7  }
0x1a: {  	[tilespmem:v2+s7+$0x0] =	vst.idx.add.f32.msk $0xffff, v1  }
0x1b: {  	v2 =	vld [tilespmem:s12+$0x20];
	_ =	sdelay $0x7  }
0x1c: {  	[tilespmem:v2+s7+$0x0] =	vst.idx.add.f32.msk $0xffff, v1  }
0x1d: {  	v2 =	vld [tilespmem:s12+$0x30];
	_ =	sdelay $0x7  }
0x1e: {  	[tilespmem:v2+s7+$0x0] =	vst.idx.add.f32.msk $0xffff, v1  }
0x1f: {  	v2 =	vld [tilespmem:s12+$0x40];
	_ =	sdelay $0x7  }
0x20: {  	[tilespmem:v2+s7+$0x0] =	vst.idx.add.f32.msk $0xffff, v1  }
0x21: {  	v2 =	vld [tilespmem:s12+$0x50];
	_ =	sdelay $0x7  }
0x22: {  	[tilespmem:v2+s7+$0x0] =	vst.idx.add.f32.msk $0xffff, v1  }
0x23: {  	v2 =	vld [tilespmem:s12+$0x60];
	_ =	sdelay $0x7  }
0x24: {  	[tilespmem:v2+s7+$0x0] =	vst.idx.add.f32.msk $0xffff, v1  }
0x25: {  	v2 =	vld [tilespmem:s12+$0x70];
	_ =	sdelay $0x2  }
0x26: {  	p0 =	sne.s32 s11, $0x9E00  }
.Ltmp1:
0x27: {  	_ = 	snop;
	(pc) =	sbr.rel @p0 .LBB2_4-.Ltmp1, $2  }
0x28: {  	_ =	sdelay $0x2  }
0x29: {  	s11 =	sadd.s32 $0x200, s11;
	[tilespmem:v2+s7+$0x0] =	vst.idx.add.f32.msk $0xffff, v1  }
0x2a: {  	s10 =	sadd.s32 $0x1, s10  }
0x2b: {  	p0 =	sne.s32 s10, s5  }
.Ltmp2:
0x2c: {  	_ = 	snop;
	(pc) =	sbr.rel @p0 .LBB2_1-.Ltmp2, $4  }
0x2d: {  	[hbm4b:s4+s8] =	stream.strided.scatter [tilespmem:s7], [sflag:$0x1], $0x2780, s9, s8, $0x38;
	[tilespmem:$0x4F80] =	vst v63  }
0x2e: {  	_ =	swait.ge [sflag:s6], $0x2780  }
0x2f: {  	[sflag:s6] =	ssyncset.done $0x0  }
0x30: {  	[sflag:s6] =	ssyncadd.s32 $0xFFFFD880  }
0x31: {  	_ =	sfence.sel $0x180000  }
0x32: {  	[bflag:$0x0] =	sbarrier.arrive $0xFFFF  }
0x33: {  	p0 =	sne.s32 s0, $0x0;
	_ =	strace $0x90000047  }
0x34: {  	s0 =	sadd.s32 @!p0 $0x100000, s1;
	[bflag:$0x2] =	sbarrier.arrive $0xFFFF  }
0x35: {  	[sflag:s0] =	ssyncadd.tile.s32 @!p0 $0x1;
	_ =	shalt  }
.Lfunc_end2:
_tile_overlayer_lowered:
.L_overlay_start_2:
0x36: {  	(tag) =	ssettag $0x2  }
0x37: {  	s0 =	rddreg [dreg:$0x0];
	s2 =	stileid.u32  }
0x38: {  	s1 =	rddreg [dreg:$0x1];
	p0 =	sne.s32 s2, $0x0  }
0x39: {  	s3 =	rddreg [dreg:$0x2];
	[bflag:$0x3] =	sbarrier.arrive $0xFFFF;
	s2 =	simm.s32 @!p0 $0x1C01  }
0x3a: {  	[timem:s3], [sflag:s2] =	dma.local @!p0 [hbm:s0], s1  }
0x3b: {  	s0 =	simm.s32 @!p0 $0x1  }
0x3c: {  	_ =	swait.ge @!p0 [sflag:s0], s1  }
0x3d: {  	s1 =	ssub.s32 @!p0 $0x0, s1;
	[sflag:s0] =	ssyncset.done @!p0 $0x0  }
0x3e: {  	[sflag:s0] =	ssyncadd.s32 @!p0 s1  }
0x3f: {  	[bflag:$0x3] =	sbarrier.arrive $0xFFFF  }
0x40: {  	_ =	shalt  }

// kernel: kernel.13.cloned.1.call-start
scs
__scs_entry_jumppad:
0x0: {  	(pc) =	sbr.rel $0x88, $3  }
0x1: {  	(tag) =	ssettag $0x0;
	lr =	simm.s32 $0x1  }
0x2: {  	[smem:$0x3F96] =	sst lr;
	_ =	strace $0xD0000000  }
0x3: {  	_ = 	snop  }
0x4: {  	_ = 	snop  }
0x5: {  	_ = 	snop  }
0x6: {  	_ = 	snop  }
0x7: {  	_ = 	snop  }
__scs_overlays_trampoline_lowered:
0x8: {  	[smem:$0x3FA5] =	sst s0  }
0x9: {  	[smem:$0x3FA6] =	sst s1  }
0xa: {  	[smem:$0x3FA7] =	sst s2  }
0xb: {  	[smem:$0x3FA8] =	sst s3  }
0xc: {  	[smem:$0x3FA9] =	sst s4  }
0xd: {  	[smem:$0x3FAA] =	sst s5  }
0xe: {  	[smem:$0x3FAB] =	sst s6  }
0xf: {  	[smem:$0x3FAC] =	sst s7  }
0x10: {  	[smem:$0x3FAD] =	sst s8  }
0x11: {  	[smem:$0x3FAE] =	sst s9;
	s0 =	simm.s32 @!p0 $0x0  }
0x12: {  	s1 =	sld [smem:$0x3F94];
	s0 =	simm.s32 @p0 $0x1  }
0x13: {  	[smem:$0x3FAF] =	sst s0;
	s0 =	simm.s32 @!p1 $0x0  }
0x14: {  	s2 =	sld [smem:$0x3F93];
	s0 =	simm.s32 @p1 $0x1  }
0x15: {  	[smem:$0x3FB0] =	sst s0;
	s0 =	simm.s32 @!p2 $0x0  }
0x16: {  	s3 =	sld [smem:$0x3FDB];
	s0 =	simm.s32 @p2 $0x1  }
0x17: {  	s4 =	simm.s32 $0x1BF5;
	[smem:$0x3FB2] =	sst s0  }
0x18: {  	s0 =	sld [smem:$0x3F95];
	_ =	swait.ge [sflag:s4], $0x0  }
0x19: {  	s7 =	sld [smem:$0x3F96]  }
0x1a: {  	s8 =	sadd.s32 $0xFFFFE003, lr  }
0x1b: {  	s9 =	sadd.s32 $0xFFFFFEF7, lr;
	s5 =	simm.s32 $0xFFFFFFFF;
	p2 =	slt.u32 s8, $0xFFFFF086  }
0x1c: {  	p1 =	slt.u32 s9, $0xF7A;
	s5 =	simm.s32 @!p2 $0x0  }
0x1d: {  	s5 =	simm.s32 @p1 $0x1;
	p0 =	seq.s32 s7, s2  }
0x1e: {  	s7 =	smul.u32 @!p0 $0xF7A, s2;
	p2 =	seq.s32 @!p0 s5, $0x0  }
0x1f: {  	s9 =	smul.u32 $0xF7A, s1;
	s8 =	simm.s32 @!p0 $0x1BF5;
	p2 =	por !p2, p0  }
0x20: {  	[sflag:s8] =	ssyncset.s32 @!p0 $0xFFFFF086;
	s6 =	sadd.s32 @!p0 s3, s7;
	s7 =	simm.s32 @!p0 $0x108  }
0x21: {  	s3 =	sadd.s32 s3, s9;
	s6 =	sadd.s32 @!p0 $0x88, s6;
	s7 =	simm.s32 @p2 $0x1082  }
0x22: {  	[simem:s7], [sflag:s8] =	dma.local @!p0 [hbm:s6], $0xF7A  }
0x23: {  	s9 =	sor.u32 $0xD0000000, s2;
	s6 =	simm.s32 $0x108;
	_ =	swait.ge @!p0 [sflag:s8], $0x0  }
0x24: {  	s3 =	sadd.s32 $0x88, s3;
	s6 =	simm.s32 @!p1 $0x1082;
	[sflag:s4] =	ssyncset.s32 $0xFFFFF086  }
0x25: {  	[simem:s6], [sflag:s4] =	dma.local [hbm:s3], $0xF7A  }
0x26: {  	[smem:$0x3F96] =	sst s1;
	(tag) =	ssettag s2;
	_ =	strace s9  }
0x27: {  	s1 =	sld [smem:$0x3FA6]  }
0x28: {  	s2 =	sld [smem:$0x3FA7]  }
0x29: {  	s4 =	sld [smem:$0x3FA9]  }
0x2a: {  	p0 =	seq.s32 s5, $0x0;
	s5 =	sld [smem:$0x3FAA]  }
0x2b: {  	s6 =	sld [smem:$0x3FAB]  }
0x2c: {  	s7 =	sld [smem:$0x3FAC]  }
0x2d: {  	s3 =	simm.s32 $0x108;
	s8 =	sld [smem:$0x3FAD]  }
0x2e: {  	s3 =	simm.s32 @!p0 $0x1082;
	s9 =	sld [smem:$0x3FAE]  }
0x2f: {  	lr =	sadd.s32 s0, s3;
	s0 =	sld [smem:$0x3FA5]  }
0x30: {  	s3 =	sld [smem:$0x3FA8]  }
0x31: {  	[smem:$0x3FB1] =	sst s10  }
0x32: {  	s10 =	sld [smem:$0x3FAF];
	_ =	sdelay $0x3  }
0x33: {  	p0 =	seq.s32 s10, $0x1;
	s10 =	sld [smem:$0x3FB1];
	_ =	sdelay $0x3  }
0x34: {  	[smem:$0x3FB1] =	sst s10  }
0x35: {  	s10 =	sld [smem:$0x3FB0];
	_ =	sdelay $0x3  }
0x36: {  	p1 =	seq.s32 s10, $0x1;
	s10 =	sld [smem:$0x3FB1];
	_ =	sdelay $0x3  }
0x37: {  	[smem:$0x3FB1] =	sst s10  }
0x38: {  	s10 =	sld [smem:$0x3FB2]  }
0x39: {  	_ = 	snop;
	(pc) =	sbr.ind lr, $3  }
0x3a: {  	_ = 	snop  }
0x3b: {  	_ = 	snop  }
0x3c: {  	p2 =	seq.s32 s10, $0x1;
	s10 =	sld [smem:$0x3FB1]  }
0x3d: {  	_ =	shalt  }
0x3e: {  	_ =	shalt  }
0x3f: {  	_ =	shalt  }
0x40: {  	_ =	shalt  }
0x41: {  	_ =	shalt  }
0x42: {  	_ =	shalt  }
0x43: {  	_ =	shalt  }
0x44: {  	_ =	shalt  }
0x45: {  	_ =	shalt  }
0x46: {  	_ =	shalt  }
0x47: {  	_ =	shalt  }
0x48: {  	_ =	shalt  }
0x49: {  	_ =	shalt  }
0x4a: {  	_ =	shalt  }
0x4b: {  	_ =	shalt  }
0x4c: {  	_ =	shalt  }
0x4d: {  	_ =	shalt  }
0x4e: {  	_ =	shalt  }
0x4f: {  	_ =	shalt  }
0x50: {  	_ =	shalt  }
0x51: {  	_ =	shalt  }
0x52: {  	_ =	shalt  }
0x53: {  	_ =	shalt  }
0x54: {  	_ =	shalt  }
0x55: {  	_ =	shalt  }
0x56: {  	_ =	shalt  }
0x57: {  	_ =	shalt  }
0x58: {  	_ =	shalt  }
0x59: {  	_ =	shalt  }
0x5a: {  	_ =	shalt  }
0x5b: {  	_ =	shalt  }
0x5c: {  	_ =	shalt  }
0x5d: {  	_ =	shalt  }
0x5e: {  	_ =	shalt  }
0x5f: {  	_ =	shalt  }
0x60: {  	_ =	shalt  }
0x61: {  	_ =	shalt  }
0x62: {  	_ =	shalt  }
0x63: {  	_ =	shalt  }
0x64: {  	_ =	shalt  }
0x65: {  	_ =	shalt  }
0x66: {  	_ =	shalt  }
0x67: {  	_ =	shalt  }
0x68: {  	_ =	shalt  }
0x69: {  	_ =	shalt  }
0x6a: {  	_ =	shalt  }
0x6b: {  	_ =	shalt  }
0x6c: {  	_ =	shalt  }
0x6d: {  	_ =	shalt  }
0x6e: {  	_ =	shalt  }
0x6f: {  	_ =	shalt  }
0x70: {  	_ =	shalt  }
0x71: {  	_ =	shalt  }
0x72: {  	_ =	shalt  }
0x73: {  	_ =	shalt  }
0x74: {  	_ =	shalt  }
0x75: {  	_ =	shalt  }
0x76: {  	_ =	shalt  }
0x77: {  	_ =	shalt  }
0x78: {  	_ =	shalt  }
0x79: {  	_ =	shalt  }
0x7a: {  	_ =	shalt  }
0x7b: {  	_ =	shalt  }
0x7c: {  	_ =	shalt  }
0x7d: {  	_ =	shalt  }
0x7e: {  	_ =	shalt  }
0x7f: {  	_ =	shalt  }
0x80: {  	_ =	shalt  }
0x81: {  	_ =	shalt  }
0x82: {  	_ =	shalt  }
0x83: {  	_ =	shalt  }
0x84: {  	_ =	shalt  }
0x85: {  	_ =	shalt  }
0x86: {  	_ =	shalt  }
0x87: {  	_ =	shalt  }
.Lfunc_end0:
.L_simem_size_0:
called_computation.1_lowered:
.L_overlay_start_0:
0x88: {  	s2 =	sld [smem:$0x3FD9]  }
0x89: {  	s3 =	sld [smem:$0x3FFE];
	_ =	sdelay $0x1  }
0x8a: {  	s1 =	srdreg.scid  }
0x8b: {  	s0 =	sand.u32 $0x1, s1  }
0x8c: {  	s16 =	sshll.u32 s0, $0xA;
	s2 =	sadd.s32 s3, s2  }
0x8d: {  	s2 =	sadd.s32 s2, s16  }
0x8e: {  	[smem:$0x3FBD] =	sst s2  }
0x8f: {  	_ = 	snop  }
0x90: {  	(tm) =	ssettm $0x1  }
0x91: {  	s17 =	sld [smem:$0x3FFB];
	_ =	sdelay $0x3  }
0x92: {  	_ =	strace s17  }
0x93: {  	s2 =	sld [smem:$0x3FFC];
	_ =	sdelay $0x3  }
0x94: {  	_ =	strace s2  }
0x95: {  	s2 =	sld [smem:$0x3FFD];
	_ =	sdelay $0x3  }
0x96: {  	_ =	strace s2  }
0x97: {  	_ =	strace $0x8FFFFFFF  }
0x98: {  	s18 =	sld [smem:$0x3FDB];
	_ =	sdelay $0x1  }
0x99: {  	s19 =	simm.s32 $_scs_section_size  }
0x9a: {  	s4 =	simm.s32 $_size__tile_overlayer_lowered;
	s5 =	simm.s32 $_tile_overlayer_lowered  }
0x9b: {  	s22 =	simm.s32 $0x1BFF;
	s21 =	sshll.u32 s5, $0x1;
	s2 =	sadd.s32 s19, s18  }
0x9c: {  	s6 =	simm.s32 $0x0;
	s20 =	sshll.u32 s4, $0x1;
	s4 =	sadd.s32 s21, s2  }
0x9d: {  	[timem:s6], [sflag:s22] =	dma.local [hbm:s4], s20  }
0x9e: {  	_ =	swait.ge [sflag:s22], s20  }
0x9f: {  	s3 =	ssub.s32 $0x0, s20;
	[sflag:s22] =	ssyncset.done $0x0  }
0xa0: {  	[sflag:s22] =	ssyncadd.s32 s3;
	_ =	sdelay $0x1  }
0xa1: {  	s23 =	simm.s32 $0x1B8B  }
0xa2: {  	_ =	swait.ge [sflag:s23], $0x1  }
0xa3: {  	[sflag:s23] =	ssyncset.done $0x0  }
0xa4: {  	s25 =	simm.s32 $0x1B8E;
	s24 =	sld [smem:$0x3FFE];
	[sflag:s23] =	ssyncadd.s32 $0xFFFFFFFF  }
0xa5: {  	s26 =	simm.s32 $execute0_lowered;
	[smem:$0x3FD2] =	sst s25  }
0xa6: {  	s4 =	sshll.u32 s26, $0x1;
	_ =	strace $0x80000049;
	[dreg:$0x1] =	wrdreg $0xFFFFFFFF  }
0xa7: {  	s28 =	simm.s32 $_size_execute0_lowered;
	s2 =	sadd.s32 s2, s4;
	[dreg:$0x0] =	wrdreg $0x0  }
0xa8: {  	s4 =	sshll.u32 s28, $0x1;
	[dreg:$0x2] =	wrdreg s2  }
0xa9: {  	[dreg:$0x3] =	wrdreg s4  }
0xaa: {  	[dreg:$0x4] =	wrdreg $0xC0  }
0xab: {  	_ =	task [dreg:s6], $0x5FFFF  }
0xac: {  	[dreg:$0x1] =	wrdreg $0xFFFFFFFF  }
0xad: {  	[dreg:$0x0] =	wrdreg $0x60  }
0xae: {  	[dreg:$0x2] =	wrdreg s24  }
0xaf: {  	[dreg:$0x3] =	wrdreg $0xAC000  }
0xb0: {  	[dreg:$0x4] =	wrdreg $0x9  }
0xb1: {  	_ =	task.clear_ibuf [dreg:s6], $0x5FFFF;
	_ =	strace $0x90000049  }
0xb2: {  	s29 =	simm.s32 $0x9;
	_ =	strace $0x8000004B  }
0xb3: {  	_ =	swait.ge [sflag:s29], $0x1  }
0xb4: {  	[sflag:s29] =	ssyncadd.s32 $0xFFFFFFFF  }
0xb5: {  	_ =	strace $0x9000004B  }
0xb6: {  	_ =	sfence  }
0xb7: {  	s30 =	sld [smem:$0x0];
	_ =	sdelay $0x2  }
0xb8: {  	s31 =	sshll.u32 s1, $0xD;
	s1 =	sshrl.u32 s1, $0x2  }
0xb9: {  	s3 =	sand.u32 $0x4000, s31;
	s1 =	sadd.s32 s1, s30  }
0xba: {  	s0 =	sor.u32 s3, s0;
	s1 =	sshll.u32 s1, $0x11  }
0xbb: {  	s0 =	sor.u32 s1, s0  }
0xbc: {  	s0 =	sadd.s32 $0x8F2B, s0  }
0xbd: {  	[sflag:s0] =	ssyncadd.remote.s32 $0x1  }
0xbe: {  	_ =	sfence.sel $0xFFFF  }
0xbf: {  	[dreg:$0x0] =	wrdreg $0xFFFFFFFF;
	(pc) =	sbr.abs _section_cstart, $3  }
0xc0: {  	[dreg:$0x1] =	wrdreg $0xFFFFFFFF  }
0xc1: {  	_ =	task.clear_ibuf [dreg:s6], $0x2FFFF;
	_ =	strace $0x9FFFFFFF  }
0xc2: {  	(tm) =	ssettm $0x7FFFFFFF  }
0xc3: {  	_ =	shalt  }
tec
execute0_lowered:
.L_overlay_start_1:
0x0: {  	(tag) =	ssettag $0x1  }
0x1: {  	s6 =	rddreg [dreg:$0x0]  }
0x2: {  	s0 =	srdreg.scid;
	s2 =	rddreg [dreg:$0x1];
	s3 =	simm.s32 $0x0  }
0x3: {  	s15 =	simm.s32 $0x2C00;
	s16 =	simm.s32 $0x80;
	s18 =	simm.s32 $0x2880  }
0x4: {  	s17 =	simm.s32 $0x6C00;
	s19 =	simm.s32 $0x2900;
	s20 =	simm.s32 $0x2980  }
0x5: {  	s21 =	simm.s32 $0x2A00;
	s22 =	simm.s32 $0x2B00;
	s5 =	sand.u32 $0x1, s0  }
0x6: {  	s23 =	simm.s32 $0x2B80;
	s0 =	stileid.u32;
	s8 =	smul.u32 $0x13C000, s5  }
0x7: {  	s24 =	simm.s32 $0x0;
	[smem:$0x7FF] =	sst s3;
	s9 =	smul.u32 $0x13C00, s0  }
0x8: {  	s1 =	sshll.u32 s5, $0x4;
	_ =	strace $0x8000004A;
	s10 =	smul.u32 $0x5000, s5  }
0x9: {  	s5 =	ssub.s32 $0x2, s5;
	s29 =	smul.u32 $0x4F000, s0;
	[dreg:$0x3] =	wrdreg s18  }
0xa: {  	s14 =	smul.u32 $0x500, s0;
	s18 =	simm.s32 $0x2800;
	[dreg:$0x4] =	wrdreg s19  }
0xb: {  	s19 =	simm.s32 $0x1;
	[dreg:$0x5] =	wrdreg s20;
	s20 =	simm.s32 $0x2  }
0xc: {  	[dreg:$0x6] =	wrdreg s21;
	s21 =	simm.s32 $0x2A80;
	s4 =	sor.u32 s0, s1  }
0xd: {  	s30 =	sshrl.u32 s5, $0x1;
	s7 =	smul.u32 $0x500, s4;
	s4 =	sadd.s32 $0x17800, s6  }
0xe: {  	s8 =	sadd.s32 s9, s8;
	s12 =	sadd.s32 s10, s6;
	s13 =	ssub.s32 s5, s30  }
0xf: {  	s31 =	sshrl.u32 s29, $0x2;
	s8 =	sshrl.u32 s8, $0x3;
	s14 =	sadd.s32 s14, s12  }
0x10: {  	s12 =	smax.u32 s13, $0x1;
	s7 =	sadd.s32 s7, s6;
	s11 =	sadd.s32 s8, s6  }
0x11: {  	s6 =	sadd.s32 s31, s2;
	s13 =	sadd.s32 $0x3800, s14;
	s14 =	simm.s32 $0x3  }
0x12: {  	s5 =	sadd.s32 $0xD800, s7;
	s7 =	sadd.s32 $0x4000, s6;
	s8 =	sadd.s32 $0x8000, s6  }
0x13: {  	v0 =	vimm.f32 $0.0e+00;
	s9 =	sadd.s32 $0xC000, s6;
	s10 =	sadd.s32 $0xFC00, s6;
	s11 =	sadd.s32 $0x3EA00, s11  }
.LBB2_1:
0x14: {  	[tilespmem:s3], [sflag:$0x3] =	stream.linear.gather [hbm4b:s5+s3], $0x2800, $0x38;
	[tilespmem:$0x1E800] =	vst v63  }
0x15: {  	_ =	swait.ge [sflag:s14], $0x2800  }
0x16: {  	[sflag:s14] =	ssyncset.done $0x0  }
0x17: {  	s25 =	simm.s32 $0x0;
	s26 =	simm.s32 $0x200;
	[sflag:s14] =	ssyncadd.s32 $0xFFFFD800  }
.LBB2_2:
0x18: {  	p0 =	sne.s32 s26, $0xFE00;
	[tilespmem:s25+$0x2C70] =	vst v0  }
0x19: {  	[tilespmem:s25+$0x2C00] =	vst v0  }
0x1a: {  	[tilespmem:s25+$0x2C10] =	vst v0  }
.Ltmp0:
0x1b: {  	[tilespmem:s25+$0x2C20] =	vst v0;
	(pc) =	sbr.rel @p0 .LBB2_2-.Ltmp0, $4  }
0x1c: {  	[tilespmem:s25+$0x2C30] =	vst v0  }
0x1d: {  	[tilespmem:s25+$0x2C40] =	vst v0  }
0x1e: {  	[tilespmem:s25+$0x2C50] =	vst v0  }
0x1f: {  	[tilespmem:s25+$0x2C60] =	vst v0;
	s25 =	sshra.s32 s26, $0x2;
	s26 =	sadd.s32 $0x200, s26  }
0x20: {  	[tilespmem:s25+$0x2C70] =	vst v0  }
0x21: {  	[tilespmem:s25+$0x2C00] =	vst v0  }
0x22: {  	[tilespmem:s25+$0x2C10] =	vst v0  }
0x23: {  	[tilespmem:s25+$0x2C20] =	vst v0  }
0x24: {  	[tilespmem:s25+$0x2C30] =	vst v0  }
0x25: {  	[tilespmem:s25+$0x2C40] =	vst v0  }
0x26: {  	[tilespmem:s25+$0x2C50] =	vst v0  }
0x27: {  	[tilespmem:s25+$0x2C60] =	vst v0  }
0x28: {  	[spmem:s6] =	stream.linear.scatter [tilespmem:s15], [sflag:$0x3], $0x4000, $0x38;
	[tilespmem:$0x1E800] =	vst v63  }
0x29: {  	_ =	swait.ge [sflag:s14], $0x4000  }
0x2a: {  	[sflag:s14] =	ssyncset.done $0x0  }
0x2b: {  	[sflag:s14] =	ssyncadd.s32 $0xFFFFC000  }
0x2c: {  	[spmem:s7] =	stream.linear.scatter [tilespmem:s15], [sflag:$0x3], $0x4000, $0x38;
	[tilespmem:$0x1E800] =	vst v63  }
0x2d: {  	_ =	swait.ge [sflag:s14], $0x4000  }
0x2e: {  	[sflag:s14] =	ssyncset.done $0x0  }
0x2f: {  	[sflag:s14] =	ssyncadd.s32 $0xFFFFC000  }
0x30: {  	[spmem:s8] =	stream.linear.scatter [tilespmem:s15], [sflag:$0x3], $0x4000, $0x38;
	[tilespmem:$0x1E800] =	vst v63  }
0x31: {  	_ =	swait.ge [sflag:s14], $0x4000  }
0x32: {  	[sflag:s14] =	ssyncset.done $0x0  }
0x33: {  	[sflag:s14] =	ssyncadd.s32 $0xFFFFC000  }
0x34: {  	[spmem:s9] =	stream.linear.scatter [tilespmem:s15], [sflag:$0x3], $0x4000, $0x38;
	[tilespmem:$0x1E800] =	vst v63  }
0x35: {  	_ =	swait.ge [sflag:s14], $0x4000  }
0x36: {  	[sflag:s14] =	ssyncset.done $0x0  }
0x37: {  	[sflag:s14] =	ssyncadd.s32 $0xFFFFC000  }
0x38: {  	[spmem:s10] =	stream.linear.scatter [tilespmem:s15], [sflag:$0x3], $0x4000, $0x38;
	[tilespmem:$0x1E800] =	vst v63  }
0x39: {  	_ =	swait.ge [sflag:s14], $0x4000  }
0x3a: {  	[sflag:s14] =	ssyncset.done $0x0  }
0x3b: {  	s26 =	simm.s32 $0x0;
	[sflag:s14] =	ssyncadd.s32 $0xFFFFC000  }
0x3c: {  	[tilespmem:s15], [sflag:$0x1] =	stream.indirect.gather [hbm4b:s4+s16], $0x80, s26, s16, $0xb8;
	[tilespmem:$0x1E800] =	vst v63  }
0x3d: {  	_ = 	snop  }
0x3e: {  	[tilespmem:s17], [sflag:$0x2] =	stream.indirect.gather [hbm4b:s4+s16], $0x80, s16, s16, $0xb8;
	[tilespmem:$0x1E800] =	vst v63  }
0x3f: {  	[bflag:$0x0] =	sbarrier.arrive $0xFFFF  }
0x40: {  	[tilespmem:s18], [sflag:$0x3] =	stream.linear.gather [hbm4b:s13+s3], $0x400, $0x38;
	[tilespmem:$0x1E800] =	vst v63  }
0x41: {  	_ =	swait.ge [sflag:s14], $0x400  }
0x42: {  	[sflag:s14] =	ssyncset.done $0x0  }
0x43: {  	[sflag:s14] =	ssyncadd.s32 $0xFFFFFC00  }
0x44: {  	_ =	swait.ge [sflag:s19], $0x4000  }
0x45: {  	[sflag:s19] =	ssyncset.done $0x0  }
0x46: {  	[sflag:s19] =	ssyncadd.s32 $0xFFFFC000  }
0x47: {  	[spmem:s2] =	stream.indirect.scatter.add.f32 [tilespmem:s15], [sflag:$0x3], $0x80, s18, s16, $0xb8;
	[tilespmem:$0x1E800] =	vst v63  }
0x48: {  	_ =	swait.ge [sflag:s14], $0x4000  }
0x49: {  	[sflag:s14] =	ssyncset.done $0x0  }
0x4a: {  	s1 =	simm.s32 $0x100;
	[sflag:s14] =	ssyncadd.s32 $0xFFFFC000  }
0x4b: {  	[tilespmem:s15], [sflag:$0x1] =	stream.indirect.gather [hbm4b:s4+s16], $0x80, s1, s16, $0xb8;
	[tilespmem:$0x1E800] =	vst v63  }
0x4c: {  	_ =	swait.ge [sflag:s20], $0x4000  }
0x4d: {  	[sflag:s20] =	ssyncset.done $0x0  }
0x4e: {  	s26 =	rddreg [dreg:$0x3];
	[sflag:s20] =	ssyncadd.s32 $0xFFFFC000  }
0x4f: {  	[spmem:s2] =	stream.indirect.scatter.add.f32 [tilespmem:s17], [sflag:$0x3], $0x80, s26, s16, $0xb8;
	[tilespmem:$0x1E800] =	vst v63  }
0x50: {  	_ =	swait.ge [sflag:s14], $0x4000  }
0x51: {  	[sflag:s14] =	ssyncset.done $0x0  }
0x52: {  	s1 =	simm.s32 $0x180;
	[sflag:s14] =	ssyncadd.s32 $0xFFFFC000  }
0x53: {  	[tilespmem:s17], [sflag:$0x2] =	stream.indirect.gather [hbm4b:s4+s16], $0x80, s1, s16, $0xb8;
	[tilespmem:$0x1E800] =	vst v63  }
0x54: {  	_ =	swait.ge [sflag:s19], $0x4000  }
0x55: {  	[sflag:s19] =	ssyncset.done $0x0  }
0x56: {  	s26 =	rddreg [dreg:$0x4];
	[sflag:s19] =	ssyncadd.s32 $0xFFFFC000  }
0x57: {  	[spmem:s2] =	stream.indirect.scatter.add.f32 [tilespmem:s15], [sflag:$0x3], $0x80, s26, s16, $0xb8;
	[tilespmem:$0x1E800] =	vst v63  }
0x58: {  	_ =	swait.ge [sflag:s14], $0x4000  }
0x59: {  	[sflag:s14] =	ssyncset.done $0x0  }
0x5a: {  	s1 =	simm.s32 $0x200;
	[sflag:s14] =	ssyncadd.s32 $0xFFFFC000  }
0x5b: {  	[tilespmem:s15], [sflag:$0x1] =	stream.indirect.gather [hbm4b:s4+s16], $0x80, s1, s16, $0xb8;
	[tilespmem:$0x1E800] =	vst v63  }
0x5c: {  	_ =	swait.ge [sflag:s20], $0x4000  }
0x5d: {  	[sflag:s20] =	ssyncset.done $0x0  }
0x5e: {  	s26 =	rddreg [dreg:$0x5];
	[sflag:s20] =	ssyncadd.s32 $0xFFFFC000  }
0x5f: {  	[spmem:s2] =	stream.indirect.scatter.add.f32 [tilespmem:s17], [sflag:$0x3], $0x80, s26, s16, $0xb8;
	[tilespmem:$0x1E800] =	vst v63  }
0x60: {  	_ =	swait.ge [sflag:s14], $0x4000  }
0x61: {  	[sflag:s14] =	ssyncset.done $0x0  }
0x62: {  	s1 =	simm.s32 $0x280;
	[sflag:s14] =	ssyncadd.s32 $0xFFFFC000  }
0x63: {  	[tilespmem:s17], [sflag:$0x2] =	stream.indirect.gather [hbm4b:s4+s16], $0x80, s1, s16, $0xb8;
	[tilespmem:$0x1E800] =	vst v63  }
0x64: {  	_ =	swait.ge [sflag:s19], $0x4000  }
0x65: {  	[sflag:s19] =	ssyncset.done $0x0  }
0x66: {  	s26 =	rddreg [dreg:$0x6];
	[sflag:s19] =	ssyncadd.s32 $0xFFFFC000  }
0x67: {  	[spmem:s2] =	stream.indirect.scatter.add.f32 [tilespmem:s15], [sflag:$0x3], $0x80, s26, s16, $0xb8;
	[tilespmem:$0x1E800] =	vst v63  }
0x68: {  	_ =	swait.ge [sflag:s14], $0x4000  }
0x69: {  	[sflag:s14] =	ssyncset.done $0x0  }
0x6a: {  	s1 =	simm.s32 $0x300;
	[sflag:s14] =	ssyncadd.s32 $0xFFFFC000  }
0x6b: {  	[tilespmem:s15], [sflag:$0x1] =	stream.indirect.gather [hbm4b:s4+s16], $0x80, s1, s16, $0xb8;
	[tilespmem:$0x1E800] =	vst v63  }
0x6c: {  	_ =	swait.ge [sflag:s20], $0x4000  }
0x6d: {  	[sflag:s20] =	ssyncset.done $0x0  }
0x6e: {  	[sflag:s20] =	ssyncadd.s32 $0xFFFFC000  }
0x6f: {  	[spmem:s2] =	stream.indirect.scatter.add.f32 [tilespmem:s17], [sflag:$0x3], $0x80, s21, s16, $0xb8;
	[tilespmem:$0x1E800] =	vst v63  }
0x70: {  	_ =	swait.ge [sflag:s14], $0x4000  }
0x71: {  	[sflag:s14] =	ssyncset.done $0x0  }
0x72: {  	s26 =	simm.s32 $0x380;
	[sflag:s14] =	ssyncadd.s32 $0xFFFFC000  }
0x73: {  	[tilespmem:s17], [sflag:$0x2] =	stream.indirect.gather [hbm4b:s4+s16], $0x80, s26, s16, $0xb8;
	[tilespmem:$0x1E800] =	vst v63  }
0x74: {  	_ =	swait.ge [sflag:s19], $0x4000  }
0x75: {  	[sflag:s19] =	ssyncset.done $0x0  }
0x76: {  	[sflag:s19] =	ssyncadd.s32 $0xFFFFC000  }
0x77: {  	[spmem:s2] =	stream.indirect.scatter.add.f32 [tilespmem:s15], [sflag:$0x3], $0x80, s22, s16, $0xb8;
	[tilespmem:$0x1E800] =	vst v63  }
0x78: {  	p0 =	por $0x0, $0x0;
	_ =	swait.ge [sflag:s14], $0x4000  }
0x79: {  	s25 =	simm.s32 @!p0 $0x2C00;
	[sflag:s14] =	ssyncset.done $0x0  }
0x7a: {  	s28 =	simm.s32 @!p0 $0x80;
	s26 =	simm.s32 @!p0 $0x400;
	[sflag:s14] =	ssyncadd.s32 $0xFFFFC000  }
0x7b: {  	[tilespmem:s25], [sflag:$0x1] =	stream.indirect.gather @!p0 [hbm4b:s4+s28], $0x80, s26, s28, $0xb8;
	[tilespmem:$0x1E800] =	vst v63  }
0x7c: {  	_ =	swait.ge [sflag:s20], $0x4000  }
0x7d: {  	[sflag:s20] =	ssyncset.done $0x0  }
0x7e: {  	p1 =	por $0x0, $0x0;
	[sflag:s20] =	ssyncadd.s32 $0xFFFFC000  }
0x7f: {  	[spmem:s2] =	stream.indirect.scatter.add.f32 [tilespmem:s17], [sflag:$0x3], $0x80, s23, s16, $0xb8;
	[tilespmem:$0x1E800] =	vst v63  }
0x80: {  	s29 =	simm.s32 @!p1 $0x6C00;
	s30 =	simm.s32 @!p1 $0x480;
	_ =	swait.ge [sflag:s14], $0x4000  }
0x81: {  	s31 =	simm.s32 @!p1 $0x80;
	s25 =	simm.s32 $0x1000;
	[sflag:s14] =	ssyncset.done $0x0  }
0x82: {  	s26 =	sadd.s32 $0x80, s13;
	s28 =	simm.s32 $0xE;
	[sflag:s14] =	ssyncadd.s32 $0xFFFFC000  }
.LBB2_4:
0x83: {  	[tilespmem:s29], [sflag:$0x2] =	stream.indirect.gather @!p1 [hbm4b:s4+s31], $0x80, s30, s31, $0xb8;
	[tilespmem:$0x1E800] =	vst v63  }
0x84: {  	_ = 	snop  }
0x85: {  	[tilespmem:s18], [sflag:$0x3] =	stream.linear.gather [hbm4b:s26+s3], $0x400, $0x38;
	[tilespmem:$0x1E800] =	vst v63  }
0x86: {  	_ =	swait.ge [sflag:s14], $0x400  }
0x87: {  	[sflag:s14] =	ssyncset.done $0x0  }
0x88: {  	[sflag:s14] =	ssyncadd.s32 $0xFFFFFC00  }
0x89: {  	_ =	swait.ge [sflag:s19], $0x4000  }
0x8a: {  	[sflag:s19] =	ssyncset.done $0x0  }
0x8b: {  	[sflag:s19] =	ssyncadd.s32 $0xFFFFC000  }
0x8c: {  	[spmem:s2] =	stream.indirect.scatter.add.f32 [tilespmem:s15], [sflag:$0x3], $0x80, s18, s16, $0xb8;
	[tilespmem:$0x1E800] =	vst v63  }
0x8d: {  	s29 =	smov.u32 s25;
	_ =	swait.ge [sflag:s14], $0x4000  }
0x8e: {  	s30 =	sshra.s32 s29, $0x2;
	[sflag:s14] =	ssyncset.done $0x0  }
0x8f: {  	s31 =	sadd.s32 $0x100, s30;
	[sflag:s14] =	ssyncadd.s32 $0xFFFFC000  }
0x90: {  	[tilespmem:s15], [sflag:$0x1] =	stream.indirect.gather [hbm4b:s4+s16], $0x80, s31, s16, $0xb8;
	[tilespmem:$0x1E800] =	vst v63  }
0x91: {  	_ =	swait.ge [sflag:s20], $0x4000  }
0x92: {  	[sflag:s20] =	ssyncset.done $0x0  }
0x93: {  	s31 =	rddreg [dreg:$0x3];
	[sflag:s20] =	ssyncadd.s32 $0xFFFFC000  }
0x94: {  	[spmem:s2] =	stream.indirect.scatter.add.f32 [tilespmem:s17], [sflag:$0x3], $0x80, s31, s16, $0xb8;
	[tilespmem:$0x1E800] =	vst v63  }
0x95: {  	_ =	swait.ge [sflag:s14], $0x4000  }
0x96: {  	[sflag:s14] =	ssyncset.done $0x0  }
0x97: {  	s31 =	sadd.s32 $0x180, s30;
	[sflag:s14] =	ssyncadd.s32 $0xFFFFC000  }
0x98: {  	[tilespmem:s17], [sflag:$0x2] =	stream.indirect.gather [hbm4b:s4+s16], $0x80, s31, s16, $0xb8;
	[tilespmem:$0x1E800] =	vst v63  }
0x99: {  	_ =	swait.ge [sflag:s19], $0x4000  }
0x9a: {  	[sflag:s19] =	ssyncset.done $0x0  }
0x9b: {  	s31 =	rddreg [dreg:$0x4];
	[sflag:s19] =	ssyncadd.s32 $0xFFFFC000  }
0x9c: {  	[spmem:s2] =	stream.indirect.scatter.add.f32 [tilespmem:s15], [sflag:$0x3], $0x80, s31, s16, $0xb8;
	[tilespmem:$0x1E800] =	vst v63  }
0x9d: {  	_ =	swait.ge [sflag:s14], $0x4000  }
0x9e: {  	[sflag:s14] =	ssyncset.done $0x0  }
0x9f: {  	s31 =	sadd.s32 $0x200, s30;
	[sflag:s14] =	ssyncadd.s32 $0xFFFFC000  }
0xa0: {  	[tilespmem:s15], [sflag:$0x1] =	stream.indirect.gather [hbm4b:s4+s16], $0x80, s31, s16, $0xb8;
	[tilespmem:$0x1E800] =	vst v63  }
0xa1: {  	_ =	swait.ge [sflag:s20], $0x4000  }
0xa2: {  	[sflag:s20] =	ssyncset.done $0x0  }
0xa3: {  	s31 =	rddreg [dreg:$0x5];
	[sflag:s20] =	ssyncadd.s32 $0xFFFFC000  }
0xa4: {  	[spmem:s2] =	stream.indirect.scatter.add.f32 [tilespmem:s17], [sflag:$0x3], $0x80, s31, s16, $0xb8;
	[tilespmem:$0x1E800] =	vst v63  }
0xa5: {  	_ =	swait.ge [sflag:s14], $0x4000  }
0xa6: {  	[sflag:s14] =	ssyncset.done $0x0  }
0xa7: {  	s31 =	sadd.s32 $0x280, s30;
	[sflag:s14] =	ssyncadd.s32 $0xFFFFC000  }
0xa8: {  	[tilespmem:s17], [sflag:$0x2] =	stream.indirect.gather [hbm4b:s4+s16], $0x80, s31, s16, $0xb8;
	[tilespmem:$0x1E800] =	vst v63  }
0xa9: {  	_ =	swait.ge [sflag:s19], $0x4000  }
0xaa: {  	[sflag:s19] =	ssyncset.done $0x0  }
0xab: {  	s31 =	rddreg [dreg:$0x6];
	[sflag:s19] =	ssyncadd.s32 $0xFFFFC000  }
0xac: {  	[spmem:s2] =	stream.indirect.scatter.add.f32 [tilespmem:s15], [sflag:$0x3], $0x80, s31, s16, $0xb8;
	[tilespmem:$0x1E800] =	vst v63  }
0xad: {  	_ =	swait.ge [sflag:s14], $0x4000  }
0xae: {  	[sflag:s14] =	ssyncset.done $0x0  }
0xaf: {  	s31 =	sadd.s32 $0x300, s30;
	[sflag:s14] =	ssyncadd.s32 $0xFFFFC000  }
0xb0: {  	[tilespmem:s15], [sflag:$0x1] =	stream.indirect.gather [hbm4b:s4+s16], $0x80, s31, s16, $0xb8;
	[tilespmem:$0x1E800] =	vst v63  }
0xb1: {  	_ =	swait.ge [sflag:s20], $0x4000  }
0xb2: {  	[sflag:s20] =	ssyncset.done $0x0  }
0xb3: {  	[sflag:s20] =	ssyncadd.s32 $0xFFFFC000  }
0xb4: {  	[spmem:s2] =	stream.indirect.scatter.add.f32 [tilespmem:s17], [sflag:$0x3], $0x80, s21, s16, $0xb8;
	[tilespmem:$0x1E800] =	vst v63  }
0xb5: {  	_ =	swait.ge [sflag:s14], $0x4000  }
0xb6: {  	[sflag:s14] =	ssyncset.done $0x0  }
0xb7: {  	s30 =	sadd.s32 $0x380, s30;
	[sflag:s14] =	ssyncadd.s32 $0xFFFFC000  }
0xb8: {  	[tilespmem:s17], [sflag:$0x2] =	stream.indirect.gather [hbm4b:s4+s16], $0x80, s30, s16, $0xb8;
	[tilespmem:$0x1E800] =	vst v63  }
0xb9: {  	_ =	swait.ge [sflag:s19], $0x4000  }
0xba: {  	[sflag:s19] =	ssyncset.done $0x0  }
0xbb: {  	[sflag:s19] =	ssyncadd.s32 $0xFFFFC000  }
0xbc: {  	[spmem:s2] =	stream.indirect.scatter.add.f32 [tilespmem:s15], [sflag:$0x3], $0x80, s22, s16, $0xb8;
	[tilespmem:$0x1E800] =	vst v63  }
0xbd: {  	p1 =	sgt.u32 s28, $0x4D;
	_ =	swait.ge [sflag:s14], $0x4000  }
0xbe: {  	s1 =	simm.s32 @!p1 $0x80;
	s30 =	sshra.s32 @!p1 s29, $0x2;
	[sflag:s14] =	ssyncset.done $0x0  }
0xbf: {  	s31 =	simm.s32 @!p1 $0x2C00;
	s30 =	sadd.s32 @!p1 $0x400, s30;
	[sflag:s14] =	ssyncadd.s32 $0xFFFFC000  }
0xc0: {  	[tilespmem:s31], [sflag:$0x1] =	stream.indirect.gather @!p1 [hbm4b:s4+s1], $0x80, s30, s1, $0xb8;
	[tilespmem:$0x1E800] =	vst v63  }
0xc1: {  	s25 =	sadd.s32 $0x1000, s25;
	_ =	swait.ge [sflag:s20], $0x4000  }
0xc2: {  	p0 =	sne.s32 s25, $0xA000;
	[sflag:s20] =	ssyncset.done $0x0  }
.Ltmp1:
0xc3: {  	s26 =	sadd.s32 $0x80, s26;
	[sflag:s20] =	ssyncadd.s32 $0xFFFFC000;
	(pc) =	sbr.rel @p0 .LBB2_4-.Ltmp1, $4  }
0xc4: {  	[spmem:s2] =	stream.indirect.scatter.add.f32 [tilespmem:s17], [sflag:$0x3], $0x80, s23, s16, $0xb8;
	[tilespmem:$0x1E800] =	vst v63  }
0xc5: {  	p1 =	sgt.u32 s28, $0x4C;
	s28 =	sadd.s32 $0x8, s28;
	_ =	swait.ge [sflag:s14], $0x4000  }
0xc6: {  	s1 =	sshra.s32 @!p1 s29, $0x2;
	s29 =	simm.s32 @!p1 $0x6C00;
	[sflag:s14] =	ssyncset.done $0x0  }
0xc7: {  	s31 =	simm.s32 @!p1 $0x80;
	s30 =	sadd.s32 @!p1 $0x480, s1;
	[sflag:s14] =	ssyncadd.s32 $0xFFFFC000  }
0xc8: {  	[tilespmem:s29], [sflag:$0x2] =	stream.indirect.gather @!p1 [hbm4b:s4+s31], $0x80, s30, s31, $0xb8;
	[tilespmem:$0x1E800] =	vst v63  }
0xc9: {  	s24 =	sadd.s32 $0x1, s24  }
0xca: {  	s1 =	sshll.u32 s0, $0x6;
	s25 =	sshrl.u32 s6, $0x3;
	p0 =	sne.s32 s24, s12  }
.Ltmp2:
0xcb: {  	[bflag:$0x0] =	sbarrier.arrive $0xFFFF;
	s1 =	sor.u32 $0x1C03, s1;
	(pc) =	sbr.rel @p0 .LBB2_1-.Ltmp2, $4  }
0xcc: {  	[hbm:s11], [sflag:s1] =	dma.local [spmem:s25], $0x2780  }
0xcd: {  	_ =	swait.ge [sflag:s14], $0x2780  }
0xce: {  	[sflag:s14] =	ssyncset.done $0x0  }
0xcf: {  	[sflag:s14] =	ssyncadd.s32 $0xFFFFD880  }
0xd0: {  	_ =	sfence.sel $0x180000  }
0xd1: {  	[bflag:$0x0] =	sbarrier.arrive $0xFFFF  }
0xd2: {  	_ =	strace $0x9000004A  }
0xd3: {  	[bflag:$0x2] =	sbarrier.arrive $0xFFFF  }
0xd4: {  	p0 =	sne.s32 s0, $0x0;
	s0 =	rddreg [dreg:$0x2]  }
0xd5: {  	s0 =	sadd.s32 @!p0 $0x100000, s0  }
0xd6: {  	[sflag:s0] =	ssyncadd.tile.s32 @!p0 $0x1;
	_ =	shalt  }
.Lfunc_end2:
_tile_overlayer_lowered:
.L_overlay_start_2:
0xd7: {  	(tag) =	ssettag $0x2  }
0xd8: {  	s0 =	rddreg [dreg:$0x0];
	s2 =	stileid.u32  }
0xd9: {  	s1 =	rddreg [dreg:$0x1];
	p0 =	sne.s32 s2, $0x0  }
0xda: {  	s3 =	rddreg [dreg:$0x2];
	[bflag:$0x3] =	sbarrier.arrive $0xFFFF;
	s2 =	simm.s32 @!p0 $0x1C03  }
0xdb: {  	[timem:s3], [sflag:s2] =	dma.local @!p0 [hbm:s0], s1  }
0xdc: {  	s0 =	simm.s32 @!p0 $0x3  }
0xdd: {  	_ =	swait.ge @!p0 [sflag:s0], s1  }
0xde: {  	s1 =	ssub.s32 @!p0 $0x0, s1;
	[sflag:s0] =	ssyncset.done @!p0 $0x0  }
0xdf: {  	[sflag:s0] =	ssyncadd.s32 @!p0 s1  }
0xe0: {  	[bflag:$0x3] =	sbarrier.arrive $0xFFFF  }
0xe1: {  	_ =	shalt  }

// kernel: kernel.16.cloned.1.call-start
scs
__scs_entry_jumppad:
0x0: {  	(pc) =	sbr.rel $0x88, $3  }
0x1: {  	(tag) =	ssettag $0x0;
	lr =	simm.s32 $0x1  }
0x2: {  	[smem:$0x3F96] =	sst lr;
	_ =	strace $0xD0000000  }
0x3: {  	_ = 	snop  }
0x4: {  	_ = 	snop  }
0x5: {  	_ = 	snop  }
0x6: {  	_ = 	snop  }
0x7: {  	_ = 	snop  }
__scs_overlays_trampoline_lowered:
0x8: {  	[smem:$0x3FA5] =	sst s0  }
0x9: {  	[smem:$0x3FA6] =	sst s1  }
0xa: {  	[smem:$0x3FA7] =	sst s2  }
0xb: {  	[smem:$0x3FA8] =	sst s3  }
0xc: {  	[smem:$0x3FA9] =	sst s4  }
0xd: {  	[smem:$0x3FAA] =	sst s5  }
0xe: {  	[smem:$0x3FAB] =	sst s6  }
0xf: {  	[smem:$0x3FAC] =	sst s7  }
0x10: {  	[smem:$0x3FAD] =	sst s8  }
0x11: {  	[smem:$0x3FAE] =	sst s9;
	s0 =	simm.s32 @!p0 $0x0  }
0x12: {  	s1 =	sld [smem:$0x3F94];
	s0 =	simm.s32 @p0 $0x1  }
0x13: {  	[smem:$0x3FAF] =	sst s0;
	s0 =	simm.s32 @!p1 $0x0  }
0x14: {  	s2 =	sld [smem:$0x3F93];
	s0 =	simm.s32 @p1 $0x1  }
0x15: {  	[smem:$0x3FB0] =	sst s0;
	s0 =	simm.s32 @!p2 $0x0  }
0x16: {  	s3 =	sld [smem:$0x3FDB];
	s0 =	simm.s32 @p2 $0x1  }
0x17: {  	s4 =	simm.s32 $0x1BF5;
	[smem:$0x3FB2] =	sst s0  }
0x18: {  	s0 =	sld [smem:$0x3F95];
	_ =	swait.ge [sflag:s4], $0x0  }
0x19: {  	s7 =	sld [smem:$0x3F96]  }
0x1a: {  	s8 =	sadd.s32 $0xFFFFE003, lr  }
0x1b: {  	s9 =	sadd.s32 $0xFFFFFEF7, lr;
	s5 =	simm.s32 $0xFFFFFFFF;
	p2 =	slt.u32 s8, $0xFFFFF086  }
0x1c: {  	p1 =	slt.u32 s9, $0xF7A;
	s5 =	simm.s32 @!p2 $0x0  }
0x1d: {  	s5 =	simm.s32 @p1 $0x1;
	p0 =	seq.s32 s7, s2  }
0x1e: {  	s7 =	smul.u32 @!p0 $0xF7A, s2;
	p2 =	seq.s32 @!p0 s5, $0x0  }
0x1f: {  	s9 =	smul.u32 $0xF7A, s1;
	s8 =	simm.s32 @!p0 $0x1BF5;
	p2 =	por !p2, p0  }
0x20: {  	[sflag:s8] =	ssyncset.s32 @!p0 $0xFFFFF086;
	s6 =	sadd.s32 @!p0 s3, s7;
	s7 =	simm.s32 @!p0 $0x108  }
0x21: {  	s3 =	sadd.s32 s3, s9;
	s6 =	sadd.s32 @!p0 $0x88, s6;
	s7 =	simm.s32 @p2 $0x1082  }
0x22: {  	[simem:s7], [sflag:s8] =	dma.local @!p0 [hbm:s6], $0xF7A  }
0x23: {  	s9 =	sor.u32 $0xD0000000, s2;
	s6 =	simm.s32 $0x108;
	_ =	swait.ge @!p0 [sflag:s8], $0x0  }
0x24: {  	s3 =	sadd.s32 $0x88, s3;
	s6 =	simm.s32 @!p1 $0x1082;
	[sflag:s4] =	ssyncset.s32 $0xFFFFF086  }
0x25: {  	[simem:s6], [sflag:s4] =	dma.local [hbm:s3], $0xF7A  }
0x26: {  	[smem:$0x3F96] =	sst s1;
	(tag) =	ssettag s2;
	_ =	strace s9  }
0x27: {  	s1 =	sld [smem:$0x3FA6]  }
0x28: {  	s2 =	sld [smem:$0x3FA7]  }
0x29: {  	s4 =	sld [smem:$0x3FA9]  }
0x2a: {  	p0 =	seq.s32 s5, $0x0;
	s5 =	sld [smem:$0x3FAA]  }
0x2b: {  	s6 =	sld [smem:$0x3FAB]  }
0x2c: {  	s7 =	sld [smem:$0x3FAC]  }
0x2d: {  	s3 =	simm.s32 $0x108;
	s8 =	sld [smem:$0x3FAD]  }
0x2e: {  	s3 =	simm.s32 @!p0 $0x1082;
	s9 =	sld [smem:$0x3FAE]  }
0x2f: {  	lr =	sadd.s32 s0, s3;
	s0 =	sld [smem:$0x3FA5]  }
0x30: {  	s3 =	sld [smem:$0x3FA8]  }
0x31: {  	[smem:$0x3FB1] =	sst s10  }
0x32: {  	s10 =	sld [smem:$0x3FAF];
	_ =	sdelay $0x3  }
0x33: {  	p0 =	seq.s32 s10, $0x1;
	s10 =	sld [smem:$0x3FB1];
	_ =	sdelay $0x3  }
0x34: {  	[smem:$0x3FB1] =	sst s10  }
0x35: {  	s10 =	sld [smem:$0x3FB0];
	_ =	sdelay $0x3  }
0x36: {  	p1 =	seq.s32 s10, $0x1;
	s10 =	sld [smem:$0x3FB1];
	_ =	sdelay $0x3  }
0x37: {  	[smem:$0x3FB1] =	sst s10  }
0x38: {  	s10 =	sld [smem:$0x3FB2]  }
0x39: {  	_ = 	snop;
	(pc) =	sbr.ind lr, $3  }
0x3a: {  	_ = 	snop  }
0x3b: {  	_ = 	snop  }
0x3c: {  	p2 =	seq.s32 s10, $0x1;
	s10 =	sld [smem:$0x3FB1]  }
0x3d: {  	_ =	shalt  }
0x3e: {  	_ =	shalt  }
0x3f: {  	_ =	shalt  }
0x40: {  	_ =	shalt  }
0x41: {  	_ =	shalt  }
0x42: {  	_ =	shalt  }
0x43: {  	_ =	shalt  }
0x44: {  	_ =	shalt  }
0x45: {  	_ =	shalt  }
0x46: {  	_ =	shalt  }
0x47: {  	_ =	shalt  }
0x48: {  	_ =	shalt  }
0x49: {  	_ =	shalt  }
0x4a: {  	_ =	shalt  }
0x4b: {  	_ =	shalt  }
0x4c: {  	_ =	shalt  }
0x4d: {  	_ =	shalt  }
0x4e: {  	_ =	shalt  }
0x4f: {  	_ =	shalt  }
0x50: {  	_ =	shalt  }
0x51: {  	_ =	shalt  }
0x52: {  	_ =	shalt  }
0x53: {  	_ =	shalt  }
0x54: {  	_ =	shalt  }
0x55: {  	_ =	shalt  }
0x56: {  	_ =	shalt  }
0x57: {  	_ =	shalt  }
0x58: {  	_ =	shalt  }
0x59: {  	_ =	shalt  }
0x5a: {  	_ =	shalt  }
0x5b: {  	_ =	shalt  }
0x5c: {  	_ =	shalt  }
0x5d: {  	_ =	shalt  }
0x5e: {  	_ =	shalt  }
0x5f: {  	_ =	shalt  }
0x60: {  	_ =	shalt  }
0x61: {  	_ =	shalt  }
0x62: {  	_ =	shalt  }
0x63: {  	_ =	shalt  }
0x64: {  	_ =	shalt  }
0x65: {  	_ =	shalt  }
0x66: {  	_ =	shalt  }
0x67: {  	_ =	shalt  }
0x68: {  	_ =	shalt  }
0x69: {  	_ =	shalt  }
0x6a: {  	_ =	shalt  }
0x6b: {  	_ =	shalt  }
0x6c: {  	_ =	shalt  }
0x6d: {  	_ =	shalt  }
0x6e: {  	_ =	shalt  }
0x6f: {  	_ =	shalt  }
0x70: {  	_ =	shalt  }
0x71: {  	_ =	shalt  }
0x72: {  	_ =	shalt  }
0x73: {  	_ =	shalt  }
0x74: {  	_ =	shalt  }
0x75: {  	_ =	shalt  }
0x76: {  	_ =	shalt  }
0x77: {  	_ =	shalt  }
0x78: {  	_ =	shalt  }
0x79: {  	_ =	shalt  }
0x7a: {  	_ =	shalt  }
0x7b: {  	_ =	shalt  }
0x7c: {  	_ =	shalt  }
0x7d: {  	_ =	shalt  }
0x7e: {  	_ =	shalt  }
0x7f: {  	_ =	shalt  }
0x80: {  	_ =	shalt  }
0x81: {  	_ =	shalt  }
0x82: {  	_ =	shalt  }
0x83: {  	_ =	shalt  }
0x84: {  	_ =	shalt  }
0x85: {  	_ =	shalt  }
0x86: {  	_ =	shalt  }
0x87: {  	_ =	shalt  }
.Lfunc_end0:
.L_simem_size_0:
called_computation.2_lowered:
.L_overlay_start_0:
0x88: {  	s2 =	sld [smem:$0x3FD9]  }
0x89: {  	s3 =	sld [smem:$0x3FFE];
	_ =	sdelay $0x1  }
0x8a: {  	s1 =	srdreg.scid  }
0x8b: {  	s0 =	sand.u32 $0x1, s1  }
0x8c: {  	s16 =	sshll.u32 s0, $0xA;
	s2 =	sadd.s32 s3, s2  }
0x8d: {  	s2 =	sadd.s32 s2, s16  }
0x8e: {  	[smem:$0x3FBD] =	sst s2  }
0x8f: {  	_ = 	snop  }
0x90: {  	(tm) =	ssettm $0x1  }
0x91: {  	s17 =	sld [smem:$0x3FFB];
	_ =	sdelay $0x3  }
0x92: {  	_ =	strace s17  }
0x93: {  	s2 =	sld [smem:$0x3FFC];
	_ =	sdelay $0x3  }
0x94: {  	_ =	strace s2  }
0x95: {  	s2 =	sld [smem:$0x3FFD];
	_ =	sdelay $0x3  }
0x96: {  	_ =	strace s2  }
0x97: {  	_ =	strace $0x8FFFFFFF  }
0x98: {  	s18 =	sld [smem:$0x3FDB];
	_ =	sdelay $0x1  }
0x99: {  	s19 =	simm.s32 $_scs_section_size  }
0x9a: {  	s4 =	simm.s32 $_size__tile_overlayer_lowered;
	s5 =	simm.s32 $_tile_overlayer_lowered  }
0x9b: {  	s22 =	simm.s32 $0x1BFF;
	s21 =	sshll.u32 s5, $0x1;
	s2 =	sadd.s32 s19, s18  }
0x9c: {  	s6 =	simm.s32 $0x0;
	s20 =	sshll.u32 s4, $0x1;
	s4 =	sadd.s32 s21, s2  }
0x9d: {  	[timem:s6], [sflag:s22] =	dma.local [hbm:s4], s20  }
0x9e: {  	_ =	swait.ge [sflag:s22], s20  }
0x9f: {  	s3 =	ssub.s32 $0x0, s20;
	[sflag:s22] =	ssyncset.done $0x0  }
0xa0: {  	[sflag:s22] =	ssyncadd.s32 s3;
	_ =	sdelay $0x1  }
0xa1: {  	s23 =	simm.s32 $0x1B8B  }
0xa2: {  	_ =	swait.ge [sflag:s23], $0x1  }
0xa3: {  	[sflag:s23] =	ssyncset.done $0x0  }
0xa4: {  	s25 =	simm.s32 $0x1B8E;
	s24 =	sld [smem:$0x3FFE];
	[sflag:s23] =	ssyncadd.s32 $0xFFFFFFFF  }
0xa5: {  	s26 =	simm.s32 $execute0_lowered;
	[smem:$0x3FD2] =	sst s25  }
0xa6: {  	s4 =	sshll.u32 s26, $0x1;
	_ =	strace $0x8000004C;
	[dreg:$0x1] =	wrdreg $0xFFFFFFFF  }
0xa7: {  	s28 =	simm.s32 $_size_execute0_lowered;
	s2 =	sadd.s32 s2, s4;
	[dreg:$0x0] =	wrdreg $0x0  }
0xa8: {  	s4 =	sshll.u32 s28, $0x1;
	[dreg:$0x2] =	wrdreg s2  }
0xa9: {  	[dreg:$0x3] =	wrdreg s4  }
0xaa: {  	[dreg:$0x4] =	wrdreg $0xC0  }
0xab: {  	_ =	task [dreg:s6], $0x5FFFF  }
0xac: {  	[dreg:$0x1] =	wrdreg $0xFFFFFFFF  }
0xad: {  	[dreg:$0x0] =	wrdreg $0x60  }
0xae: {  	[dreg:$0x2] =	wrdreg s24  }
0xaf: {  	[dreg:$0x3] =	wrdreg $0xAC000  }
0xb0: {  	[dreg:$0x4] =	wrdreg $0x9  }
0xb1: {  	_ =	task.clear_ibuf [dreg:s6], $0x5FFFF;
	_ =	strace $0x9000004C  }
0xb2: {  	s29 =	simm.s32 $0x9;
	_ =	strace $0x8000004E  }
0xb3: {  	_ =	swait.ge [sflag:s29], $0x1  }
0xb4: {  	[sflag:s29] =	ssyncadd.s32 $0xFFFFFFFF  }
0xb5: {  	_ =	strace $0x9000004E  }
0xb6: {  	_ =	sfence  }
0xb7: {  	s30 =	sld [smem:$0x0];
	_ =	sdelay $0x2  }
0xb8: {  	s31 =	sshll.u32 s1, $0xD;
	s1 =	sshrl.u32 s1, $0x2  }
0xb9: {  	s3 =	sand.u32 $0x4000, s31;
	s1 =	sadd.s32 s1, s30  }
0xba: {  	s0 =	sor.u32 s3, s0;
	s1 =	sshll.u32 s1, $0x11  }
0xbb: {  	s0 =	sor.u32 s1, s0  }
0xbc: {  	s0 =	sadd.s32 $0x8F2B, s0  }
0xbd: {  	[sflag:s0] =	ssyncadd.remote.s32 $0x1  }
0xbe: {  	_ =	sfence.sel $0xFFFF  }
0xbf: {  	[dreg:$0x0] =	wrdreg $0xFFFFFFFF;
	(pc) =	sbr.abs _section_cstart, $3  }
0xc0: {  	[dreg:$0x1] =	wrdreg $0xFFFFFFFF  }
0xc1: {  	_ =	task.clear_ibuf [dreg:s6], $0x2FFFF;
	_ =	strace $0x9FFFFFFF  }
0xc2: {  	(tm) =	ssettm $0x7FFFFFFF  }
0xc3: {  	_ =	shalt  }
tec
execute0_lowered:
.L_overlay_start_1:
0x0: {  	(tag) =	ssettag $0x1  }
0x1: {  	s6 =	rddreg [dreg:$0x0]  }
0x2: {  	s0 =	srdreg.scid;
	s2 =	rddreg [dreg:$0x1];
	s3 =	simm.s32 $0x0  }
0x3: {  	s15 =	simm.s32 $0x2C00;
	s16 =	simm.s32 $0x80;
	s18 =	simm.s32 $0x2880  }
0x4: {  	s17 =	simm.s32 $0x6C00;
	s19 =	simm.s32 $0x2900;
	s20 =	simm.s32 $0x2980  }
0x5: {  	s21 =	simm.s32 $0x2A00;
	s22 =	simm.s32 $0x2B00;
	s5 =	sand.u32 $0x1, s0  }
0x6: {  	s23 =	simm.s32 $0x2B80;
	s0 =	stileid.u32;
	s8 =	smul.u32 $0x13C000, s5  }
0x7: {  	s24 =	simm.s32 $0x0;
	[smem:$0x7FF] =	sst s3;
	s9 =	smul.u32 $0x13C00, s0  }
0x8: {  	s1 =	sshll.u32 s5, $0x4;
	_ =	strace $0x8000004D;
	s10 =	smul.u32 $0x5000, s5  }
0x9: {  	s5 =	ssub.s32 $0x2, s5;
	s29 =	smul.u32 $0x4F000, s0;
	[dreg:$0x3] =	wrdreg s18  }
0xa: {  	s14 =	smul.u32 $0x500, s0;
	s18 =	simm.s32 $0x2800;
	[dreg:$0x4] =	wrdreg s19  }
0xb: {  	s19 =	simm.s32 $0x1;
	[dreg:$0x5] =	wrdreg s20;
	s20 =	simm.s32 $0x2  }
0xc: {  	[dreg:$0x6] =	wrdreg s21;
	s21 =	simm.s32 $0x2A80;
	s4 =	sor.u32 s0, s1  }
0xd: {  	s30 =	sshrl.u32 s5, $0x1;
	s7 =	smul.u32 $0x500, s4;
	s4 =	sadd.s32 $0x17800, s6  }
0xe: {  	s8 =	sadd.s32 s9, s8;
	s12 =	sadd.s32 s10, s6;
	s13 =	ssub.s32 s5, s30  }
0xf: {  	s31 =	sshrl.u32 s29, $0x2;
	s8 =	sshrl.u32 s8, $0x3;
	s14 =	sadd.s32 s14, s12  }
0x10: {  	s12 =	smax.u32 s13, $0x1;
	s7 =	sadd.s32 s7, s6;
	s11 =	sadd.s32 s8, s6  }
0x11: {  	s6 =	sadd.s32 s31, s2;
	s13 =	sadd.s32 $0x3800, s14;
	s14 =	simm.s32 $0x3  }
0x12: {  	s5 =	sadd.s32 $0xD800, s7;
	s7 =	sadd.s32 $0x4000, s6;
	s8 =	sadd.s32 $0x8000, s6  }
0x13: {  	v0 =	vimm.f32 $0.0e+00;
	s9 =	sadd.s32 $0xC000, s6;
	s10 =	sadd.s32 $0xFC00, s6;
	s11 =	sadd.s32 $0x3EA00, s11  }
.LBB2_1:
0x14: {  	[tilespmem:s3], [sflag:$0x3] =	stream.linear.gather [hbm4b:s5+s3], $0x2800, $0x38;
	[tilespmem:$0x1E800] =	vst v63  }
0x15: {  	_ =	swait.ge [sflag:s14], $0x2800  }
0x16: {  	[sflag:s14] =	ssyncset.done $0x0  }
0x17: {  	s25 =	simm.s32 $0x0;
	s26 =	simm.s32 $0x200;
	[sflag:s14] =	ssyncadd.s32 $0xFFFFD800  }
.LBB2_2:
0x18: {  	p0 =	sne.s32 s26, $0xFE00;
	[tilespmem:s25+$0x2C70] =	vst v0  }
0x19: {  	[tilespmem:s25+$0x2C00] =	vst v0  }
0x1a: {  	[tilespmem:s25+$0x2C10] =	vst v0  }
.Ltmp0:
0x1b: {  	[tilespmem:s25+$0x2C20] =	vst v0;
	(pc) =	sbr.rel @p0 .LBB2_2-.Ltmp0, $4  }
0x1c: {  	[tilespmem:s25+$0x2C30] =	vst v0  }
0x1d: {  	[tilespmem:s25+$0x2C40] =	vst v0  }
0x1e: {  	[tilespmem:s25+$0x2C50] =	vst v0  }
0x1f: {  	[tilespmem:s25+$0x2C60] =	vst v0;
	s25 =	sshra.s32 s26, $0x2;
	s26 =	sadd.s32 $0x200, s26  }
0x20: {  	[tilespmem:s25+$0x2C70] =	vst v0  }
0x21: {  	[tilespmem:s25+$0x2C00] =	vst v0  }
0x22: {  	[tilespmem:s25+$0x2C10] =	vst v0  }
0x23: {  	[tilespmem:s25+$0x2C20] =	vst v0  }
0x24: {  	[tilespmem:s25+$0x2C30] =	vst v0  }
0x25: {  	[tilespmem:s25+$0x2C40] =	vst v0  }
0x26: {  	[tilespmem:s25+$0x2C50] =	vst v0  }
0x27: {  	[tilespmem:s25+$0x2C60] =	vst v0  }
0x28: {  	[spmem:s6] =	stream.linear.scatter [tilespmem:s15], [sflag:$0x3], $0x4000, $0x38;
	[tilespmem:$0x1E800] =	vst v63  }
0x29: {  	_ =	swait.ge [sflag:s14], $0x4000  }
0x2a: {  	[sflag:s14] =	ssyncset.done $0x0  }
0x2b: {  	[sflag:s14] =	ssyncadd.s32 $0xFFFFC000  }
0x2c: {  	[spmem:s7] =	stream.linear.scatter [tilespmem:s15], [sflag:$0x3], $0x4000, $0x38;
	[tilespmem:$0x1E800] =	vst v63  }
0x2d: {  	_ =	swait.ge [sflag:s14], $0x4000  }
0x2e: {  	[sflag:s14] =	ssyncset.done $0x0  }
0x2f: {  	[sflag:s14] =	ssyncadd.s32 $0xFFFFC000  }
0x30: {  	[spmem:s8] =	stream.linear.scatter [tilespmem:s15], [sflag:$0x3], $0x4000, $0x38;
	[tilespmem:$0x1E800] =	vst v63  }
0x31: {  	_ =	swait.ge [sflag:s14], $0x4000  }
0x32: {  	[sflag:s14] =	ssyncset.done $0x0  }
0x33: {  	[sflag:s14] =	ssyncadd.s32 $0xFFFFC000  }
0x34: {  	[spmem:s9] =	stream.linear.scatter [tilespmem:s15], [sflag:$0x3], $0x4000, $0x38;
	[tilespmem:$0x1E800] =	vst v63  }
0x35: {  	_ =	swait.ge [sflag:s14], $0x4000  }
0x36: {  	[sflag:s14] =	ssyncset.done $0x0  }
0x37: {  	[sflag:s14] =	ssyncadd.s32 $0xFFFFC000  }
0x38: {  	[spmem:s10] =	stream.linear.scatter [tilespmem:s15], [sflag:$0x3], $0x4000, $0x38;
	[tilespmem:$0x1E800] =	vst v63  }
0x39: {  	_ =	swait.ge [sflag:s14], $0x4000  }
0x3a: {  	[sflag:s14] =	ssyncset.done $0x0  }
0x3b: {  	s26 =	simm.s32 $0x0;
	[sflag:s14] =	ssyncadd.s32 $0xFFFFC000  }
0x3c: {  	[tilespmem:s15], [sflag:$0x1] =	stream.indirect.gather [hbm4b:s4+s16], $0x80, s26, s16, $0xb8;
	[tilespmem:$0x1E800] =	vst v63  }
0x3d: {  	_ = 	snop  }
0x3e: {  	[tilespmem:s17], [sflag:$0x2] =	stream.indirect.gather [hbm4b:s4+s16], $0x80, s16, s16, $0xb8;
	[tilespmem:$0x1E800] =	vst v63  }
0x3f: {  	[bflag:$0x0] =	sbarrier.arrive $0xFFFF  }
0x40: {  	[tilespmem:s18], [sflag:$0x3] =	stream.linear.gather [hbm4b:s13+s3], $0x400, $0x38;
	[tilespmem:$0x1E800] =	vst v63  }
0x41: {  	_ =	swait.ge [sflag:s14], $0x400  }
0x42: {  	[sflag:s14] =	ssyncset.done $0x0  }
0x43: {  	[sflag:s14] =	ssyncadd.s32 $0xFFFFFC00  }
0x44: {  	_ =	swait.ge [sflag:s19], $0x4000  }
0x45: {  	[sflag:s19] =	ssyncset.done $0x0  }
0x46: {  	[sflag:s19] =	ssyncadd.s32 $0xFFFFC000  }
0x47: {  	[spmem:s2] =	stream.indirect.scatter.add.f32 [tilespmem:s15], [sflag:$0x3], $0x80, s18, s16, $0xb8;
	[tilespmem:$0x1E800] =	vst v63  }
0x48: {  	_ =	swait.ge [sflag:s14], $0x4000  }
0x49: {  	[sflag:s14] =	ssyncset.done $0x0  }
0x4a: {  	s1 =	simm.s32 $0x100;
	[sflag:s14] =	ssyncadd.s32 $0xFFFFC000  }
0x4b: {  	[tilespmem:s15], [sflag:$0x1] =	stream.indirect.gather [hbm4b:s4+s16], $0x80, s1, s16, $0xb8;
	[tilespmem:$0x1E800] =	vst v63  }
0x4c: {  	_ =	swait.ge [sflag:s20], $0x4000  }
0x4d: {  	[sflag:s20] =	ssyncset.done $0x0  }
0x4e: {  	s26 =	rddreg [dreg:$0x3];
	[sflag:s20] =	ssyncadd.s32 $0xFFFFC000  }
0x4f: {  	[spmem:s2] =	stream.indirect.scatter.add.f32 [tilespmem:s17], [sflag:$0x3], $0x80, s26, s16, $0xb8;
	[tilespmem:$0x1E800] =	vst v63  }
0x50: {  	_ =	swait.ge [sflag:s14], $0x4000  }
0x51: {  	[sflag:s14] =	ssyncset.done $0x0  }
0x52: {  	s1 =	simm.s32 $0x180;
	[sflag:s14] =	ssyncadd.s32 $0xFFFFC000  }
0x53: {  	[tilespmem:s17], [sflag:$0x2] =	stream.indirect.gather [hbm4b:s4+s16], $0x80, s1, s16, $0xb8;
	[tilespmem:$0x1E800] =	vst v63  }
0x54: {  	_ =	swait.ge [sflag:s19], $0x4000  }
0x55: {  	[sflag:s19] =	ssyncset.done $0x0  }
0x56: {  	s26 =	rddreg [dreg:$0x4];
	[sflag:s19] =	ssyncadd.s32 $0xFFFFC000  }
0x57: {  	[spmem:s2] =	stream.indirect.scatter.add.f32 [tilespmem:s15], [sflag:$0x3], $0x80, s26, s16, $0xb8;
	[tilespmem:$0x1E800] =	vst v63  }
0x58: {  	_ =	swait.ge [sflag:s14], $0x4000  }
0x59: {  	[sflag:s14] =	ssyncset.done $0x0  }
0x5a: {  	s1 =	simm.s32 $0x200;
	[sflag:s14] =	ssyncadd.s32 $0xFFFFC000  }
0x5b: {  	[tilespmem:s15], [sflag:$0x1] =	stream.indirect.gather [hbm4b:s4+s16], $0x80, s1, s16, $0xb8;
	[tilespmem:$0x1E800] =	vst v63  }
0x5c: {  	_ =	swait.ge [sflag:s20], $0x4000  }
0x5d: {  	[sflag:s20] =	ssyncset.done $0x0  }
0x5e: {  	s26 =	rddreg [dreg:$0x5];
	[sflag:s20] =	ssyncadd.s32 $0xFFFFC000  }
0x5f: {  	[spmem:s2] =	stream.indirect.scatter.add.f32 [tilespmem:s17], [sflag:$0x3], $0x80, s26, s16, $0xb8;
	[tilespmem:$0x1E800] =	vst v63  }
0x60: {  	_ =	swait.ge [sflag:s14], $0x4000  }
0x61: {  	[sflag:s14] =	ssyncset.done $0x0  }
0x62: {  	s1 =	simm.s32 $0x280;
	[sflag:s14] =	ssyncadd.s32 $0xFFFFC000  }
0x63: {  	[tilespmem:s17], [sflag:$0x2] =	stream.indirect.gather [hbm4b:s4+s16], $0x80, s1, s16, $0xb8;
	[tilespmem:$0x1E800] =	vst v63  }
0x64: {  	_ =	swait.ge [sflag:s19], $0x4000  }
0x65: {  	[sflag:s19] =	ssyncset.done $0x0  }
0x66: {  	s26 =	rddreg [dreg:$0x6];
	[sflag:s19] =	ssyncadd.s32 $0xFFFFC000  }
0x67: {  	[spmem:s2] =	stream.indirect.scatter.add.f32 [tilespmem:s15], [sflag:$0x3], $0x80, s26, s16, $0xb8;
	[tilespmem:$0x1E800] =	vst v63  }
0x68: {  	_ =	swait.ge [sflag:s14], $0x4000  }
0x69: {  	[sflag:s14] =	ssyncset.done $0x0  }
0x6a: {  	s1 =	simm.s32 $0x300;
	[sflag:s14] =	ssyncadd.s32 $0xFFFFC000  }
0x6b: {  	[tilespmem:s15], [sflag:$0x1] =	stream.indirect.gather [hbm4b:s4+s16], $0x80, s1, s16, $0xb8;
	[tilespmem:$0x1E800] =	vst v63  }
0x6c: {  	_ =	swait.ge [sflag:s20], $0x4000  }
0x6d: {  	[sflag:s20] =	ssyncset.done $0x0  }
0x6e: {  	[sflag:s20] =	ssyncadd.s32 $0xFFFFC000  }
0x6f: {  	[spmem:s2] =	stream.indirect.scatter.add.f32 [tilespmem:s17], [sflag:$0x3], $0x80, s21, s16, $0xb8;
	[tilespmem:$0x1E800] =	vst v63  }
0x70: {  	_ =	swait.ge [sflag:s14], $0x4000  }
0x71: {  	[sflag:s14] =	ssyncset.done $0x0  }
0x72: {  	s26 =	simm.s32 $0x380;
	[sflag:s14] =	ssyncadd.s32 $0xFFFFC000  }
0x73: {  	[tilespmem:s17], [sflag:$0x2] =	stream.indirect.gather [hbm4b:s4+s16], $0x80, s26, s16, $0xb8;
	[tilespmem:$0x1E800] =	vst v63  }
0x74: {  	_ =	swait.ge [sflag:s19], $0x4000  }
0x75: {  	[sflag:s19] =	ssyncset.done $0x0  }
0x76: {  	[sflag:s19] =	ssyncadd.s32 $0xFFFFC000  }
0x77: {  	[spmem:s2] =	stream.indirect.scatter.add.f32 [tilespmem:s15], [sflag:$0x3], $0x80, s22, s16, $0xb8;
	[tilespmem:$0x1E800] =	vst v63  }
0x78: {  	p0 =	por $0x0, $0x0;
	_ =	swait.ge [sflag:s14], $0x4000  }
0x79: {  	s25 =	simm.s32 @!p0 $0x2C00;
	[sflag:s14] =	ssyncset.done $0x0  }
0x7a: {  	s28 =	simm.s32 @!p0 $0x80;
	s26 =	simm.s32 @!p0 $0x400;
	[sflag:s14] =	ssyncadd.s32 $0xFFFFC000  }
0x7b: {  	[tilespmem:s25], [sflag:$0x1] =	stream.indirect.gather @!p0 [hbm4b:s4+s28], $0x80, s26, s28, $0xb8;
	[tilespmem:$0x1E800] =	vst v63  }
0x7c: {  	_ =	swait.ge [sflag:s20], $0x4000  }
0x7d: {  	[sflag:s20] =	ssyncset.done $0x0  }
0x7e: {  	p1 =	por $0x0, $0x0;
	[sflag:s20] =	ssyncadd.s32 $0xFFFFC000  }
0x7f: {  	[spmem:s2] =	stream.indirect.scatter.add.f32 [tilespmem:s17], [sflag:$0x3], $0x80, s23, s16, $0xb8;
	[tilespmem:$0x1E800] =	vst v63  }
0x80: {  	s29 =	simm.s32 @!p1 $0x6C00;
	s30 =	simm.s32 @!p1 $0x480;
	_ =	swait.ge [sflag:s14], $0x4000  }
0x81: {  	s31 =	simm.s32 @!p1 $0x80;
	s25 =	simm.s32 $0x1000;
	[sflag:s14] =	ssyncset.done $0x0  }
0x82: {  	s26 =	sadd.s32 $0x80, s13;
	s28 =	simm.s32 $0xE;
	[sflag:s14] =	ssyncadd.s32 $0xFFFFC000  }
.LBB2_4:
0x83: {  	[tilespmem:s29], [sflag:$0x2] =	stream.indirect.gather @!p1 [hbm4b:s4+s31], $0x80, s30, s31, $0xb8;
	[tilespmem:$0x1E800] =	vst v63  }
0x84: {  	_ = 	snop  }
0x85: {  	[tilespmem:s18], [sflag:$0x3] =	stream.linear.gather [hbm4b:s26+s3], $0x400, $0x38;
	[tilespmem:$0x1E800] =	vst v63  }
0x86: {  	_ =	swait.ge [sflag:s14], $0x400  }
0x87: {  	[sflag:s14] =	ssyncset.done $0x0  }
0x88: {  	[sflag:s14] =	ssyncadd.s32 $0xFFFFFC00  }
0x89: {  	_ =	swait.ge [sflag:s19], $0x4000  }
0x8a: {  	[sflag:s19] =	ssyncset.done $0x0  }
0x8b: {  	[sflag:s19] =	ssyncadd.s32 $0xFFFFC000  }
0x8c: {  	[spmem:s2] =	stream.indirect.scatter.add.f32 [tilespmem:s15], [sflag:$0x3], $0x80, s18, s16, $0xb8;
	[tilespmem:$0x1E800] =	vst v63  }
0x8d: {  	s29 =	smov.u32 s25;
	_ =	swait.ge [sflag:s14], $0x4000  }
0x8e: {  	s30 =	sshra.s32 s29, $0x2;
	[sflag:s14] =	ssyncset.done $0x0  }
0x8f: {  	s31 =	sadd.s32 $0x100, s30;
	[sflag:s14] =	ssyncadd.s32 $0xFFFFC000  }
0x90: {  	[tilespmem:s15], [sflag:$0x1] =	stream.indirect.gather [hbm4b:s4+s16], $0x80, s31, s16, $0xb8;
	[tilespmem:$0x1E800] =	vst v63  }
0x91: {  	_ =	swait.ge [sflag:s20], $0x4000  }
0x92: {  	[sflag:s20] =	ssyncset.done $0x0  }
0x93: {  	s31 =	rddreg [dreg:$0x3];
	[sflag:s20] =	ssyncadd.s32 $0xFFFFC000  }
0x94: {  	[spmem:s2] =	stream.indirect.scatter.add.f32 [tilespmem:s17], [sflag:$0x3], $0x80, s31, s16, $0xb8;
	[tilespmem:$0x1E800] =	vst v63  }
0x95: {  	_ =	swait.ge [sflag:s14], $0x4000  }
0x96: {  	[sflag:s14] =	ssyncset.done $0x0  }
0x97: {  	s31 =	sadd.s32 $0x180, s30;
	[sflag:s14] =	ssyncadd.s32 $0xFFFFC000  }
0x98: {  	[tilespmem:s17], [sflag:$0x2] =	stream.indirect.gather [hbm4b:s4+s16], $0x80, s31, s16, $0xb8;
	[tilespmem:$0x1E800] =	vst v63  }
0x99: {  	_ =	swait.ge [sflag:s19], $0x4000  }
0x9a: {  	[sflag:s19] =	ssyncset.done $0x0  }
0x9b: {  	s31 =	rddreg [dreg:$0x4];
	[sflag:s19] =	ssyncadd.s32 $0xFFFFC000  }
0x9c: {  	[spmem:s2] =	stream.indirect.scatter.add.f32 [tilespmem:s15], [sflag:$0x3], $0x80, s31, s16, $0xb8;
	[tilespmem:$0x1E800] =	vst v63  }
0x9d: {  	_ =	swait.ge [sflag:s14], $0x4000  }
0x9e: {  	[sflag:s14] =	ssyncset.done $0x0  }
0x9f: {  	s31 =	sadd.s32 $0x200, s30;
	[sflag:s14] =	ssyncadd.s32 $0xFFFFC000  }
0xa0: {  	[tilespmem:s15], [sflag:$0x1] =	stream.indirect.gather [hbm4b:s4+s16], $0x80, s31, s16, $0xb8;
	[tilespmem:$0x1E800] =	vst v63  }
0xa1: {  	_ =	swait.ge [sflag:s20], $0x4000  }
0xa2: {  	[sflag:s20] =	ssyncset.done $0x0  }
0xa3: {  	s31 =	rddreg [dreg:$0x5];
	[sflag:s20] =	ssyncadd.s32 $0xFFFFC000  }
0xa4: {  	[spmem:s2] =	stream.indirect.scatter.add.f32 [tilespmem:s17], [sflag:$0x3], $0x80, s31, s16, $0xb8;
	[tilespmem:$0x1E800] =	vst v63  }
0xa5: {  	_ =	swait.ge [sflag:s14], $0x4000  }
0xa6: {  	[sflag:s14] =	ssyncset.done $0x0  }
0xa7: {  	s31 =	sadd.s32 $0x280, s30;
	[sflag:s14] =	ssyncadd.s32 $0xFFFFC000  }
0xa8: {  	[tilespmem:s17], [sflag:$0x2] =	stream.indirect.gather [hbm4b:s4+s16], $0x80, s31, s16, $0xb8;
	[tilespmem:$0x1E800] =	vst v63  }
0xa9: {  	_ =	swait.ge [sflag:s19], $0x4000  }
0xaa: {  	[sflag:s19] =	ssyncset.done $0x0  }
0xab: {  	s31 =	rddreg [dreg:$0x6];
	[sflag:s19] =	ssyncadd.s32 $0xFFFFC000  }
0xac: {  	[spmem:s2] =	stream.indirect.scatter.add.f32 [tilespmem:s15], [sflag:$0x3], $0x80, s31, s16, $0xb8;
	[tilespmem:$0x1E800] =	vst v63  }
0xad: {  	_ =	swait.ge [sflag:s14], $0x4000  }
0xae: {  	[sflag:s14] =	ssyncset.done $0x0  }
0xaf: {  	s31 =	sadd.s32 $0x300, s30;
	[sflag:s14] =	ssyncadd.s32 $0xFFFFC000  }
0xb0: {  	[tilespmem:s15], [sflag:$0x1] =	stream.indirect.gather [hbm4b:s4+s16], $0x80, s31, s16, $0xb8;
	[tilespmem:$0x1E800] =	vst v63  }
0xb1: {  	_ =	swait.ge [sflag:s20], $0x4000  }
0xb2: {  	[sflag:s20] =	ssyncset.done $0x0  }
0xb3: {  	[sflag:s20] =	ssyncadd.s32 $0xFFFFC000  }
0xb4: {  	[spmem:s2] =	stream.indirect.scatter.add.f32 [tilespmem:s17], [sflag:$0x3], $0x80, s21, s16, $0xb8;
	[tilespmem:$0x1E800] =	vst v63  }
0xb5: {  	_ =	swait.ge [sflag:s14], $0x4000  }
0xb6: {  	[sflag:s14] =	ssyncset.done $0x0  }
0xb7: {  	s30 =	sadd.s32 $0x380, s30;
	[sflag:s14] =	ssyncadd.s32 $0xFFFFC000  }
0xb8: {  	[tilespmem:s17], [sflag:$0x2] =	stream.indirect.gather [hbm4b:s4+s16], $0x80, s30, s16, $0xb8;
	[tilespmem:$0x1E800] =	vst v63  }
0xb9: {  	_ =	swait.ge [sflag:s19], $0x4000  }
0xba: {  	[sflag:s19] =	ssyncset.done $0x0  }
0xbb: {  	[sflag:s19] =	ssyncadd.s32 $0xFFFFC000  }
0xbc: {  	[spmem:s2] =	stream.indirect.scatter.add.f32 [tilespmem:s15], [sflag:$0x3], $0x80, s22, s16, $0xb8;
	[tilespmem:$0x1E800] =	vst v63  }
0xbd: {  	p1 =	sgt.u32 s28, $0x4D;
	_ =	swait.ge [sflag:s14], $0x4000  }
0xbe: {  	s1 =	simm.s32 @!p1 $0x80;
	s30 =	sshra.s32 @!p1 s29, $0x2;
	[sflag:s14] =	ssyncset.done $0x0  }
0xbf: {  	s31 =	simm.s32 @!p1 $0x2C00;
	s30 =	sadd.s32 @!p1 $0x400, s30;
	[sflag:s14] =	ssyncadd.s32 $0xFFFFC000  }
0xc0: {  	[tilespmem:s31], [sflag:$0x1] =	stream.indirect.gather @!p1 [hbm4b:s4+s1], $0x80, s30, s1, $0xb8;
	[tilespmem:$0x1E800] =	vst v63  }
0xc1: {  	s25 =	sadd.s32 $0x1000, s25;
	_ =	swait.ge [sflag:s20], $0x4000  }
0xc2: {  	p0 =	sne.s32 s25, $0xA000;
	[sflag:s20] =	ssyncset.done $0x0  }
.Ltmp1:
0xc3: {  	s26 =	sadd.s32 $0x80, s26;
	[sflag:s20] =	ssyncadd.s32 $0xFFFFC000;
	(pc) =	sbr.rel @p0 .LBB2_4-.Ltmp1, $4  }
0xc4: {  	[spmem:s2] =	stream.indirect.scatter.add.f32 [tilespmem:s17], [sflag:$0x3], $0x80, s23, s16, $0xb8;
	[tilespmem:$0x1E800] =	vst v63  }
0xc5: {  	p1 =	sgt.u32 s28, $0x4C;
	s28 =	sadd.s32 $0x8, s28;
	_ =	swait.ge [sflag:s14], $0x4000  }
0xc6: {  	s1 =	sshra.s32 @!p1 s29, $0x2;
	s29 =	simm.s32 @!p1 $0x6C00;
	[sflag:s14] =	ssyncset.done $0x0  }
0xc7: {  	s31 =	simm.s32 @!p1 $0x80;
	s30 =	sadd.s32 @!p1 $0x480, s1;
	[sflag:s14] =	ssyncadd.s32 $0xFFFFC000  }
0xc8: {  	[tilespmem:s29], [sflag:$0x2] =	stream.indirect.gather @!p1 [hbm4b:s4+s31], $0x80, s30, s31, $0xb8;
	[tilespmem:$0x1E800] =	vst v63  }
0xc9: {  	s24 =	sadd.s32 $0x1, s24  }
0xca: {  	s1 =	sshll.u32 s0, $0x6;
	s25 =	sshrl.u32 s6, $0x3;
	p0 =	sne.s32 s24, s12  }
.Ltmp2:
0xcb: {  	[bflag:$0x0] =	sbarrier.arrive $0xFFFF;
	s1 =	sor.u32 $0x1C03, s1;
	(pc) =	sbr.rel @p0 .LBB2_1-.Ltmp2, $4  }
0xcc: {  	[hbm:s11], [sflag:s1] =	dma.local [spmem:s25], $0x2780  }
0xcd: {  	_ =	swait.ge [sflag:s14], $0x2780  }
0xce: {  	[sflag:s14] =	ssyncset.done $0x0  }
0xcf: {  	[sflag:s14] =	ssyncadd.s32 $0xFFFFD880  }
0xd0: {  	_ =	sfence.sel $0x180000  }
0xd1: {  	[bflag:$0x0] =	sbarrier.arrive $0xFFFF  }
0xd2: {  	_ =	strace $0x9000004D  }
0xd3: {  	[bflag:$0x2] =	sbarrier.arrive $0xFFFF  }
0xd4: {  	p0 =	sne.s32 s0, $0x0;
	s0 =	rddreg [dreg:$0x2]  }
0xd5: {  	s0 =	sadd.s32 @!p0 $0x100000, s0  }
0xd6: {  	[sflag:s0] =	ssyncadd.tile.s32 @!p0 $0x1;
	_ =	shalt  }
.Lfunc_end2:
_tile_overlayer_lowered:
.L_overlay_start_2:
0xd7: {  	(tag) =	ssettag $0x2  }
0xd8: {  	s0 =	rddreg [dreg:$0x0];
	s2 =	stileid.u32  }
0xd9: {  	s1 =	rddreg [dreg:$0x1];
	p0 =	sne.s32 s2, $0x0  }
0xda: {  	s3 =	rddreg [dreg:$0x2];
	[bflag:$0x3] =	sbarrier.arrive $0xFFFF;
	s2 =	simm.s32 @!p0 $0x1C03  }
0xdb: {  	[timem:s3], [sflag:s2] =	dma.local @!p0 [hbm:s0], s1  }
0xdc: {  	s0 =	simm.s32 @!p0 $0x3  }
0xdd: {  	_ =	swait.ge @!p0 [sflag:s0], s1  }
0xde: {  	s1 =	ssub.s32 @!p0 $0x0, s1;
	[sflag:s0] =	ssyncset.done @!p0 $0x0  }
0xdf: {  	[sflag:s0] =	ssyncadd.s32 @!p0 s1  }
0xe0: {  	[bflag:$0x3] =	sbarrier.arrive $0xFFFF  }
0xe1: {  	_ =	shalt  }

// kernel: kernel.19.cloned.1.call-start
scs
__scs_entry_jumppad:
0x0: {  	(pc) =	sbr.rel $0x88, $3  }
0x1: {  	(tag) =	ssettag $0x0;
	lr =	simm.s32 $0x1  }
0x2: {  	[smem:$0x3F96] =	sst lr;
	_ =	strace $0xD0000000  }
0x3: {  	_ = 	snop  }
0x4: {  	_ = 	snop  }
0x5: {  	_ = 	snop  }
0x6: {  	_ = 	snop  }
0x7: {  	_ = 	snop  }
__scs_overlays_trampoline_lowered:
0x8: {  	[smem:$0x3FA5] =	sst s0  }
0x9: {  	[smem:$0x3FA6] =	sst s1  }
0xa: {  	[smem:$0x3FA7] =	sst s2  }
0xb: {  	[smem:$0x3FA8] =	sst s3  }
0xc: {  	[smem:$0x3FA9] =	sst s4  }
0xd: {  	[smem:$0x3FAA] =	sst s5  }
0xe: {  	[smem:$0x3FAB] =	sst s6  }
0xf: {  	[smem:$0x3FAC] =	sst s7  }
0x10: {  	[smem:$0x3FAD] =	sst s8  }
0x11: {  	[smem:$0x3FAE] =	sst s9;
	s0 =	simm.s32 @!p0 $0x0  }
0x12: {  	s1 =	sld [smem:$0x3F94];
	s0 =	simm.s32 @p0 $0x1  }
0x13: {  	[smem:$0x3FAF] =	sst s0;
	s0 =	simm.s32 @!p1 $0x0  }
0x14: {  	s2 =	sld [smem:$0x3F93];
	s0 =	simm.s32 @p1 $0x1  }
0x15: {  	[smem:$0x3FB0] =	sst s0;
	s0 =	simm.s32 @!p2 $0x0  }
0x16: {  	s3 =	sld [smem:$0x3FDB];
	s0 =	simm.s32 @p2 $0x1  }
0x17: {  	s4 =	simm.s32 $0x1BF5;
	[smem:$0x3FB2] =	sst s0  }
0x18: {  	s0 =	sld [smem:$0x3F95];
	_ =	swait.ge [sflag:s4], $0x0  }
0x19: {  	s7 =	sld [smem:$0x3F96]  }
0x1a: {  	s8 =	sadd.s32 $0xFFFFE003, lr  }
0x1b: {  	s9 =	sadd.s32 $0xFFFFFEF7, lr;
	s5 =	simm.s32 $0xFFFFFFFF;
	p2 =	slt.u32 s8, $0xFFFFF086  }
0x1c: {  	p1 =	slt.u32 s9, $0xF7A;
	s5 =	simm.s32 @!p2 $0x0  }
0x1d: {  	s5 =	simm.s32 @p1 $0x1;
	p0 =	seq.s32 s7, s2  }
0x1e: {  	s7 =	smul.u32 @!p0 $0xF7A, s2;
	p2 =	seq.s32 @!p0 s5, $0x0  }
0x1f: {  	s9 =	smul.u32 $0xF7A, s1;
	s8 =	simm.s32 @!p0 $0x1BF5;
	p2 =	por !p2, p0  }
0x20: {  	[sflag:s8] =	ssyncset.s32 @!p0 $0xFFFFF086;
	s6 =	sadd.s32 @!p0 s3, s7;
	s7 =	simm.s32 @!p0 $0x108  }
0x21: {  	s3 =	sadd.s32 s3, s9;
	s6 =	sadd.s32 @!p0 $0x88, s6;
	s7 =	simm.s32 @p2 $0x1082  }
0x22: {  	[simem:s7], [sflag:s8] =	dma.local @!p0 [hbm:s6], $0xF7A  }
0x23: {  	s9 =	sor.u32 $0xD0000000, s2;
	s6 =	simm.s32 $0x108;
	_ =	swait.ge @!p0 [sflag:s8], $0x0  }
0x24: {  	s3 =	sadd.s32 $0x88, s3;
	s6 =	simm.s32 @!p1 $0x1082;
	[sflag:s4] =	ssyncset.s32 $0xFFFFF086  }
0x25: {  	[simem:s6], [sflag:s4] =	dma.local [hbm:s3], $0xF7A  }
0x26: {  	[smem:$0x3F96] =	sst s1;
	(tag) =	ssettag s2;
	_ =	strace s9  }
0x27: {  	s1 =	sld [smem:$0x3FA6]  }
0x28: {  	s2 =	sld [smem:$0x3FA7]  }
0x29: {  	s4 =	sld [smem:$0x3FA9]  }
0x2a: {  	p0 =	seq.s32 s5, $0x0;
	s5 =	sld [smem:$0x3FAA]  }
0x2b: {  	s6 =	sld [smem:$0x3FAB]  }
0x2c: {  	s7 =	sld [smem:$0x3FAC]  }
0x2d: {  	s3 =	simm.s32 $0x108;
	s8 =	sld [smem:$0x3FAD]  }
0x2e: {  	s3 =	simm.s32 @!p0 $0x1082;
	s9 =	sld [smem:$0x3FAE]  }
0x2f: {  	lr =	sadd.s32 s0, s3;
	s0 =	sld [smem:$0x3FA5]  }
0x30: {  	s3 =	sld [smem:$0x3FA8]  }
0x31: {  	[smem:$0x3FB1] =	sst s10  }
0x32: {  	s10 =	sld [smem:$0x3FAF];
	_ =	sdelay $0x3  }
0x33: {  	p0 =	seq.s32 s10, $0x1;
	s10 =	sld [smem:$0x3FB1];
	_ =	sdelay $0x3  }
0x34: {  	[smem:$0x3FB1] =	sst s10  }
0x35: {  	s10 =	sld [smem:$0x3FB0];
	_ =	sdelay $0x3  }
0x36: {  	p1 =	seq.s32 s10, $0x1;
	s10 =	sld [smem:$0x3FB1];
	_ =	sdelay $0x3  }
0x37: {  	[smem:$0x3FB1] =	sst s10  }
0x38: {  	s10 =	sld [smem:$0x3FB2]  }
0x39: {  	_ = 	snop;
	(pc) =	sbr.ind lr, $3  }
0x3a: {  	_ = 	snop  }
0x3b: {  	_ = 	snop  }
0x3c: {  	p2 =	seq.s32 s10, $0x1;
	s10 =	sld [smem:$0x3FB1]  }
0x3d: {  	_ =	shalt  }
0x3e: {  	_ =	shalt  }
0x3f: {  	_ =	shalt  }
0x40: {  	_ =	shalt  }
0x41: {  	_ =	shalt  }
0x42: {  	_ =	shalt  }
0x43: {  	_ =	shalt  }
0x44: {  	_ =	shalt  }
0x45: {  	_ =	shalt  }
0x46: {  	_ =	shalt  }
0x47: {  	_ =	shalt  }
0x48: {  	_ =	shalt  }
0x49: {  	_ =	shalt  }
0x4a: {  	_ =	shalt  }
0x4b: {  	_ =	shalt  }
0x4c: {  	_ =	shalt  }
0x4d: {  	_ =	shalt  }
0x4e: {  	_ =	shalt  }
0x4f: {  	_ =	shalt  }
0x50: {  	_ =	shalt  }
0x51: {  	_ =	shalt  }
0x52: {  	_ =	shalt  }
0x53: {  	_ =	shalt  }
0x54: {  	_ =	shalt  }
0x55: {  	_ =	shalt  }
0x56: {  	_ =	shalt  }
0x57: {  	_ =	shalt  }
0x58: {  	_ =	shalt  }
0x59: {  	_ =	shalt  }
0x5a: {  	_ =	shalt  }
0x5b: {  	_ =	shalt  }
0x5c: {  	_ =	shalt  }
0x5d: {  	_ =	shalt  }
0x5e: {  	_ =	shalt  }
0x5f: {  	_ =	shalt  }
0x60: {  	_ =	shalt  }
0x61: {  	_ =	shalt  }
0x62: {  	_ =	shalt  }
0x63: {  	_ =	shalt  }
0x64: {  	_ =	shalt  }
0x65: {  	_ =	shalt  }
0x66: {  	_ =	shalt  }
0x67: {  	_ =	shalt  }
0x68: {  	_ =	shalt  }
0x69: {  	_ =	shalt  }
0x6a: {  	_ =	shalt  }
0x6b: {  	_ =	shalt  }
0x6c: {  	_ =	shalt  }
0x6d: {  	_ =	shalt  }
0x6e: {  	_ =	shalt  }
0x6f: {  	_ =	shalt  }
0x70: {  	_ =	shalt  }
0x71: {  	_ =	shalt  }
0x72: {  	_ =	shalt  }
0x73: {  	_ =	shalt  }
0x74: {  	_ =	shalt  }
0x75: {  	_ =	shalt  }
0x76: {  	_ =	shalt  }
0x77: {  	_ =	shalt  }
0x78: {  	_ =	shalt  }
0x79: {  	_ =	shalt  }
0x7a: {  	_ =	shalt  }
0x7b: {  	_ =	shalt  }
0x7c: {  	_ =	shalt  }
0x7d: {  	_ =	shalt  }
0x7e: {  	_ =	shalt  }
0x7f: {  	_ =	shalt  }
0x80: {  	_ =	shalt  }
0x81: {  	_ =	shalt  }
0x82: {  	_ =	shalt  }
0x83: {  	_ =	shalt  }
0x84: {  	_ =	shalt  }
0x85: {  	_ =	shalt  }
0x86: {  	_ =	shalt  }
0x87: {  	_ =	shalt  }
.Lfunc_end0:
.L_simem_size_0:
called_computation.3_lowered:
.L_overlay_start_0:
0x88: {  	s2 =	sld [smem:$0x3FD9]  }
0x89: {  	s3 =	sld [smem:$0x3FFE];
	_ =	sdelay $0x1  }
0x8a: {  	s1 =	srdreg.scid  }
0x8b: {  	s0 =	sand.u32 $0x1, s1  }
0x8c: {  	s16 =	sshll.u32 s0, $0xA;
	s2 =	sadd.s32 s3, s2  }
0x8d: {  	s2 =	sadd.s32 s2, s16  }
0x8e: {  	[smem:$0x3FBD] =	sst s2  }
0x8f: {  	_ = 	snop  }
0x90: {  	(tm) =	ssettm $0x1  }
0x91: {  	s17 =	sld [smem:$0x3FFB];
	_ =	sdelay $0x3  }
0x92: {  	_ =	strace s17  }
0x93: {  	s2 =	sld [smem:$0x3FFC];
	_ =	sdelay $0x3  }
0x94: {  	_ =	strace s2  }
0x95: {  	s2 =	sld [smem:$0x3FFD];
	_ =	sdelay $0x3  }
0x96: {  	_ =	strace s2  }
0x97: {  	_ =	strace $0x8FFFFFFF  }
0x98: {  	s18 =	sld [smem:$0x3FDB];
	_ =	sdelay $0x1  }
0x99: {  	s19 =	simm.s32 $_scs_section_size  }
0x9a: {  	s4 =	simm.s32 $_size__tile_overlayer_lowered;
	s5 =	simm.s32 $_tile_overlayer_lowered  }
0x9b: {  	s22 =	simm.s32 $0x1BFF;
	s21 =	sshll.u32 s5, $0x1;
	s2 =	sadd.s32 s19, s18  }
0x9c: {  	s6 =	simm.s32 $0x0;
	s20 =	sshll.u32 s4, $0x1;
	s4 =	sadd.s32 s21, s2  }
0x9d: {  	[timem:s6], [sflag:s22] =	dma.local [hbm:s4], s20  }
0x9e: {  	_ =	swait.ge [sflag:s22], s20  }
0x9f: {  	s3 =	ssub.s32 $0x0, s20;
	[sflag:s22] =	ssyncset.done $0x0  }
0xa0: {  	[sflag:s22] =	ssyncadd.s32 s3;
	_ =	sdelay $0x1  }
0xa1: {  	s23 =	simm.s32 $0x1B8B  }
0xa2: {  	_ =	swait.ge [sflag:s23], $0x1  }
0xa3: {  	[sflag:s23] =	ssyncset.done $0x0  }
0xa4: {  	s25 =	simm.s32 $0x1B8E;
	s24 =	sld [smem:$0x3FFE];
	[sflag:s23] =	ssyncadd.s32 $0xFFFFFFFF  }
0xa5: {  	s26 =	simm.s32 $execute0_lowered;
	[smem:$0x3FD2] =	sst s25  }
0xa6: {  	s4 =	sshll.u32 s26, $0x1;
	_ =	strace $0x8000004F;
	[dreg:$0x1] =	wrdreg $0xFFFFFFFF  }
0xa7: {  	s28 =	simm.s32 $_size_execute0_lowered;
	s2 =	sadd.s32 s2, s4;
	[dreg:$0x0] =	wrdreg $0x0  }
0xa8: {  	s4 =	sshll.u32 s28, $0x1;
	[dreg:$0x2] =	wrdreg s2  }
0xa9: {  	[dreg:$0x3] =	wrdreg s4  }
0xaa: {  	[dreg:$0x4] =	wrdreg $0xC0  }
0xab: {  	_ =	task [dreg:s6], $0x5FFFF  }
0xac: {  	[dreg:$0x1] =	wrdreg $0xFFFFFFFF  }
0xad: {  	[dreg:$0x0] =	wrdreg $0x60  }
0xae: {  	[dreg:$0x2] =	wrdreg s24  }
0xaf: {  	[dreg:$0x3] =	wrdreg $0xAC000  }
0xb0: {  	[dreg:$0x4] =	wrdreg $0x9  }
0xb1: {  	_ =	task.clear_ibuf [dreg:s6], $0x5FFFF;
	_ =	strace $0x9000004F  }
0xb2: {  	s29 =	simm.s32 $0x9;
	_ =	strace $0x80000051  }
0xb3: {  	_ =	swait.ge [sflag:s29], $0x1  }
0xb4: {  	[sflag:s29] =	ssyncadd.s32 $0xFFFFFFFF  }
0xb5: {  	_ =	strace $0x90000051  }
0xb6: {  	_ =	sfence  }
0xb7: {  	s30 =	sld [smem:$0x0];
	_ =	sdelay $0x2  }
0xb8: {  	s31 =	sshll.u32 s1, $0xD;
	s1 =	sshrl.u32 s1, $0x2  }
0xb9: {  	s3 =	sand.u32 $0x4000, s31;
	s1 =	sadd.s32 s1, s30  }
0xba: {  	s0 =	sor.u32 s3, s0;
	s1 =	sshll.u32 s1, $0x11  }
0xbb: {  	s0 =	sor.u32 s1, s0  }
0xbc: {  	s0 =	sadd.s32 $0x8F2B, s0  }
0xbd: {  	[sflag:s0] =	ssyncadd.remote.s32 $0x1  }
0xbe: {  	_ =	sfence.sel $0xFFFF  }
0xbf: {  	[dreg:$0x0] =	wrdreg $0xFFFFFFFF;
	(pc) =	sbr.abs _section_cstart, $3  }
0xc0: {  	[dreg:$0x1] =	wrdreg $0xFFFFFFFF  }
0xc1: {  	_ =	task.clear_ibuf [dreg:s6], $0x2FFFF;
	_ =	strace $0x9FFFFFFF  }
0xc2: {  	(tm) =	ssettm $0x7FFFFFFF  }
0xc3: {  	_ =	shalt  }
tec
execute0_lowered:
.L_overlay_start_1:
0x0: {  	(tag) =	ssettag $0x1  }
0x1: {  	s6 =	rddreg [dreg:$0x0]  }
0x2: {  	s0 =	srdreg.scid;
	s2 =	rddreg [dreg:$0x1];
	s3 =	simm.s32 $0x0  }
0x3: {  	s15 =	simm.s32 $0x2C00;
	s16 =	simm.s32 $0x80;
	s18 =	simm.s32 $0x2880  }
0x4: {  	s17 =	simm.s32 $0x6C00;
	s19 =	simm.s32 $0x2900;
	s20 =	simm.s32 $0x2980  }
0x5: {  	s21 =	simm.s32 $0x2A00;
	s22 =	simm.s32 $0x2B00;
	s5 =	sand.u32 $0x1, s0  }
0x6: {  	s23 =	simm.s32 $0x2B80;
	s0 =	stileid.u32;
	s8 =	smul.u32 $0x13C000, s5  }
0x7: {  	s24 =	simm.s32 $0x0;
	[smem:$0x7FF] =	sst s3;
	s9 =	smul.u32 $0x13C00, s0  }
0x8: {  	s1 =	sshll.u32 s5, $0x4;
	_ =	strace $0x80000050;
	s10 =	smul.u32 $0x5000, s5  }
0x9: {  	s5 =	ssub.s32 $0x2, s5;
	s29 =	smul.u32 $0x4F000, s0;
	[dreg:$0x3] =	wrdreg s18  }
0xa: {  	s14 =	smul.u32 $0x500, s0;
	s18 =	simm.s32 $0x2800;
	[dreg:$0x4] =	wrdreg s19  }
0xb: {  	s19 =	simm.s32 $0x1;
	[dreg:$0x5] =	wrdreg s20;
	s20 =	simm.s32 $0x2  }
0xc: {  	[dreg:$0x6] =	wrdreg s21;
	s21 =	simm.s32 $0x2A80;
	s4 =	sor.u32 s0, s1  }
0xd: {  	s30 =	sshrl.u32 s5, $0x1;
	s7 =	smul.u32 $0x500, s4;
	s4 =	sadd.s32 $0x17800, s6  }
0xe: {  	s8 =	sadd.s32 s9, s8;
	s12 =	sadd.s32 s10, s6;
	s13 =	ssub.s32 s5, s30  }
0xf: {  	s31 =	sshrl.u32 s29, $0x2;
	s8 =	sshrl.u32 s8, $0x3;
	s14 =	sadd.s32 s14, s12  }
0x10: {  	s12 =	smax.u32 s13, $0x1;
	s7 =	sadd.s32 s7, s6;
	s11 =	sadd.s32 s8, s6  }
0x11: {  	s6 =	sadd.s32 s31, s2;
	s13 =	sadd.s32 $0x3800, s14;
	s14 =	simm.s32 $0x3  }
0x12: {  	s5 =	sadd.s32 $0xD800, s7;
	s7 =	sadd.s32 $0x4000, s6;
	s8 =	sadd.s32 $0x8000, s6  }
0x13: {  	v0 =	vimm.f32 $0.0e+00;
	s9 =	sadd.s32 $0xC000, s6;
	s10 =	sadd.s32 $0xFC00, s6;
	s11 =	sadd.s32 $0x3EA00, s11  }
.LBB2_1:
0x14: {  	[tilespmem:s3], [sflag:$0x3] =	stream.linear.gather [hbm4b:s5+s3], $0x2800, $0x38;
	[tilespmem:$0x1E800] =	vst v63  }
0x15: {  	_ =	swait.ge [sflag:s14], $0x2800  }
0x16: {  	[sflag:s14] =	ssyncset.done $0x0  }
0x17: {  	s25 =	simm.s32 $0x0;
	s26 =	simm.s32 $0x200;
	[sflag:s14] =	ssyncadd.s32 $0xFFFFD800  }
.LBB2_2:
0x18: {  	p0 =	sne.s32 s26, $0xFE00;
	[tilespmem:s25+$0x2C70] =	vst v0  }
0x19: {  	[tilespmem:s25+$0x2C00] =	vst v0  }
0x1a: {  	[tilespmem:s25+$0x2C10] =	vst v0  }
.Ltmp0:
0x1b: {  	[tilespmem:s25+$0x2C20] =	vst v0;
	(pc) =	sbr.rel @p0 .LBB2_2-.Ltmp0, $4  }
0x1c: {  	[tilespmem:s25+$0x2C30] =	vst v0  }
0x1d: {  	[tilespmem:s25+$0x2C40] =	vst v0  }
0x1e: {  	[tilespmem:s25+$0x2C50] =	vst v0  }
0x1f: {  	[tilespmem:s25+$0x2C60] =	vst v0;
	s25 =	sshra.s32 s26, $0x2;
	s26 =	sadd.s32 $0x200, s26  }
0x20: {  	[tilespmem:s25+$0x2C70] =	vst v0  }
0x21: {  	[tilespmem:s25+$0x2C00] =	vst v0  }
0x22: {  	[tilespmem:s25+$0x2C10] =	vst v0  }
0x23: {  	[tilespmem:s25+$0x2C20] =	vst v0  }
0x24: {  	[tilespmem:s25+$0x2C30] =	vst v0  }
0x25: {  	[tilespmem:s25+$0x2C40] =	vst v0  }
0x26: {  	[tilespmem:s25+$0x2C50] =	vst v0  }
0x27: {  	[tilespmem:s25+$0x2C60] =	vst v0  }
0x28: {  	[spmem:s6] =	stream.linear.scatter [tilespmem:s15], [sflag:$0x3], $0x4000, $0x38;
	[tilespmem:$0x1E800] =	vst v63  }
0x29: {  	_ =	swait.ge [sflag:s14], $0x4000  }
0x2a: {  	[sflag:s14] =	ssyncset.done $0x0  }
0x2b: {  	[sflag:s14] =	ssyncadd.s32 $0xFFFFC000  }
0x2c: {  	[spmem:s7] =	stream.linear.scatter [tilespmem:s15], [sflag:$0x3], $0x4000, $0x38;
	[tilespmem:$0x1E800] =	vst v63  }
0x2d: {  	_ =	swait.ge [sflag:s14], $0x4000  }
0x2e: {  	[sflag:s14] =	ssyncset.done $0x0  }
0x2f: {  	[sflag:s14] =	ssyncadd.s32 $0xFFFFC000  }
0x30: {  	[spmem:s8] =	stream.linear.scatter [tilespmem:s15], [sflag:$0x3], $0x4000, $0x38;
	[tilespmem:$0x1E800] =	vst v63  }
0x31: {  	_ =	swait.ge [sflag:s14], $0x4000  }
0x32: {  	[sflag:s14] =	ssyncset.done $0x0  }
0x33: {  	[sflag:s14] =	ssyncadd.s32 $0xFFFFC000  }
0x34: {  	[spmem:s9] =	stream.linear.scatter [tilespmem:s15], [sflag:$0x3], $0x4000, $0x38;
	[tilespmem:$0x1E800] =	vst v63  }
0x35: {  	_ =	swait.ge [sflag:s14], $0x4000  }
0x36: {  	[sflag:s14] =	ssyncset.done $0x0  }
0x37: {  	[sflag:s14] =	ssyncadd.s32 $0xFFFFC000  }
0x38: {  	[spmem:s10] =	stream.linear.scatter [tilespmem:s15], [sflag:$0x3], $0x4000, $0x38;
	[tilespmem:$0x1E800] =	vst v63  }
0x39: {  	_ =	swait.ge [sflag:s14], $0x4000  }
0x3a: {  	[sflag:s14] =	ssyncset.done $0x0  }
0x3b: {  	s26 =	simm.s32 $0x0;
	[sflag:s14] =	ssyncadd.s32 $0xFFFFC000  }
0x3c: {  	[tilespmem:s15], [sflag:$0x1] =	stream.indirect.gather [hbm4b:s4+s16], $0x80, s26, s16, $0xb8;
	[tilespmem:$0x1E800] =	vst v63  }
0x3d: {  	_ = 	snop  }
0x3e: {  	[tilespmem:s17], [sflag:$0x2] =	stream.indirect.gather [hbm4b:s4+s16], $0x80, s16, s16, $0xb8;
	[tilespmem:$0x1E800] =	vst v63  }
0x3f: {  	[bflag:$0x0] =	sbarrier.arrive $0xFFFF  }
0x40: {  	[tilespmem:s18], [sflag:$0x3] =	stream.linear.gather [hbm4b:s13+s3], $0x400, $0x38;
	[tilespmem:$0x1E800] =	vst v63  }
0x41: {  	_ =	swait.ge [sflag:s14], $0x400  }
0x42: {  	[sflag:s14] =	ssyncset.done $0x0  }
0x43: {  	[sflag:s14] =	ssyncadd.s32 $0xFFFFFC00  }
0x44: {  	_ =	swait.ge [sflag:s19], $0x4000  }
0x45: {  	[sflag:s19] =	ssyncset.done $0x0  }
0x46: {  	[sflag:s19] =	ssyncadd.s32 $0xFFFFC000  }
0x47: {  	[spmem:s2] =	stream.indirect.scatter.add.f32 [tilespmem:s15], [sflag:$0x3], $0x80, s18, s16, $0xb8;
	[tilespmem:$0x1E800] =	vst v63  }
0x48: {  	_ =	swait.ge [sflag:s14], $0x4000  }
0x49: {  	[sflag:s14] =	ssyncset.done $0x0  }
0x4a: {  	s1 =	simm.s32 $0x100;
	[sflag:s14] =	ssyncadd.s32 $0xFFFFC000  }
0x4b: {  	[tilespmem:s15], [sflag:$0x1] =	stream.indirect.gather [hbm4b:s4+s16], $0x80, s1, s16, $0xb8;
	[tilespmem:$0x1E800] =	vst v63  }
0x4c: {  	_ =	swait.ge [sflag:s20], $0x4000  }
0x4d: {  	[sflag:s20] =	ssyncset.done $0x0  }
0x4e: {  	s26 =	rddreg [dreg:$0x3];
	[sflag:s20] =	ssyncadd.s32 $0xFFFFC000  }
0x4f: {  	[spmem:s2] =	stream.indirect.scatter.add.f32 [tilespmem:s17], [sflag:$0x3], $0x80, s26, s16, $0xb8;
	[tilespmem:$0x1E800] =	vst v63  }
0x50: {  	_ =	swait.ge [sflag:s14], $0x4000  }
0x51: {  	[sflag:s14] =	ssyncset.done $0x0  }
0x52: {  	s1 =	simm.s32 $0x180;
	[sflag:s14] =	ssyncadd.s32 $0xFFFFC000  }
0x53: {  	[tilespmem:s17], [sflag:$0x2] =	stream.indirect.gather [hbm4b:s4+s16], $0x80, s1, s16, $0xb8;
	[tilespmem:$0x1E800] =	vst v63  }
0x54: {  	_ =	swait.ge [sflag:s19], $0x4000  }
0x55: {  	[sflag:s19] =	ssyncset.done $0x0  }
0x56: {  	s26 =	rddreg [dreg:$0x4];
	[sflag:s19] =	ssyncadd.s32 $0xFFFFC000  }
0x57: {  	[spmem:s2] =	stream.indirect.scatter.add.f32 [tilespmem:s15], [sflag:$0x3], $0x80, s26, s16, $0xb8;
	[tilespmem:$0x1E800] =	vst v63  }
0x58: {  	_ =	swait.ge [sflag:s14], $0x4000  }
0x59: {  	[sflag:s14] =	ssyncset.done $0x0  }
0x5a: {  	s1 =	simm.s32 $0x200;
	[sflag:s14] =	ssyncadd.s32 $0xFFFFC000  }
0x5b: {  	[tilespmem:s15], [sflag:$0x1] =	stream.indirect.gather [hbm4b:s4+s16], $0x80, s1, s16, $0xb8;
	[tilespmem:$0x1E800] =	vst v63  }
0x5c: {  	_ =	swait.ge [sflag:s20], $0x4000  }
0x5d: {  	[sflag:s20] =	ssyncset.done $0x0  }
0x5e: {  	s26 =	rddreg [dreg:$0x5];
	[sflag:s20] =	ssyncadd.s32 $0xFFFFC000  }
0x5f: {  	[spmem:s2] =	stream.indirect.scatter.add.f32 [tilespmem:s17], [sflag:$0x3], $0x80, s26, s16, $0xb8;
	[tilespmem:$0x1E800] =	vst v63  }
0x60: {  	_ =	swait.ge [sflag:s14], $0x4000  }
0x61: {  	[sflag:s14] =	ssyncset.done $0x0  }
0x62: {  	s1 =	simm.s32 $0x280;
	[sflag:s14] =	ssyncadd.s32 $0xFFFFC000  }
0x63: {  	[tilespmem:s17], [sflag:$0x2] =	stream.indirect.gather [hbm4b:s4+s16], $0x80, s1, s16, $0xb8;
	[tilespmem:$0x1E800] =	vst v63  }
0x64: {  	_ =	swait.ge [sflag:s19], $0x4000  }
0x65: {  	[sflag:s19] =	ssyncset.done $0x0  }
0x66: {  	s26 =	rddreg [dreg:$0x6];
	[sflag:s19] =	ssyncadd.s32 $0xFFFFC000  }
0x67: {  	[spmem:s2] =	stream.indirect.scatter.add.f32 [tilespmem:s15], [sflag:$0x3], $0x80, s26, s16, $0xb8;
	[tilespmem:$0x1E800] =	vst v63  }
0x68: {  	_ =	swait.ge [sflag:s14], $0x4000  }
0x69: {  	[sflag:s14] =	ssyncset.done $0x0  }
0x6a: {  	s1 =	simm.s32 $0x300;
	[sflag:s14] =	ssyncadd.s32 $0xFFFFC000  }
0x6b: {  	[tilespmem:s15], [sflag:$0x1] =	stream.indirect.gather [hbm4b:s4+s16], $0x80, s1, s16, $0xb8;
	[tilespmem:$0x1E800] =	vst v63  }
0x6c: {  	_ =	swait.ge [sflag:s20], $0x4000  }
0x6d: {  	[sflag:s20] =	ssyncset.done $0x0  }
0x6e: {  	[sflag:s20] =	ssyncadd.s32 $0xFFFFC000  }
0x6f: {  	[spmem:s2] =	stream.indirect.scatter.add.f32 [tilespmem:s17], [sflag:$0x3], $0x80, s21, s16, $0xb8;
	[tilespmem:$0x1E800] =	vst v63  }
0x70: {  	_ =	swait.ge [sflag:s14], $0x4000  }
0x71: {  	[sflag:s14] =	ssyncset.done $0x0  }
0x72: {  	s26 =	simm.s32 $0x380;
	[sflag:s14] =	ssyncadd.s32 $0xFFFFC000  }
0x73: {  	[tilespmem:s17], [sflag:$0x2] =	stream.indirect.gather [hbm4b:s4+s16], $0x80, s26, s16, $0xb8;
	[tilespmem:$0x1E800] =	vst v63  }
0x74: {  	_ =	swait.ge [sflag:s19], $0x4000  }
0x75: {  	[sflag:s19] =	ssyncset.done $0x0  }
0x76: {  	[sflag:s19] =	ssyncadd.s32 $0xFFFFC000  }
0x77: {  	[spmem:s2] =	stream.indirect.scatter.add.f32 [tilespmem:s15], [sflag:$0x3], $0x80, s22, s16, $0xb8;
	[tilespmem:$0x1E800] =	vst v63  }
0x78: {  	p0 =	por $0x0, $0x0;
	_ =	swait.ge [sflag:s14], $0x4000  }
0x79: {  	s25 =	simm.s32 @!p0 $0x2C00;
	[sflag:s14] =	ssyncset.done $0x0  }
0x7a: {  	s28 =	simm.s32 @!p0 $0x80;
	s26 =	simm.s32 @!p0 $0x400;
	[sflag:s14] =	ssyncadd.s32 $0xFFFFC000  }
0x7b: {  	[tilespmem:s25], [sflag:$0x1] =	stream.indirect.gather @!p0 [hbm4b:s4+s28], $0x80, s26, s28, $0xb8;
	[tilespmem:$0x1E800] =	vst v63  }
0x7c: {  	_ =	swait.ge [sflag:s20], $0x4000  }
0x7d: {  	[sflag:s20] =	ssyncset.done $0x0  }
0x7e: {  	p1 =	por $0x0, $0x0;
	[sflag:s20] =	ssyncadd.s32 $0xFFFFC000  }
0x7f: {  	[spmem:s2] =	stream.indirect.scatter.add.f32 [tilespmem:s17], [sflag:$0x3], $0x80, s23, s16, $0xb8;
	[tilespmem:$0x1E800] =	vst v63  }
0x80: {  	s29 =	simm.s32 @!p1 $0x6C00;
	s30 =	simm.s32 @!p1 $0x480;
	_ =	swait.ge [sflag:s14], $0x4000  }
0x81: {  	s31 =	simm.s32 @!p1 $0x80;
	s25 =	simm.s32 $0x1000;
	[sflag:s14] =	ssyncset.done $0x0  }
0x82: {  	s26 =	sadd.s32 $0x80, s13;
	s28 =	simm.s32 $0xE;
	[sflag:s14] =	ssyncadd.s32 $0xFFFFC000  }
.LBB2_4:
0x83: {  	[tilespmem:s29], [sflag:$0x2] =	stream.indirect.gather @!p1 [hbm4b:s4+s31], $0x80, s30, s31, $0xb8;
	[tilespmem:$0x1E800] =	vst v63  }
0x84: {  	_ = 	snop  }
0x85: {  	[tilespmem:s18], [sflag:$0x3] =	stream.linear.gather [hbm4b:s26+s3], $0x400, $0x38;
	[tilespmem:$0x1E800] =	vst v63  }
0x86: {  	_ =	swait.ge [sflag:s14], $0x400  }
0x87: {  	[sflag:s14] =	ssyncset.done $0x0  }
0x88: {  	[sflag:s14] =	ssyncadd.s32 $0xFFFFFC00  }
0x89: {  	_ =	swait.ge [sflag:s19], $0x4000  }
0x8a: {  	[sflag:s19] =	ssyncset.done $0x0  }
0x8b: {  	[sflag:s19] =	ssyncadd.s32 $0xFFFFC000  }
0x8c: {  	[spmem:s2] =	stream.indirect.scatter.add.f32 [tilespmem:s15], [sflag:$0x3], $0x80, s18, s16, $0xb8;
	[tilespmem:$0x1E800] =	vst v63  }
0x8d: {  	s29 =	smov.u32 s25;
	_ =	swait.ge [sflag:s14], $0x4000  }
0x8e: {  	s30 =	sshra.s32 s29, $0x2;
	[sflag:s14] =	ssyncset.done $0x0  }
0x8f: {  	s31 =	sadd.s32 $0x100, s30;
	[sflag:s14] =	ssyncadd.s32 $0xFFFFC000  }
0x90: {  	[tilespmem:s15], [sflag:$0x1] =	stream.indirect.gather [hbm4b:s4+s16], $0x80, s31, s16, $0xb8;
	[tilespmem:$0x1E800] =	vst v63  }
0x91: {  	_ =	swait.ge [sflag:s20], $0x4000  }
0x92: {  	[sflag:s20] =	ssyncset.done $0x0  }
0x93: {  	s31 =	rddreg [dreg:$0x3];
	[sflag:s20] =	ssyncadd.s32 $0xFFFFC000  }
0x94: {  	[spmem:s2] =	stream.indirect.scatter.add.f32 [tilespmem:s17], [sflag:$0x3], $0x80, s31, s16, $0xb8;
	[tilespmem:$0x1E800] =	vst v63  }
0x95: {  	_ =	swait.ge [sflag:s14], $0x4000  }
0x96: {  	[sflag:s14] =	ssyncset.done $0x0  }
0x97: {  	s31 =	sadd.s32 $0x180, s30;
	[sflag:s14] =	ssyncadd.s32 $0xFFFFC000  }
0x98: {  	[tilespmem:s17], [sflag:$0x2] =	stream.indirect.gather [hbm4b:s4+s16], $0x80, s31, s16, $0xb8;
	[tilespmem:$0x1E800] =	vst v63  }
0x99: {  	_ =	swait.ge [sflag:s19], $0x4000  }
0x9a: {  	[sflag:s19] =	ssyncset.done $0x0  }
0x9b: {  	s31 =	rddreg [dreg:$0x4];
	[sflag:s19] =	ssyncadd.s32 $0xFFFFC000  }
0x9c: {  	[spmem:s2] =	stream.indirect.scatter.add.f32 [tilespmem:s15], [sflag:$0x3], $0x80, s31, s16, $0xb8;
	[tilespmem:$0x1E800] =	vst v63  }
0x9d: {  	_ =	swait.ge [sflag:s14], $0x4000  }
0x9e: {  	[sflag:s14] =	ssyncset.done $0x0  }
0x9f: {  	s31 =	sadd.s32 $0x200, s30;
	[sflag:s14] =	ssyncadd.s32 $0xFFFFC000  }
0xa0: {  	[tilespmem:s15], [sflag:$0x1] =	stream.indirect.gather [hbm4b:s4+s16], $0x80, s31, s16, $0xb8;
	[tilespmem:$0x1E800] =	vst v63  }
0xa1: {  	_ =	swait.ge [sflag:s20], $0x4000  }
0xa2: {  	[sflag:s20] =	ssyncset.done $0x0  }
0xa3: {  	s31 =	rddreg [dreg:$0x5];
	[sflag:s20] =	ssyncadd.s32 $0xFFFFC000  }
0xa4: {  	[spmem:s2] =	stream.indirect.scatter.add.f32 [tilespmem:s17], [sflag:$0x3], $0x80, s31, s16, $0xb8;
	[tilespmem:$0x1E800] =	vst v63  }
0xa5: {  	_ =	swait.ge [sflag:s14], $0x4000  }
0xa6: {  	[sflag:s14] =	ssyncset.done $0x0  }
0xa7: {  	s31 =	sadd.s32 $0x280, s30;
	[sflag:s14] =	ssyncadd.s32 $0xFFFFC000  }
0xa8: {  	[tilespmem:s17], [sflag:$0x2] =	stream.indirect.gather [hbm4b:s4+s16], $0x80, s31, s16, $0xb8;
	[tilespmem:$0x1E800] =	vst v63  }
0xa9: {  	_ =	swait.ge [sflag:s19], $0x4000  }
0xaa: {  	[sflag:s19] =	ssyncset.done $0x0  }
0xab: {  	s31 =	rddreg [dreg:$0x6];
	[sflag:s19] =	ssyncadd.s32 $0xFFFFC000  }
0xac: {  	[spmem:s2] =	stream.indirect.scatter.add.f32 [tilespmem:s15], [sflag:$0x3], $0x80, s31, s16, $0xb8;
	[tilespmem:$0x1E800] =	vst v63  }
0xad: {  	_ =	swait.ge [sflag:s14], $0x4000  }
0xae: {  	[sflag:s14] =	ssyncset.done $0x0  }
0xaf: {  	s31 =	sadd.s32 $0x300, s30;
	[sflag:s14] =	ssyncadd.s32 $0xFFFFC000  }
0xb0: {  	[tilespmem:s15], [sflag:$0x1] =	stream.indirect.gather [hbm4b:s4+s16], $0x80, s31, s16, $0xb8;
	[tilespmem:$0x1E800] =	vst v63  }
0xb1: {  	_ =	swait.ge [sflag:s20], $0x4000  }
0xb2: {  	[sflag:s20] =	ssyncset.done $0x0  }
0xb3: {  	[sflag:s20] =	ssyncadd.s32 $0xFFFFC000  }
0xb4: {  	[spmem:s2] =	stream.indirect.scatter.add.f32 [tilespmem:s17], [sflag:$0x3], $0x80, s21, s16, $0xb8;
	[tilespmem:$0x1E800] =	vst v63  }
0xb5: {  	_ =	swait.ge [sflag:s14], $0x4000  }
0xb6: {  	[sflag:s14] =	ssyncset.done $0x0  }
0xb7: {  	s30 =	sadd.s32 $0x380, s30;
	[sflag:s14] =	ssyncadd.s32 $0xFFFFC000  }
0xb8: {  	[tilespmem:s17], [sflag:$0x2] =	stream.indirect.gather [hbm4b:s4+s16], $0x80, s30, s16, $0xb8;
	[tilespmem:$0x1E800] =	vst v63  }
0xb9: {  	_ =	swait.ge [sflag:s19], $0x4000  }
0xba: {  	[sflag:s19] =	ssyncset.done $0x0  }
0xbb: {  	[sflag:s19] =	ssyncadd.s32 $0xFFFFC000  }
0xbc: {  	[spmem:s2] =	stream.indirect.scatter.add.f32 [tilespmem:s15], [sflag:$0x3], $0x80, s22, s16, $0xb8;
	[tilespmem:$0x1E800] =	vst v63  }
0xbd: {  	p1 =	sgt.u32 s28, $0x4D;
	_ =	swait.ge [sflag:s14], $0x4000  }
0xbe: {  	s1 =	simm.s32 @!p1 $0x80;
	s30 =	sshra.s32 @!p1 s29, $0x2;
	[sflag:s14] =	ssyncset.done $0x0  }
0xbf: {  	s31 =	simm.s32 @!p1 $0x2C00;
	s30 =	sadd.s32 @!p1 $0x400, s30;
	[sflag:s14] =	ssyncadd.s32 $0xFFFFC000  }
0xc0: {  	[tilespmem:s31], [sflag:$0x1] =	stream.indirect.gather @!p1 [hbm4b:s4+s1], $0x80, s30, s1, $0xb8;
	[tilespmem:$0x1E800] =	vst v63  }
0xc1: {  	s25 =	sadd.s32 $0x1000, s25;
	_ =	swait.ge [sflag:s20], $0x4000  }
0xc2: {  	p0 =	sne.s32 s25, $0xA000;
	[sflag:s20] =	ssyncset.done $0x0  }
.Ltmp1:
0xc3: {  	s26 =	sadd.s32 $0x80, s26;
	[sflag:s20] =	ssyncadd.s32 $0xFFFFC000;
	(pc) =	sbr.rel @p0 .LBB2_4-.Ltmp1, $4  }
0xc4: {  	[spmem:s2] =	stream.indirect.scatter.add.f32 [tilespmem:s17], [sflag:$0x3], $0x80, s23, s16, $0xb8;
	[tilespmem:$0x1E800] =	vst v63  }
0xc5: {  	p1 =	sgt.u32 s28, $0x4C;
	s28 =	sadd.s32 $0x8, s28;
	_ =	swait.ge [sflag:s14], $0x4000  }
0xc6: {  	s1 =	sshra.s32 @!p1 s29, $0x2;
	s29 =	simm.s32 @!p1 $0x6C00;
	[sflag:s14] =	ssyncset.done $0x0  }
0xc7: {  	s31 =	simm.s32 @!p1 $0x80;
	s30 =	sadd.s32 @!p1 $0x480, s1;
	[sflag:s14] =	ssyncadd.s32 $0xFFFFC000  }
0xc8: {  	[tilespmem:s29], [sflag:$0x2] =	stream.indirect.gather @!p1 [hbm4b:s4+s31], $0x80, s30, s31, $0xb8;
	[tilespmem:$0x1E800] =	vst v63  }
0xc9: {  	s24 =	sadd.s32 $0x1, s24  }
0xca: {  	s1 =	sshll.u32 s0, $0x6;
	s25 =	sshrl.u32 s6, $0x3;
	p0 =	sne.s32 s24, s12  }
.Ltmp2:
0xcb: {  	[bflag:$0x0] =	sbarrier.arrive $0xFFFF;
	s1 =	sor.u32 $0x1C03, s1;
	(pc) =	sbr.rel @p0 .LBB2_1-.Ltmp2, $4  }
0xcc: {  	[hbm:s11], [sflag:s1] =	dma.local [spmem:s25], $0x2780  }
0xcd: {  	_ =	swait.ge [sflag:s14], $0x2780  }
0xce: {  	[sflag:s14] =	ssyncset.done $0x0  }
0xcf: {  	[sflag:s14] =	ssyncadd.s32 $0xFFFFD880  }
0xd0: {  	_ =	sfence.sel $0x180000  }
0xd1: {  	[bflag:$0x0] =	sbarrier.arrive $0xFFFF  }
0xd2: {  	_ =	strace $0x90000050  }
0xd3: {  	[bflag:$0x2] =	sbarrier.arrive $0xFFFF  }
0xd4: {  	p0 =	sne.s32 s0, $0x0;
	s0 =	rddreg [dreg:$0x2]  }
0xd5: {  	s0 =	sadd.s32 @!p0 $0x100000, s0  }
0xd6: {  	[sflag:s0] =	ssyncadd.tile.s32 @!p0 $0x1;
	_ =	shalt  }
.Lfunc_end2:
_tile_overlayer_lowered:
.L_overlay_start_2:
0xd7: {  	(tag) =	ssettag $0x2  }
0xd8: {  	s0 =	rddreg [dreg:$0x0];
	s2 =	stileid.u32  }
0xd9: {  	s1 =	rddreg [dreg:$0x1];
	p0 =	sne.s32 s2, $0x0  }
0xda: {  	s3 =	rddreg [dreg:$0x2];
	[bflag:$0x3] =	sbarrier.arrive $0xFFFF;
	s2 =	simm.s32 @!p0 $0x1C03  }
0xdb: {  	[timem:s3], [sflag:s2] =	dma.local @!p0 [hbm:s0], s1  }
0xdc: {  	s0 =	simm.s32 @!p0 $0x3  }
0xdd: {  	_ =	swait.ge @!p0 [sflag:s0], s1  }
0xde: {  	s1 =	ssub.s32 @!p0 $0x0, s1;
	[sflag:s0] =	ssyncset.done @!p0 $0x0  }
0xdf: {  	[sflag:s0] =	ssyncadd.s32 @!p0 s1  }
0xe0: {  	[bflag:$0x3] =	sbarrier.arrive $0xFFFF  }
0xe1: {  	_ =	shalt  }

</sc_bundles>
